<compile_context>
chip_gen: v7x
topology: tpu7x:2x2x1
jax: 0.10.2.dev20260603
libtpu: 0.0.44.dev20260713+nightly
codegen_flags: <defaults>
</compile_context>

<pallas_src>
import functools

import jax
import jax.numpy as jnp
from jax import lax
from jax.experimental import pallas as pl
from jax.experimental.pallas import tpu as pltpu
from jax.experimental.pallas import tpu_sc as plsc

VOCAB = 7
EMBED = 4
LANES = 16

NJ = 200
NI = 16384
JT, JS = 25, 8
IT, IL = 128, 128
WA, WB = 4, 8
JPW = NJ // WA
TPW = IT // WB


@functools.lru_cache(maxsize=None)
def _make_sc_kernel():
    mesh = plsc.VectorSubcoreMesh(core_axis_name="c", subcore_axis_name="s")
    info = plsc.get_sparse_core_info()
    nc = info.num_cores

    @functools.partial(
        pl.kernel,
        mesh=mesh,
        out_type=jax.ShapeDtypeStruct((NJ, EMBED * IT, IL), jnp.float32),
        scratch_types=[
            pltpu.VMEM((32,), jnp.float32),
            pltpu.VMEM((2, TPW, IL), jnp.int32),
            pltpu.VMEM((2, EMBED * TPW, IL), jnp.float32),
            pltpu.SemaphoreType.DMA,
            pltpu.SemaphoreType.DMA,
            pltpu.SemaphoreType.DMA,
            pltpu.SemaphoreType.DMA,
        ],
        compiler_params=pltpu.CompilerParams(needs_layout_passes=False),
    )
    def k(tab_hbm, xq_hbm, out_hbm, tab_v, x_v, out_v, is0, is1, os0, os1):
        wid = lax.axis_index("s") * nc + lax.axis_index("c")
        a = wid // WB
        b = wid % WB
        ti0 = b * TPW
        pltpu.sync_copy(tab_hbm, tab_v)
        in_sems = (is0, is1)
        out_sems = (os0, os1)

        def in_copy(jj, p):
            j = a * JPW + jj
            jt = j // JS
            js = j - jt * JS
            return pltpu.make_async_copy(
                xq_hbm.at[jt, pl.ds(ti0, TPW), js, :], x_v.at[p], in_sems[p]
            )

        def out_copy(jj, p):
            j = a * JPW + jj
            return pltpu.make_async_copy(
                out_v.at[p],
                out_hbm.at[j, pl.ds(ti0 * EMBED, TPW * EMBED), :],
                out_sems[p],
            )

        def compute(p):
            @plsc.parallel_loop(0, TPW, unroll=8)
            def t_body(t):
                for v in range(IL // LANES):
                    xv = x_v[p, t, pl.ds(v * LANES, LANES)]
                    i4 = xv * EMBED
                    for c in range(EMBED):
                        vals = plsc.load_gather(tab_v, [i4 + c])
                        out_v[p, t * EMBED + c, pl.ds(v * LANES, LANES)] = vals

        in_copy(0, 0).start()

        def g_body(g, carry):
            for p in (0, 1):
                jj = g * 2 + p

                @pl.when(jj + 1 < JPW)
                def _():
                    in_copy(jj + 1, 1 - p).start()

                in_copy(jj, p).wait()

                @pl.when(jj >= 2)
                def _():
                    out_copy(jj - 2, p).wait()

                compute(p)
                out_copy(jj, p).start()
            return carry

        lax.fori_loop(0, JPW // 2, g_body, 0)
        out_copy(JPW - 2, 0).wait()
        out_copy(JPW - 1, 1).wait()

    return k


def kernel(x, table):
    xq = x.T.reshape(JT, JS, IT, IL).transpose(0, 2, 1, 3)
    tab_flat = jnp.pad(table.reshape(-1), (0, 32 - VOCAB * EMBED))
    po = _make_sc_kernel()(tab_flat, xq)
    out = po.reshape(NJ, IT, EMBED, IL).transpose(1, 3, 0, 2).reshape(NI, NJ, EMBED)
    return out

# --- scband reference (transcript-rebuilt; emitter-appended) ---
"""Pipeline reference for scband-day-embedding-54597624266984 (READ-ONLY COPY).

The authoritative reference and input builder live on the scoring server;
editing this copy changes nothing except your own understanding.
"""

import jax, jax.numpy as jnp
import numpy as np

VOCAB = 7
EMBED = 4

def setup_inputs(seed: int = 0) -> dict:
    key = jax.random.key(seed)
    k1, k2 = jax.random.split(key)
    x = jax.random.randint(k1, (16384, 200), 0, VOCAB, dtype=jnp.int64) if jax.config.jax_enable_x64 else jax.random.randint(k1, (16384, 200), 0, VOCAB, dtype=jnp.int32)
    table = jax.random.normal(k2, (VOCAB, EMBED), dtype=jnp.float32)
    return {"x": x, "table": table}

def reference(x, table):
    # torch.nn.Embedding lookup: gather rows of table by index
    return jnp.take(table, x, axis=0)

if __name__ == "__main__":
    import jax
    _d = setup_inputs()
    print(jax.jit(kernel)(*tuple(_d.values())))

</pallas_src>

<mosaic_0001>
#map = affine_map<(d0, d1) -> (0)>
#map1 = affine_map<(d0, d1) -> (0, 0, 0, 0)>
#map2 = affine_map<(d0, d1) -> (0, 0, 0)>
module attributes {stable_mosaic.version = 14 : i64} {
  func.func @k(%arg0: i32, %arg1: i32, %arg2: memref<32xf32, #tpu.memory_space<hbm>>, %arg3: memref<25x128x8x128xi32, #tpu.memory_space<hbm>>, %arg4: memref<200x512x128xf32, #tpu.memory_space<hbm>>, %arg5: memref<32xf32, #tpu.memory_space<vmem>>, %arg6: memref<2x16x128xi32, #tpu.memory_space<vmem>>, %arg7: memref<2x64x128xf32, #tpu.memory_space<vmem>>, %arg8: memref<!tpu.dma_semaphore, #tpu.memory_space<semaphore_mem>>, %arg9: memref<!tpu.dma_semaphore, #tpu.memory_space<semaphore_mem>>, %arg10: memref<!tpu.dma_semaphore, #tpu.memory_space<semaphore_mem>>, %arg11: memref<!tpu.dma_semaphore, #tpu.memory_space<semaphore_mem>>) attributes {dimension_semantics = [#tpu.dimension_semantics<core_parallel>, #tpu.dimension_semantics<subcore_parallel>], iteration_bounds = array<i64: 2, 16>, scalar_prefetch = 0 : i64, scratch_operands = 7 : i64, tpu.core_type = #tpu.core_type<sc_vector_subcore>, window_params = [{transform_indices = #map}, {transform_indices = #map1}, {transform_indices = #map2}]} {
    %mul3A = arith.constant 2 : i32
    %mul3A_0 = arith.muli %arg1, %mul3A : i32
    %add3A = arith.addi %mul3A_0, %arg0 : i32
    %jit3A = arith.constant 8 : i32
    %div3A = arith.divsi %add3A, %jit3A : i32
    %sign3A = arith.constant 0 : i32
    %sign3A_1 = arith.cmpi sgt, %add3A, %sign3A : i32
    %sign3A_2 = arith.extui %sign3A_1 : i1 to i32
    %sign3A_3 = arith.constant 0 : i32
    %sign3A_4 = arith.cmpi slt, %add3A, %sign3A_3 : i32
    %sign3A_5 = arith.extui %sign3A_4 : i1 to i32
    %sign3A_6 = arith.subi %sign3A_2, %sign3A_5 : i32
    %sign3A_7 = arith.constant 0 : i32
    %sign3A_8 = arith.cmpi sgt, %jit3A, %sign3A_7 : i32
    %sign3A_9 = arith.extui %sign3A_8 : i1 to i32
    %sign3A_10 = arith.constant 0 : i32
    %sign3A_11 = arith.cmpi slt, %jit3A, %sign3A_10 : i32
    %sign3A_12 = arith.extui %sign3A_11 : i1 to i32
    %sign3A_13 = arith.subi %sign3A_9, %sign3A_12 : i32
    %ne3A = arith.cmpi ne, %sign3A_6, %sign3A_13 : i32
    %rem3A = arith.remsi %add3A, %jit3A : i32
    %ne3A_14 = arith.constant 0 : i32
    %ne3A_15 = arith.cmpi ne, %rem3A, %ne3A_14 : i32
    %and3A = arith.andi %ne3A, %ne3A_15 : i1
    %sub3A = arith.constant 1 : i32
    %sub3A_16 = arith.subi %div3A, %sub3A : i32
    %select_n3A = arith.select %and3A, %sub3A_16, %div3A : i32
    %jit3A_17 = arith.constant 8 : i32
    %eq3A = arith.constant 0 : i32
    %eq3A_18 = arith.cmpi eq, %jit3A_17, %eq3A : i32
    %jit3A_19 = arith.constant 1 : i32
    %select_n3A_20 = arith.select %eq3A_18, %jit3A_19, %jit3A_17 : i32
    %rem3A_21 = arith.remsi %add3A, %select_n3A_20 : i32
    %ne3A_22 = arith.constant 0 : i32
    %ne3A_23 = arith.cmpi ne, %rem3A_21, %ne3A_22 : i32
    %lt3A = arith.constant 0 : i32
    %lt3A_24 = arith.cmpi slt, %rem3A_21, %lt3A : i32
    %lt3A_25 = arith.constant 0 : i32
    %lt3A_26 = arith.cmpi slt, %select_n3A_20, %lt3A_25 : i32
    %ne3A_27 = arith.xori %lt3A_24, %lt3A_26 : i1
    %and3A_28 = arith.andi %ne3A_27, %ne3A_23 : i1
    %add3A_29 = arith.addi %rem3A_21, %select_n3A_20 : i32
    %select_n3A_30 = arith.select %and3A_28, %add3A_29, %rem3A_21 : i32
    %mul3A_31 = arith.constant 16 : i32
    %mul3A_32 = arith.muli %select_n3A_30, %mul3A_31 : i32
    "tpu.region"() ({
      %run_scoped3A = tpu.sem_alloc : memref<!tpu.dma_semaphore, #tpu.memory_space<semaphore_mem>>
      tpu.enqueue_dma source(%arg2 : memref<32xf32, #tpu.memory_space<hbm>>) target(%arg5 : memref<32xf32, #tpu.memory_space<vmem>>) target_semaphore(%run_scoped3A : memref<!tpu.dma_semaphore, #tpu.memory_space<semaphore_mem>>)
      tpu.wait_dma2 semaphore(%run_scoped3A : memref<!tpu.dma_semaphore, #tpu.memory_space<semaphore_mem>>) src(%arg2 : memref<32xf32, #tpu.memory_space<hbm>>) dst(%arg5 : memref<32xf32, #tpu.memory_space<vmem>>)
      tpu.yield
    }) : () -> ()
    %mul3A_33 = arith.constant 50 : i32
    %mul3A_34 = arith.muli %select_n3A, %mul3A_33 : i32
    %add3A_35 = arith.constant 0 : i32
    %add3A_36 = arith.addi %mul3A_34, %add3A_35 : i32
    %jit3A_37 = arith.constant 8 : i32
    %div3A_38 = arith.divsi %add3A_36, %jit3A_37 : i32
    %sign3A_39 = arith.constant 0 : i32
    %sign3A_40 = arith.cmpi sgt, %add3A_36, %sign3A_39 : i32
    %sign3A_41 = arith.extui %sign3A_40 : i1 to i32
    %sign3A_42 = arith.constant 0 : i32
    %sign3A_43 = arith.cmpi slt, %add3A_36, %sign3A_42 : i32
    %sign3A_44 = arith.extui %sign3A_43 : i1 to i32
    %sign3A_45 = arith.subi %sign3A_41, %sign3A_44 : i32
    %sign3A_46 = arith.constant 0 : i32
    %sign3A_47 = arith.cmpi sgt, %jit3A_37, %sign3A_46 : i32
    %sign3A_48 = arith.extui %sign3A_47 : i1 to i32
    %sign3A_49 = arith.constant 0 : i32
    %sign3A_50 = arith.cmpi slt, %jit3A_37, %sign3A_49 : i32
    %sign3A_51 = arith.extui %sign3A_50 : i1 to i32
    %sign3A_52 = arith.subi %sign3A_48, %sign3A_51 : i32
    %ne3A_53 = arith.cmpi ne, %sign3A_45, %sign3A_52 : i32
    %rem3A_54 = arith.remsi %add3A_36, %jit3A_37 : i32
    %ne3A_55 = arith.constant 0 : i32
    %ne3A_56 = arith.cmpi ne, %rem3A_54, %ne3A_55 : i32
    %and3A_57 = arith.andi %ne3A_53, %ne3A_56 : i1
    %sub3A_58 = arith.constant 1 : i32
    %sub3A_59 = arith.subi %div3A_38, %sub3A_58 : i32
    %select_n3A_60 = arith.select %and3A_57, %sub3A_59, %div3A_38 : i32
    %mul3A_61 = arith.constant 8 : i32
    %mul3A_62 = arith.muli %select_n3A_60, %mul3A_61 : i32
    %sub3A_63 = arith.subi %add3A_36, %mul3A_62 : i32
    %dma_start3A = arith.constant 0 : i32
    %dma_start3A_64 = arith.constant 0 : i32
    %dma_start3A_65 = arith.constant 0 : i32
    %dma_start3A_66 = tpu.memref_slice %arg6[%dma_start3A, %dma_start3A_64, %dma_start3A_65] : memref<2x16x128xi32, #tpu.memory_space<vmem>> -> memref<1x16x128xi32, #tpu.memory_space<vmem>>
    %dma_start3A_67 = tpu.memref_squeeze %dma_start3A_66 : memref<1x16x128xi32, #tpu.memory_space<vmem>> -> memref<16x128xi32, #tpu.memory_space<vmem>>
    %dma_start3A_68 = arith.constant 0 : i32
    %dma_start3A_69 = tpu.memref_slice %arg3[%select_n3A_60, %mul3A_32, %sub3A_63, %dma_start3A_68] : memref<25x128x8x128xi32, #tpu.memory_space<hbm>> -> memref<1x16x1x128xi32, #tpu.memory_space<hbm>>
    %dma_start3A_70 = tpu.memref_squeeze %dma_start3A_69 : memref<1x16x1x128xi32, #tpu.memory_space<hbm>> -> memref<16x128xi32, #tpu.memory_space<hbm>>
    %dma_start3A_71 = arith.constant 0 : i32
    %dma_start3A_72 = arith.constant 0 : i32
    %dma_start3A_73 = tpu.memref_slice %arg6[%dma_start3A, %dma_start3A_71, %dma_start3A_72] : memref<2x16x128xi32, #tpu.memory_space<vmem>> -> memref<1x16x128xi32, #tpu.memory_space<vmem>>
    %dma_start3A_74 = tpu.memref_squeeze %dma_start3A_73 : memref<1x16x128xi32, #tpu.memory_space<vmem>> -> memref<16x128xi32, #tpu.memory_space<vmem>>
    %dma_start3A_75 = arith.constant 0 : i32
    %dma_start3A_76 = tpu.memref_slice %arg3[%select_n3A_60, %mul3A_32, %sub3A_63, %dma_start3A_75] : memref<25x128x8x128xi32, #tpu.memory_space<hbm>> -> memref<1x16x1x128xi32, #tpu.memory_space<hbm>>
    %dma_start3A_77 = tpu.memref_squeeze %dma_start3A_76 : memref<1x16x1x128xi32, #tpu.memory_space<hbm>> -> memref<16x128xi32, #tpu.memory_space<hbm>>
    tpu.enqueue_dma source(%dma_start3A_77 : memref<16x128xi32, #tpu.memory_space<hbm>>) target(%dma_start3A_74 : memref<16x128xi32, #tpu.memory_space<vmem>>) target_semaphore(%arg8 : memref<!tpu.dma_semaphore, #tpu.memory_space<semaphore_mem>>)
    %scan3A = arith.constant 0 : i32
    %scan3A_78 = arith.constant 0 : i32
    %scan3A_79 = arith.constant 25 : i32
    %scan3A_80 = arith.addi %scan3A_78, %scan3A_79 : i32
    %scan3A_81 = arith.constant 1 : i32
    scf.for %scan3A_124 = %scan3A_78 to %scan3A_80 step %scan3A_81  : i32 {
      %mul3A_125 = arith.constant 2 : i32
      %mul3A_126 = arith.muli %scan3A_124, %mul3A_125 : i32
      %add3A_127 = arith.constant 0 : i32
      %add3A_128 = arith.addi %mul3A_126, %add3A_127 : i32
      %add3A_129 = arith.constant 1 : i32
      %add3A_130 = arith.addi %add3A_128, %add3A_129 : i32
      %lt3A_131 = arith.constant 50 : i32
      %lt3A_132 = arith.cmpi slt, %add3A_130, %lt3A_131 : i32
      %convert_element_type3A = arith.extui %lt3A_132 : i1 to i32
      %cond3A = arith.constant 0 : i32
      %cond3A_133 = arith.cmpi ne, %convert_element_type3A, %cond3A : i32
      scf.if %cond3A_133 {
        %add3A_289 = arith.constant 1 : i32
        %add3A_290 = arith.addi %add3A_128, %add3A_289 : i32
        %mul3A_291 = arith.constant 50 : i32
        %mul3A_292 = arith.muli %select_n3A, %mul3A_291 : i32
        %add3A_293 = arith.addi %mul3A_292, %add3A_290 : i32
        %jit3A_294 = arith.constant 8 : i32
        %div3A_295 = arith.divsi %add3A_293, %jit3A_294 : i32
        %sign3A_296 = arith.constant 0 : i32
        %sign3A_297 = arith.cmpi sgt, %add3A_293, %sign3A_296 : i32
        %sign3A_298 = arith.extui %sign3A_297 : i1 to i32
        %sign3A_299 = arith.constant 0 : i32
        %sign3A_300 = arith.cmpi slt, %add3A_293, %sign3A_299 : i32
        %sign3A_301 = arith.extui %sign3A_300 : i1 to i32
        %sign3A_302 = arith.subi %sign3A_298, %sign3A_301 : i32
        %sign3A_303 = arith.constant 0 : i32
        %sign3A_304 = arith.cmpi sgt, %jit3A_294, %sign3A_303 : i32
        %sign3A_305 = arith.extui %sign3A_304 : i1 to i32
        %sign3A_306 = arith.constant 0 : i32
        %sign3A_307 = arith.cmpi slt, %jit3A_294, %sign3A_306 : i32
        %sign3A_308 = arith.extui %sign3A_307 : i1 to i32
        %sign3A_309 = arith.subi %sign3A_305, %sign3A_308 : i32
        %ne3A_310 = arith.cmpi ne, %sign3A_302, %sign3A_309 : i32
        %rem3A_311 = arith.remsi %add3A_293, %jit3A_294 : i32
        %ne3A_312 = arith.constant 0 : i32
        %ne3A_313 = arith.cmpi ne, %rem3A_311, %ne3A_312 : i32
        %and3A_314 = arith.andi %ne3A_310, %ne3A_313 : i1
        %sub3A_315 = arith.constant 1 : i32
        %sub3A_316 = arith.subi %div3A_295, %sub3A_315 : i32
        %select_n3A_317 = arith.select %and3A_314, %sub3A_316, %div3A_295 : i32
        %mul3A_318 = arith.constant 8 : i32
        %mul3A_319 = arith.muli %select_n3A_317, %mul3A_318 : i32
        %sub3A_320 = arith.subi %add3A_293, %mul3A_319 : i32
        %dma_start3A_321 = arith.constant 1 : i32
        %dma_start3A_322 = arith.constant 0 : i32
        %dma_start3A_323 = arith.constant 0 : i32
        %dma_start3A_324 = tpu.memref_slice %arg6[%dma_start3A_321, %dma_start3A_322, %dma_start3A_323] : memref<2x16x128xi32, #tpu.memory_space<vmem>> -> memref<1x16x128xi32, #tpu.memory_space<vmem>>
        %dma_start3A_325 = tpu.memref_squeeze %dma_start3A_324 : memref<1x16x128xi32, #tpu.memory_space<vmem>> -> memref<16x128xi32, #tpu.memory_space<vmem>>
        %dma_start3A_326 = arith.constant 0 : i32
        %dma_start3A_327 = tpu.memref_slice %arg3[%select_n3A_317, %mul3A_32, %sub3A_320, %dma_start3A_326] : memref<25x128x8x128xi32, #tpu.memory_space<hbm>> -> memref<1x16x1x128xi32, #tpu.memory_space<hbm>>
        %dma_start3A_328 = tpu.memref_squeeze %dma_start3A_327 : memref<1x16x1x128xi32, #tpu.memory_space<hbm>> -> memref<16x128xi32, #tpu.memory_space<hbm>>
        %dma_start3A_329 = arith.constant 0 : i32
        %dma_start3A_330 = arith.constant 0 : i32
        %dma_start3A_331 = tpu.memref_slice %arg6[%dma_start3A_321, %dma_start3A_329, %dma_start3A_330] : memref<2x16x128xi32, #tpu.memory_space<vmem>> -> memref<1x16x128xi32, #tpu.memory_space<vmem>>
        %dma_start3A_332 = tpu.memref_squeeze %dma_start3A_331 : memref<1x16x128xi32, #tpu.memory_space<vmem>> -> memref<16x128xi32, #tpu.memory_space<vmem>>
        %dma_start3A_333 = arith.constant 0 : i32
        %dma_start3A_334 = tpu.memref_slice %arg3[%select_n3A_317, %mul3A_32, %sub3A_320, %dma_start3A_333] : memref<25x128x8x128xi32, #tpu.memory_space<hbm>> -> memref<1x16x1x128xi32, #tpu.memory_space<hbm>>
        %dma_start3A_335 = tpu.memref_squeeze %dma_start3A_334 : memref<1x16x1x128xi32, #tpu.memory_space<hbm>> -> memref<16x128xi32, #tpu.memory_space<hbm>>
        tpu.enqueue_dma source(%dma_start3A_335 : memref<16x128xi32, #tpu.memory_space<hbm>>) target(%dma_start3A_332 : memref<16x128xi32, #tpu.memory_space<vmem>>) target_semaphore(%arg9 : memref<!tpu.dma_semaphore, #tpu.memory_space<semaphore_mem>>)
      } else {
      }
      %mul3A_134 = arith.constant 50 : i32
      %mul3A_135 = arith.muli %select_n3A, %mul3A_134 : i32
      %add3A_136 = arith.addi %mul3A_135, %add3A_128 : i32
      %jit3A_137 = arith.constant 8 : i32
      %div3A_138 = arith.divsi %add3A_136, %jit3A_137 : i32
      %sign3A_139 = arith.constant 0 : i32
      %sign3A_140 = arith.cmpi sgt, %add3A_136, %sign3A_139 : i32
      %sign3A_141 = arith.extui %sign3A_140 : i1 to i32
      %sign3A_142 = arith.constant 0 : i32
      %sign3A_143 = arith.cmpi slt, %add3A_136, %sign3A_142 : i32
      %sign3A_144 = arith.extui %sign3A_143 : i1 to i32
      %sign3A_145 = arith.subi %sign3A_141, %sign3A_144 : i32
      %sign3A_146 = arith.constant 0 : i32
      %sign3A_147 = arith.cmpi sgt, %jit3A_137, %sign3A_146 : i32
      %sign3A_148 = arith.extui %sign3A_147 : i1 to i32
      %sign3A_149 = arith.constant 0 : i32
      %sign3A_150 = arith.cmpi slt, %jit3A_137, %sign3A_149 : i32
      %sign3A_151 = arith.extui %sign3A_150 : i1 to i32
      %sign3A_152 = arith.subi %sign3A_148, %sign3A_151 : i32
      %ne3A_153 = arith.cmpi ne, %sign3A_145, %sign3A_152 : i32
      %rem3A_154 = arith.remsi %add3A_136, %jit3A_137 : i32
      %ne3A_155 = arith.constant 0 : i32
      %ne3A_156 = arith.cmpi ne, %rem3A_154, %ne3A_155 : i32
      %and3A_157 = arith.andi %ne3A_153, %ne3A_156 : i1
      %sub3A_158 = arith.constant 1 : i32
      %sub3A_159 = arith.subi %div3A_138, %sub3A_158 : i32
      %select_n3A_160 = arith.select %and3A_157, %sub3A_159, %div3A_138 : i32
      %mul3A_161 = arith.constant 8 : i32
      %mul3A_162 = arith.muli %select_n3A_160, %mul3A_161 : i32
      %sub3A_163 = arith.subi %add3A_136, %mul3A_162 : i32
      %dma_wait3A_164 = arith.constant 0 : i32
      %dma_wait3A_165 = arith.constant 0 : i32
      %dma_wait3A_166 = arith.constant 0 : i32
      %dma_wait3A_167 = tpu.memref_slice %arg6[%dma_wait3A_164, %dma_wait3A_165, %dma_wait3A_166] : memref<2x16x128xi32, #tpu.memory_space<vmem>> -> memref<1x16x128xi32, #tpu.memory_space<vmem>>
      %dma_wait3A_168 = tpu.memref_squeeze %dma_wait3A_167 : memref<1x16x128xi32, #tpu.memory_space<vmem>> -> memref<16x128xi32, #tpu.memory_space<vmem>>
      %dma_wait3A_169 = arith.constant 0 : i32
      %dma_wait3A_170 = tpu.memref_slice %arg3[%select_n3A_160, %mul3A_32, %sub3A_163, %dma_wait3A_169] : memref<25x128x8x128xi32, #tpu.memory_space<hbm>> -> memref<1x16x1x128xi32, #tpu.memory_space<hbm>>
      %dma_wait3A_171 = tpu.memref_squeeze %dma_wait3A_170 : memref<1x16x1x128xi32, #tpu.memory_space<hbm>> -> memref<16x128xi32, #tpu.memory_space<hbm>>
      %dma_wait3A_172 = arith.constant 0 : i32
      %dma_wait3A_173 = arith.constant 0 : i32
      %dma_wait3A_174 = tpu.memref_slice %arg6[%dma_wait3A_164, %dma_wait3A_172, %dma_wait3A_173] : memref<2x16x128xi32, #tpu.memory_space<vmem>> -> memref<1x16x128xi32, #tpu.memory_space<vmem>>
      %dma_wait3A_175 = tpu.memref_squeeze %dma_wait3A_174 : memref<1x16x128xi32, #tpu.memory_space<vmem>> -> memref<16x128xi32, #tpu.memory_space<vmem>>
      %dma_wait3A_176 = arith.constant 0 : i32
      %dma_wait3A_177 = tpu.memref_slice %arg3[%select_n3A_160, %mul3A_32, %sub3A_163, %dma_wait3A_176] : memref<25x128x8x128xi32, #tpu.memory_space<hbm>> -> memref<1x16x1x128xi32, #tpu.memory_space<hbm>>
      %dma_wait3A_178 = tpu.memref_squeeze %dma_wait3A_177 : memref<1x16x1x128xi32, #tpu.memory_space<hbm>> -> memref<16x128xi32, #tpu.memory_space<hbm>>
      tpu.wait_dma2 semaphore(%arg8 : memref<!tpu.dma_semaphore, #tpu.memory_space<semaphore_mem>>) src(%dma_wait3A_178 : memref<16x128xi32, #tpu.memory_space<hbm>>) dst(%dma_wait3A_175 : memref<16x128xi32, #tpu.memory_space<vmem>>)
      %ge3A = arith.constant 2 : i32
      %ge3A_179 = arith.cmpi sge, %add3A_128, %ge3A : i32
      %convert_element_type3A_180 = arith.extui %ge3A_179 : i1 to i32
      %cond3A_181 = arith.constant 0 : i32
      %cond3A_182 = arith.cmpi ne, %convert_element_type3A_180, %cond3A_181 : i32
      scf.if %cond3A_182 {
        %sub3A_289 = arith.constant 2 : i32
        %sub3A_290 = arith.subi %add3A_128, %sub3A_289 : i32
        %mul3A_291 = arith.constant 50 : i32
        %mul3A_292 = arith.muli %select_n3A, %mul3A_291 : i32
        %add3A_293 = arith.addi %mul3A_292, %sub3A_290 : i32
        %mul3A_294 = arith.constant 4 : i32
        %mul3A_295 = arith.muli %mul3A_32, %mul3A_294 : i32
        %dma_wait3A_296 = arith.constant 0 : i32
        %dma_wait3A_297 = arith.constant 0 : i32
        %dma_wait3A_298 = arith.constant 0 : i32
        %dma_wait3A_299 = tpu.memref_slice %arg7[%dma_wait3A_296, %dma_wait3A_297, %dma_wait3A_298] : memref<2x64x128xf32, #tpu.memory_space<vmem>> -> memref<1x64x128xf32, #tpu.memory_space<vmem>>
        %dma_wait3A_300 = tpu.memref_squeeze %dma_wait3A_299 : memref<1x64x128xf32, #tpu.memory_space<vmem>> -> memref<64x128xf32, #tpu.memory_space<vmem>>
        %dma_wait3A_301 = arith.constant 0 : i32
        %dma_wait3A_302 = tpu.memref_slice %arg4[%add3A_293, %mul3A_295, %dma_wait3A_301] : memref<200x512x128xf32, #tpu.memory_space<hbm>> -> memref<1x64x128xf32, #tpu.memory_space<hbm>>
        %dma_wait3A_303 = tpu.memref_squeeze %dma_wait3A_302 : memref<1x64x128xf32, #tpu.memory_space<hbm>> -> memref<64x128xf32, #tpu.memory_space<hbm>>
        %dma_wait3A_304 = arith.constant 0 : i32
        %dma_wait3A_305 = tpu.memref_slice %arg4[%add3A_293, %mul3A_295, %dma_wait3A_304] : memref<200x512x128xf32, #tpu.memory_space<hbm>> -> memref<1x64x128xf32, #tpu.memory_space<hbm>>
        %dma_wait3A_306 = tpu.memref_squeeze %dma_wait3A_305 : memref<1x64x128xf32, #tpu.memory_space<hbm>> -> memref<64x128xf32, #tpu.memory_space<hbm>>
        %dma_wait3A_307 = arith.constant 0 : i32
        %dma_wait3A_308 = arith.constant 0 : i32
        %dma_wait3A_309 = tpu.memref_slice %arg7[%dma_wait3A_296, %dma_wait3A_307, %dma_wait3A_308] : memref<2x64x128xf32, #tpu.memory_space<vmem>> -> memref<1x64x128xf32, #tpu.memory_space<vmem>>
        %dma_wait3A_310 = tpu.memref_squeeze %dma_wait3A_309 : memref<1x64x128xf32, #tpu.memory_space<vmem>> -> memref<64x128xf32, #tpu.memory_space<vmem>>
        tpu.wait_dma2 semaphore(%arg10 : memref<!tpu.dma_semaphore, #tpu.memory_space<semaphore_mem>>) src(%dma_wait3A_310 : memref<64x128xf32, #tpu.memory_space<vmem>>) dst(%dma_wait3A_306 : memref<64x128xf32, #tpu.memory_space<hbm>>)
      } else {
      }
      %parallel_loop3A = arith.constant 0 : i32
      %parallel_loop3A_183 = arith.constant 16 : i32
      %parallel_loop3A_184 = arith.constant 1 : i32
      scf.for %parallel_loop3A_289 = %parallel_loop3A to %parallel_loop3A_183 step %parallel_loop3A_184  : i32 {
        %parallel_loop3A_290 = arith.constant 0 : i32
        %parallel_loop3A_291 = arith.index_cast %parallel_loop3A_290 : i32 to index
        %parallel_loop3A_292 = arith.index_cast %parallel_loop3A_289 : i32 to index
        %parallel_loop3A_293 = arith.constant 0 : index
        %parallel_loop3A_294 = tpu.vector_load %arg6[%parallel_loop3A_291, %parallel_loop3A_292, %parallel_loop3A_293] {strides = array<i32>} : memref<2x16x128xi32, #tpu.memory_space<vmem>>, vector<16xi32>,
        %parallel_loop3A_295 = arith.constant 4 : i32
        %parallel_loop3A_296 = vector.broadcast %parallel_loop3A_295 : i32 to vector<16xi32>
        %parallel_loop3A_297 = arith.muli %parallel_loop3A_294, %parallel_loop3A_296 : vector<16xi32>
        %parallel_loop3A_298 = arith.constant 0 : i32
        %parallel_loop3A_299 = vector.broadcast %parallel_loop3A_298 : i32 to vector<16xi32>
        %parallel_loop3A_300 = arith.addi %parallel_loop3A_297, %parallel_loop3A_299 : vector<16xi32>
        %parallel_loop3A_301 = tpu.vector_load_idx %arg5[%parallel_loop3A_300] : memref<32xf32, #tpu.memory_space<vmem>>[vector<16xi32>], vector<16xf32>,
        %parallel_loop3A_302 = arith.constant 4 : i32
        %parallel_loop3A_303 = arith.muli %parallel_loop3A_289, %parallel_loop3A_302 : i32
        %parallel_loop3A_304 = arith.constant 0 : i32
        %parallel_loop3A_305 = arith.addi %parallel_loop3A_303, %parallel_loop3A_304 : i32
        %parallel_loop3A_306 = arith.constant 0 : i32
        %parallel_loop3A_307 = arith.index_cast %parallel_loop3A_306 : i32 to index
        %parallel_loop3A_308 = arith.index_cast %parallel_loop3A_305 : i32 to index
        %parallel_loop3A_309 = arith.constant 0 : index
        %parallel_loop3A_310 = tpu.vector_load %arg7[%parallel_loop3A_307, %parallel_loop3A_308, %parallel_loop3A_309] {strides = array<i32>} : memref<2x64x128xf32, #tpu.memory_space<vmem>>, vector<16xf32>,
        tpu.vector_store %arg7[%parallel_loop3A_307, %parallel_loop3A_308, %parallel_loop3A_309], %parallel_loop3A_301 {strides = array<i32>} : memref<2x64x128xf32, #tpu.memory_space<vmem>>, vector<16xf32>,
        %parallel_loop3A_311 = arith.constant 1 : i32
        %parallel_loop3A_312 = vector.broadcast %parallel_loop3A_311 : i32 to vector<16xi32>
        %parallel_loop3A_313 = arith.addi %parallel_loop3A_297, %parallel_loop3A_312 : vector<16xi32>
        %parallel_loop3A_314 = tpu.vector_load_idx %arg5[%parallel_loop3A_313] : memref<32xf32, #tpu.memory_space<vmem>>[vector<16xi32>], vector<16xf32>,
        %parallel_loop3A_315 = arith.constant 4 : i32
        %parallel_loop3A_316 = arith.muli %parallel_loop3A_289, %parallel_loop3A_315 : i32
        %parallel_loop3A_317 = arith.constant 1 : i32
        %parallel_loop3A_318 = arith.addi %parallel_loop3A_316, %parallel_loop3A_317 : i32
        %parallel_loop3A_319 = arith.constant 0 : i32
        %parallel_loop3A_320 = arith.index_cast %parallel_loop3A_319 : i32 to index
        %parallel_loop3A_321 = arith.index_cast %parallel_loop3A_318 : i32 to index
        %parallel_loop3A_322 = arith.constant 0 : index
        %parallel_loop3A_323 = tpu.vector_load %arg7[%parallel_loop3A_320, %parallel_loop3A_321, %parallel_loop3A_322] {strides = array<i32>} : memref<2x64x128xf32, #tpu.memory_space<vmem>>, vector<16xf32>,
        tpu.vector_store %arg7[%parallel_loop3A_320, %parallel_loop3A_321, %parallel_loop3A_322], %parallel_loop3A_314 {strides = array<i32>} : memref<2x64x128xf32, #tpu.memory_space<vmem>>, vector<16xf32>,
        %parallel_loop3A_324 = arith.constant 2 : i32
        %parallel_loop3A_325 = vector.broadcast %parallel_loop3A_324 : i32 to vector<16xi32>
        %parallel_loop3A_326 = arith.addi %parallel_loop3A_297, %parallel_loop3A_325 : vector<16xi32>
        %parallel_loop3A_327 = tpu.vector_load_idx %arg5[%parallel_loop3A_326] : memref<32xf32, #tpu.memory_space<vmem>>[vector<16xi32>], vector<16xf32>,
        %parallel_loop3A_328 = arith.constant 4 : i32
        %parallel_loop3A_329 = arith.muli %parallel_loop3A_289, %parallel_loop3A_328 : i32
        %parallel_loop3A_330 = arith.constant 2 : i32
        %parallel_loop3A_331 = arith.addi %parallel_loop3A_329, %parallel_loop3A_330 : i32
        %parallel_loop3A_332 = arith.constant 0 : i32
        %parallel_loop3A_333 = arith.index_cast %parallel_loop3A_332 : i32 to index
        %parallel_loop3A_334 = arith.index_cast %parallel_loop3A_331 : i32 to index
        %parallel_loop3A_335 = arith.constant 0 : index
        %parallel_loop3A_336 = tpu.vector_load %arg7[%parallel_loop3A_333, %parallel_loop3A_334, %parallel_loop3A_335] {strides = array<i32>} : memref<2x64x128xf32, #tpu.memory_space<vmem>>, vector<16xf32>,
        tpu.vector_store %arg7[%parallel_loop3A_333, %parallel_loop3A_334, %parallel_loop3A_335], %parallel_loop3A_327 {strides = array<i32>} : memref<2x64x128xf32, #tpu.memory_space<vmem>>, vector<16xf32>,
        %parallel_loop3A_337 = arith.constant 3 : i32
        %parallel_loop3A_338 = vector.broadcast %parallel_loop3A_337 : i32 to vector<16xi32>
        %parallel_loop3A_339 = arith.addi %parallel_loop3A_297, %parallel_loop3A_338 : vector<16xi32>
        %parallel_loop3A_340 = tpu.vector_load_idx %arg5[%parallel_loop3A_339] : memref<32xf32, #tpu.memory_space<vmem>>[vector<16xi32>], vector<16xf32>,
        %parallel_loop3A_341 = arith.constant 4 : i32
        %parallel_loop3A_342 = arith.muli %parallel_loop3A_289, %parallel_loop3A_341 : i32
        %parallel_loop3A_343 = arith.constant 3 : i32
        %parallel_loop3A_344 = arith.addi %parallel_loop3A_342, %parallel_loop3A_343 : i32
        %parallel_loop3A_345 = arith.constant 0 : i32
        %parallel_loop3A_346 = arith.index_cast %parallel_loop3A_345 : i32 to index
        %parallel_loop3A_347 = arith.index_cast %parallel_loop3A_344 : i32 to index
        %parallel_loop3A_348 = arith.constant 0 : index
        %parallel_loop3A_349 = tpu.vector_load %arg7[%parallel_loop3A_346, %parallel_loop3A_347, %parallel_loop3A_348] {strides = array<i32>} : memref<2x64x128xf32, #tpu.memory_space<vmem>>, vector<16xf32>,
        tpu.vector_store %arg7[%parallel_loop3A_346, %parallel_loop3A_347, %parallel_loop3A_348], %parallel_loop3A_340 {strides = array<i32>} : memref<2x64x128xf32, #tpu.memory_space<vmem>>, vector<16xf32>,
        %parallel_loop3A_350 = arith.constant 0 : i32
        %parallel_loop3A_351 = arith.index_cast %parallel_loop3A_350 : i32 to index
        %parallel_loop3A_352 = arith.index_cast %parallel_loop3A_289 : i32 to index
        %parallel_loop3A_353 = arith.constant 16 : index
        %parallel_loop3A_354 = tpu.vector_load %arg6[%parallel_loop3A_351, %parallel_loop3A_352, %parallel_loop3A_353] {strides = array<i32>} : memref<2x16x128xi32, #tpu.memory_space<vmem>>, vector<16xi32>,
        %parallel_loop3A_355 = arith.constant 4 : i32
        %parallel_loop3A_356 = vector.broadcast %parallel_loop3A_355 : i32 to vector<16xi32>
        %parallel_loop3A_357 = arith.muli %parallel_loop3A_354, %parallel_loop3A_356 : vector<16xi32>
        %parallel_loop3A_358 = arith.constant 0 : i32
        %parallel_loop3A_359 = vector.broadcast %parallel_loop3A_358 : i32 to vector<16xi32>
        %parallel_loop3A_360 = arith.addi %parallel_loop3A_357, %parallel_loop3A_359 : vector<16xi32>
        %parallel_loop3A_361 = tpu.vector_load_idx %arg5[%parallel_loop3A_360] : memref<32xf32, #tpu.memory_space<vmem>>[vector<16xi32>], vector<16xf32>,
        %parallel_loop3A_362 = arith.constant 4 : i32
        %parallel_loop3A_363 = arith.muli %parallel_loop3A_289, %parallel_loop3A_362 : i32
        %parallel_loop3A_364 = arith.constant 0 : i32
        %parallel_loop3A_365 = arith.addi %parallel_loop3A_363, %parallel_loop3A_364 : i32
        %parallel_loop3A_366 = arith.constant 0 : i32
        %parallel_loop3A_367 = arith.index_cast %parallel_loop3A_366 : i32 to index
        %parallel_loop3A_368 = arith.index_cast %parallel_loop3A_365 : i32 to index
        %parallel_loop3A_369 = arith.constant 16 : index
        %parallel_loop3A_370 = tpu.vector_load %arg7[%parallel_loop3A_367, %parallel_loop3A_368, %parallel_loop3A_369] {strides = array<i32>} : memref<2x64x128xf32, #tpu.memory_space<vmem>>, vector<16xf32>,
        tpu.vector_store %arg7[%parallel_loop3A_367, %parallel_loop3A_368, %parallel_loop3A_369], %parallel_loop3A_361 {strides = array<i32>} : memref<2x64x128xf32, #tpu.memory_space<vmem>>, vector<16xf32>,
        %parallel_loop3A_371 = arith.constant 1 : i32
        %parallel_loop3A_372 = vector.broadcast %parallel_loop3A_371 : i32 to vector<16xi32>
        %parallel_loop3A_373 = arith.addi %parallel_loop3A_357, %parallel_loop3A_372 : vector<16xi32>
        %parallel_loop3A_374 = tpu.vector_load_idx %arg5[%parallel_loop3A_373] : memref<32xf32, #tpu.memory_space<vmem>>[vector<16xi32>], vector<16xf32>,
        %parallel_loop3A_375 = arith.constant 4 : i32
        %parallel_loop3A_376 = arith.muli %parallel_loop3A_289, %parallel_loop3A_375 : i32
        %parallel_loop3A_377 = arith.constant 1 : i32
        %parallel_loop3A_378 = arith.addi %parallel_loop3A_376, %parallel_loop3A_377 : i32
        %parallel_loop3A_379 = arith.constant 0 : i32
        %parallel_loop3A_380 = arith.index_cast %parallel_loop3A_379 : i32 to index
        %parallel_loop3A_381 = arith.index_cast %parallel_loop3A_378 : i32 to index
        %parallel_loop3A_382 = arith.constant 16 : index
        %parallel_loop3A_383 = tpu.vector_load %arg7[%parallel_loop3A_380, %parallel_loop3A_381, %parallel_loop3A_382] {strides = array<i32>} : memref<2x64x128xf32, #tpu.memory_space<vmem>>, vector<16xf32>,
        tpu.vector_store %arg7[%parallel_loop3A_380, %parallel_loop3A_381, %parallel_loop3A_382], %parallel_loop3A_374 {strides = array<i32>} : memref<2x64x128xf32, #tpu.memory_space<vmem>>, vector<16xf32>,
        %parallel_loop3A_384 = arith.constant 2 : i32
        %parallel_loop3A_385 = vector.broadcast %parallel_loop3A_384 : i32 to vector<16xi32>
        %parallel_loop3A_386 = arith.addi %parallel_loop3A_357, %parallel_loop3A_385 : vector<16xi32>
        %parallel_loop3A_387 = tpu.vector_load_idx %arg5[%parallel_loop3A_386] : memref<32xf32, #tpu.memory_space<vmem>>[vector<16xi32>], vector<16xf32>,
        %parallel_loop3A_388 = arith.constant 4 : i32
        %parallel_loop3A_389 = arith.muli %parallel_loop3A_289, %parallel_loop3A_388 : i32
        %parallel_loop3A_390 = arith.constant 2 : i32
        %parallel_loop3A_391 = arith.addi %parallel_loop3A_389, %parallel_loop3A_390 : i32
        %parallel_loop3A_392 = arith.constant 0 : i32
        %parallel_loop3A_393 = arith.index_cast %parallel_loop3A_392 : i32 to index
        %parallel_loop3A_394 = arith.index_cast %parallel_loop3A_391 : i32 to index
        %parallel_loop3A_395 = arith.constant 16 : index
        %parallel_loop3A_396 = tpu.vector_load %arg7[%parallel_loop3A_393, %parallel_loop3A_394, %parallel_loop3A_395] {strides = array<i32>} : memref<2x64x128xf32, #tpu.memory_space<vmem>>, vector<16xf32>,
        tpu.vector_store %arg7[%parallel_loop3A_393, %parallel_loop3A_394, %parallel_loop3A_395], %parallel_loop3A_387 {strides = array<i32>} : memref<2x64x128xf32, #tpu.memory_space<vmem>>, vector<16xf32>,
        %parallel_loop3A_397 = arith.constant 3 : i32
        %parallel_loop3A_398 = vector.broadcast %parallel_loop3A_397 : i32 to vector<16xi32>
        %parallel_loop3A_399 = arith.addi %parallel_loop3A_357, %parallel_loop3A_398 : vector<16xi32>
        %parallel_loop3A_400 = tpu.vector_load_idx %arg5[%parallel_loop3A_399] : memref<32xf32, #tpu.memory_space<vmem>>[vector<16xi32>], vector<16xf32>,
        %parallel_loop3A_401 = arith.constant 4 : i32
        %parallel_loop3A_402 = arith.muli %parallel_loop3A_289, %parallel_loop3A_401 : i32
        %parallel_loop3A_403 = arith.constant 3 : i32
        %parallel_loop3A_404 = arith.addi %parallel_loop3A_402, %parallel_loop3A_403 : i32
        %parallel_loop3A_405 = arith.constant 0 : i32
        %parallel_loop3A_406 = arith.index_cast %parallel_loop3A_405 : i32 to index
        %parallel_loop3A_407 = arith.index_cast %parallel_loop3A_404 : i32 to index
        %parallel_loop3A_408 = arith.constant 16 : index
        %parallel_loop3A_409 = tpu.vector_load %arg7[%parallel_loop3A_406, %parallel_loop3A_407, %parallel_loop3A_408] {strides = array<i32>} : memref<2x64x128xf32, #tpu.memory_space<vmem>>, vector<16xf32>,
        tpu.vector_store %arg7[%parallel_loop3A_406, %parallel_loop3A_407, %parallel_loop3A_408], %parallel_loop3A_400 {strides = array<i32>} : memref<2x64x128xf32, #tpu.memory_space<vmem>>, vector<16xf32>,
        %parallel_loop3A_410 = arith.constant 0 : i32
        %parallel_loop3A_411 = arith.index_cast %parallel_loop3A_410 : i32 to index
        %parallel_loop3A_412 = arith.index_cast %parallel_loop3A_289 : i32 to index
        %parallel_loop3A_413 = arith.constant 32 : index
        %parallel_loop3A_414 = tpu.vector_load %arg6[%parallel_loop3A_411, %parallel_loop3A_412, %parallel_loop3A_413] {strides = array<i32>} : memref<2x16x128xi32, #tpu.memory_space<vmem>>, vector<16xi32>,
        %parallel_loop3A_415 = arith.constant 4 : i32
        %parallel_loop3A_416 = vector.broadcast %parallel_loop3A_415 : i32 to vector<16xi32>
        %parallel_loop3A_417 = arith.muli %parallel_loop3A_414, %parallel_loop3A_416 : vector<16xi32>
        %parallel_loop3A_418 = arith.constant 0 : i32
        %parallel_loop3A_419 = vector.broadcast %parallel_loop3A_418 : i32 to vector<16xi32>
        %parallel_loop3A_420 = arith.addi %parallel_loop3A_417, %parallel_loop3A_419 : vector<16xi32>
        %parallel_loop3A_421 = tpu.vector_load_idx %arg5[%parallel_loop3A_420] : memref<32xf32, #tpu.memory_space<vmem>>[vector<16xi32>], vector<16xf32>,
        %parallel_loop3A_422 = arith.constant 4 : i32
        %parallel_loop3A_423 = arith.muli %parallel_loop3A_289, %parallel_loop3A_422 : i32
        %parallel_loop3A_424 = arith.constant 0 : i32
        %parallel_loop3A_425 = arith.addi %parallel_loop3A_423, %parallel_loop3A_424 : i32
        %parallel_loop3A_426 = arith.constant 0 : i32
        %parallel_loop3A_427 = arith.index_cast %parallel_loop3A_426 : i32 to index
        %parallel_loop3A_428 = arith.index_cast %parallel_loop3A_425 : i32 to index
        %parallel_loop3A_429 = arith.constant 32 : index
        %parallel_loop3A_430 = tpu.vector_load %arg7[%parallel_loop3A_427, %parallel_loop3A_428, %parallel_loop3A_429] {strides = array<i32>} : memref<2x64x128xf32, #tpu.memory_space<vmem>>, vector<16xf32>,
        tpu.vector_store %arg7[%parallel_loop3A_427, %parallel_loop3A_428, %parallel_loop3A_429], %parallel_loop3A_421 {strides = array<i32>} : memref<2x64x128xf32, #tpu.memory_space<vmem>>, vector<16xf32>,
        %parallel_loop3A_431 = arith.constant 1 : i32
        %parallel_loop3A_432 = vector.broadcast %parallel_loop3A_431 : i32 to vector<16xi32>
        %parallel_loop3A_433 = arith.addi %parallel_loop3A_417, %parallel_loop3A_432 : vector<16xi32>
        %parallel_loop3A_434 = tpu.vector_load_idx %arg5[%parallel_loop3A_433] : memref<32xf32, #tpu.memory_space<vmem>>[vector<16xi32>], vector<16xf32>,
        %parallel_loop3A_435 = arith.constant 4 : i32
        %parallel_loop3A_436 = arith.muli %parallel_loop3A_289, %parallel_loop3A_435 : i32
        %parallel_loop3A_437 = arith.constant 1 : i32
        %parallel_loop3A_438 = arith.addi %parallel_loop3A_436, %parallel_loop3A_437 : i32
        %parallel_loop3A_439 = arith.constant 0 : i32
        %parallel_loop3A_440 = arith.index_cast %parallel_loop3A_439 : i32 to index
        %parallel_loop3A_441 = arith.index_cast %parallel_loop3A_438 : i32 to index
        %parallel_loop3A_442 = arith.constant 32 : index
        %parallel_loop3A_443 = tpu.vector_load %arg7[%parallel_loop3A_440, %parallel_loop3A_441, %parallel_loop3A_442] {strides = array<i32>} : memref<2x64x128xf32, #tpu.memory_space<vmem>>, vector<16xf32>,
        tpu.vector_store %arg7[%parallel_loop3A_440, %parallel_loop3A_441, %parallel_loop3A_442], %parallel_loop3A_434 {strides = array<i32>} : memref<2x64x128xf32, #tpu.memory_space<vmem>>, vector<16xf32>,
        %parallel_loop3A_444 = arith.constant 2 : i32
        %parallel_loop3A_445 = vector.broadcast %parallel_loop3A_444 : i32 to vector<16xi32>
        %parallel_loop3A_446 = arith.addi %parallel_loop3A_417, %parallel_loop3A_445 : vector<16xi32>
        %parallel_loop3A_447 = tpu.vector_load_idx %arg5[%parallel_loop3A_446] : memref<32xf32, #tpu.memory_space<vmem>>[vector<16xi32>], vector<16xf32>,
        %parallel_loop3A_448 = arith.constant 4 : i32
        %parallel_loop3A_449 = arith.muli %parallel_loop3A_289, %parallel_loop3A_448 : i32
        %parallel_loop3A_450 = arith.constant 2 : i32
        %parallel_loop3A_451 = arith.addi %parallel_loop3A_449, %parallel_loop3A_450 : i32
        %parallel_loop3A_452 = arith.constant 0 : i32
        %parallel_loop3A_453 = arith.index_cast %parallel_loop3A_452 : i32 to index
        %parallel_loop3A_454 = arith.index_cast %parallel_loop3A_451 : i32 to index
        %parallel_loop3A_455 = arith.constant 32 : index
        %parallel_loop3A_456 = tpu.vector_load %arg7[%parallel_loop3A_453, %parallel_loop3A_454, %parallel_loop3A_455] {strides = array<i32>} : memref<2x64x128xf32, #tpu.memory_space<vmem>>, vector<16xf32>,
        tpu.vector_store %arg7[%parallel_loop3A_453, %parallel_loop3A_454, %parallel_loop3A_455], %parallel_loop3A_447 {strides = array<i32>} : memref<2x64x128xf32, #tpu.memory_space<vmem>>, vector<16xf32>,
        %parallel_loop3A_457 = arith.constant 3 : i32
        %parallel_loop3A_458 = vector.broadcast %parallel_loop3A_457 : i32 to vector<16xi32>
        %parallel_loop3A_459 = arith.addi %parallel_loop3A_417, %parallel_loop3A_458 : vector<16xi32>
        %parallel_loop3A_460 = tpu.vector_load_idx %arg5[%parallel_loop3A_459] : memref<32xf32, #tpu.memory_space<vmem>>[vector<16xi32>], vector<16xf32>,
        %parallel_loop3A_461 = arith.constant 4 : i32
        %parallel_loop3A_462 = arith.muli %parallel_loop3A_289, %parallel_loop3A_461 : i32
        %parallel_loop3A_463 = arith.constant 3 : i32
        %parallel_loop3A_464 = arith.addi %parallel_loop3A_462, %parallel_loop3A_463 : i32
        %parallel_loop3A_465 = arith.constant 0 : i32
        %parallel_loop3A_466 = arith.index_cast %parallel_loop3A_465 : i32 to index
        %parallel_loop3A_467 = arith.index_cast %parallel_loop3A_464 : i32 to index
        %parallel_loop3A_468 = arith.constant 32 : index
        %parallel_loop3A_469 = tpu.vector_load %arg7[%parallel_loop3A_466, %parallel_loop3A_467, %parallel_loop3A_468] {strides = array<i32>} : memref<2x64x128xf32, #tpu.memory_space<vmem>>, vector<16xf32>,
        tpu.vector_store %arg7[%parallel_loop3A_466, %parallel_loop3A_467, %parallel_loop3A_468], %parallel_loop3A_460 {strides = array<i32>} : memref<2x64x128xf32, #tpu.memory_space<vmem>>, vector<16xf32>,
        %parallel_loop3A_470 = arith.constant 0 : i32
        %parallel_loop3A_471 = arith.index_cast %parallel_loop3A_470 : i32 to index
        %parallel_loop3A_472 = arith.index_cast %parallel_loop3A_289 : i32 to index
        %parallel_loop3A_473 = arith.constant 48 : index
        %parallel_loop3A_474 = tpu.vector_load %arg6[%parallel_loop3A_471, %parallel_loop3A_472, %parallel_loop3A_473] {strides = array<i32>} : memref<2x16x128xi32, #tpu.memory_space<vmem>>, vector<16xi32>,
        %parallel_loop3A_475 = arith.constant 4 : i32
        %parallel_loop3A_476 = vector.broadcast %parallel_loop3A_475 : i32 to vector<16xi32>
        %parallel_loop3A_477 = arith.muli %parallel_loop3A_474, %parallel_loop3A_476 : vector<16xi32>
        %parallel_loop3A_478 = arith.constant 0 : i32
        %parallel_loop3A_479 = vector.broadcast %parallel_loop3A_478 : i32 to vector<16xi32>
        %parallel_loop3A_480 = arith.addi %parallel_loop3A_477, %parallel_loop3A_479 : vector<16xi32>
        %parallel_loop3A_481 = tpu.vector_load_idx %arg5[%parallel_loop3A_480] : memref<32xf32, #tpu.memory_space<vmem>>[vector<16xi32>], vector<16xf32>,
        %parallel_loop3A_482 = arith.constant 4 : i32
        %parallel_loop3A_483 = arith.muli %parallel_loop3A_289, %parallel_loop3A_482 : i32
        %parallel_loop3A_484 = arith.constant 0 : i32
        %parallel_loop3A_485 = arith.addi %parallel_loop3A_483, %parallel_loop3A_484 : i32
        %parallel_loop3A_486 = arith.constant 0 : i32
        %parallel_loop3A_487 = arith.index_cast %parallel_loop3A_486 : i32 to index
        %parallel_loop3A_488 = arith.index_cast %parallel_loop3A_485 : i32 to index
        %parallel_loop3A_489 = arith.constant 48 : index
        %parallel_loop3A_490 = tpu.vector_load %arg7[%parallel_loop3A_487, %parallel_loop3A_488, %parallel_loop3A_489] {strides = array<i32>} : memref<2x64x128xf32, #tpu.memory_space<vmem>>, vector<16xf32>,
        tpu.vector_store %arg7[%parallel_loop3A_487, %parallel_loop3A_488, %parallel_loop3A_489], %parallel_loop3A_481 {strides = array<i32>} : memref<2x64x128xf32, #tpu.memory_space<vmem>>, vector<16xf32>,
        %parallel_loop3A_491 = arith.constant 1 : i32
        %parallel_loop3A_492 = vector.broadcast %parallel_loop3A_491 : i32 to vector<16xi32>
        %parallel_loop3A_493 = arith.addi %parallel_loop3A_477, %parallel_loop3A_492 : vector<16xi32>
        %parallel_loop3A_494 = tpu.vector_load_idx %arg5[%parallel_loop3A_493] : memref<32xf32, #tpu.memory_space<vmem>>[vector<16xi32>], vector<16xf32>,
        %parallel_loop3A_495 = arith.constant 4 : i32
        %parallel_loop3A_496 = arith.muli %parallel_loop3A_289, %parallel_loop3A_495 : i32
        %parallel_loop3A_497 = arith.constant 1 : i32
        %parallel_loop3A_498 = arith.addi %parallel_loop3A_496, %parallel_loop3A_497 : i32
        %parallel_loop3A_499 = arith.constant 0 : i32
        %parallel_loop3A_500 = arith.index_cast %parallel_loop3A_499 : i32 to index
        %parallel_loop3A_501 = arith.index_cast %parallel_loop3A_498 : i32 to index
        %parallel_loop3A_502 = arith.constant 48 : index
        %parallel_loop3A_503 = tpu.vector_load %arg7[%parallel_loop3A_500, %parallel_loop3A_501, %parallel_loop3A_502] {strides = array<i32>} : memref<2x64x128xf32, #tpu.memory_space<vmem>>, vector<16xf32>,
        tpu.vector_store %arg7[%parallel_loop3A_500, %parallel_loop3A_501, %parallel_loop3A_502], %parallel_loop3A_494 {strides = array<i32>} : memref<2x64x128xf32, #tpu.memory_space<vmem>>, vector<16xf32>,
        %parallel_loop3A_504 = arith.constant 2 : i32
        %parallel_loop3A_505 = vector.broadcast %parallel_loop3A_504 : i32 to vector<16xi32>
        %parallel_loop3A_506 = arith.addi %parallel_loop3A_477, %parallel_loop3A_505 : vector<16xi32>
        %parallel_loop3A_507 = tpu.vector_load_idx %arg5[%parallel_loop3A_506] : memref<32xf32, #tpu.memory_space<vmem>>[vector<16xi32>], vector<16xf32>,
        %parallel_loop3A_508 = arith.constant 4 : i32
        %parallel_loop3A_509 = arith.muli %parallel_loop3A_289, %parallel_loop3A_508 : i32
        %parallel_loop3A_510 = arith.constant 2 : i32
        %parallel_loop3A_511 = arith.addi %parallel_loop3A_509, %parallel_loop3A_510 : i32
        %parallel_loop3A_512 = arith.constant 0 : i32
        %parallel_loop3A_513 = arith.index_cast %parallel_loop3A_512 : i32 to index
        %parallel_loop3A_514 = arith.index_cast %parallel_loop3A_511 : i32 to index
        %parallel_loop3A_515 = arith.constant 48 : index
        %parallel_loop3A_516 = tpu.vector_load %arg7[%parallel_loop3A_513, %parallel_loop3A_514, %parallel_loop3A_515] {strides = array<i32>} : memref<2x64x128xf32, #tpu.memory_space<vmem>>, vector<16xf32>,
        tpu.vector_store %arg7[%parallel_loop3A_513, %parallel_loop3A_514, %parallel_loop3A_515], %parallel_loop3A_507 {strides = array<i32>} : memref<2x64x128xf32, #tpu.memory_space<vmem>>, vector<16xf32>,
        %parallel_loop3A_517 = arith.constant 3 : i32
        %parallel_loop3A_518 = vector.broadcast %parallel_loop3A_517 : i32 to vector<16xi32>
        %parallel_loop3A_519 = arith.addi %parallel_loop3A_477, %parallel_loop3A_518 : vector<16xi32>
        %parallel_loop3A_520 = tpu.vector_load_idx %arg5[%parallel_loop3A_519] : memref<32xf32, #tpu.memory_space<vmem>>[vector<16xi32>], vector<16xf32>,
        %parallel_loop3A_521 = arith.constant 4 : i32
        %parallel_loop3A_522 = arith.muli %parallel_loop3A_289, %parallel_loop3A_521 : i32
        %parallel_loop3A_523 = arith.constant 3 : i32
        %parallel_loop3A_524 = arith.addi %parallel_loop3A_522, %parallel_loop3A_523 : i32
        %parallel_loop3A_525 = arith.constant 0 : i32
        %parallel_loop3A_526 = arith.index_cast %parallel_loop3A_525 : i32 to index
        %parallel_loop3A_527 = arith.index_cast %parallel_loop3A_524 : i32 to index
        %parallel_loop3A_528 = arith.constant 48 : index
        %parallel_loop3A_529 = tpu.vector_load %arg7[%parallel_loop3A_526, %parallel_loop3A_527, %parallel_loop3A_528] {strides = array<i32>} : memref<2x64x128xf32, #tpu.memory_space<vmem>>, vector<16xf32>,
        tpu.vector_store %arg7[%parallel_loop3A_526, %parallel_loop3A_527, %parallel_loop3A_528], %parallel_loop3A_520 {strides = array<i32>} : memref<2x64x128xf32, #tpu.memory_space<vmem>>, vector<16xf32>,
        %parallel_loop3A_530 = arith.constant 0 : i32
        %parallel_loop3A_531 = arith.index_cast %parallel_loop3A_530 : i32 to index
        %parallel_loop3A_532 = arith.index_cast %parallel_loop3A_289 : i32 to index
        %parallel_loop3A_533 = arith.constant 64 : index
        %parallel_loop3A_534 = tpu.vector_load %arg6[%parallel_loop3A_531, %parallel_loop3A_532, %parallel_loop3A_533] {strides = array<i32>} : memref<2x16x128xi32, #tpu.memory_space<vmem>>, vector<16xi32>,
        %parallel_loop3A_535 = arith.constant 4 : i32
        %parallel_loop3A_536 = vector.broadcast %parallel_loop3A_535 : i32 to vector<16xi32>
        %parallel_loop3A_537 = arith.muli %parallel_loop3A_534, %parallel_loop3A_536 : vector<16xi32>
        %parallel_loop3A_538 = arith.constant 0 : i32
        %parallel_loop3A_539 = vector.broadcast %parallel_loop3A_538 : i32 to vector<16xi32>
        %parallel_loop3A_540 = arith.addi %parallel_loop3A_537, %parallel_loop3A_539 : vector<16xi32>
        %parallel_loop3A_541 = tpu.vector_load_idx %arg5[%parallel_loop3A_540] : memref<32xf32, #tpu.memory_space<vmem>>[vector<16xi32>], vector<16xf32>,
        %parallel_loop3A_542 = arith.constant 4 : i32
        %parallel_loop3A_543 = arith.muli %parallel_loop3A_289, %parallel_loop3A_542 : i32
        %parallel_loop3A_544 = arith.constant 0 : i32
        %parallel_loop3A_545 = arith.addi %parallel_loop3A_543, %parallel_loop3A_544 : i32
        %parallel_loop3A_546 = arith.constant 0 : i32
        %parallel_loop3A_547 = arith.index_cast %parallel_loop3A_546 : i32 to index
        %parallel_loop3A_548 = arith.index_cast %parallel_loop3A_545 : i32 to index
        %parallel_loop3A_549 = arith.constant 64 : index
        %parallel_loop3A_550 = tpu.vector_load %arg7[%parallel_loop3A_547, %parallel_loop3A_548, %parallel_loop3A_549] {strides = array<i32>} : memref<2x64x128xf32, #tpu.memory_space<vmem>>, vector<16xf32>,
        tpu.vector_store %arg7[%parallel_loop3A_547, %parallel_loop3A_548, %parallel_loop3A_549], %parallel_loop3A_541 {strides = array<i32>} : memref<2x64x128xf32, #tpu.memory_space<vmem>>, vector<16xf32>,
        %parallel_loop3A_551 = arith.constant 1 : i32
        %parallel_loop3A_552 = vector.broadcast %parallel_loop3A_551 : i32 to vector<16xi32>
        %parallel_loop3A_553 = arith.addi %parallel_loop3A_537, %parallel_loop3A_552 : vector<16xi32>
        %parallel_loop3A_554 = tpu.vector_load_idx %arg5[%parallel_loop3A_553] : memref<32xf32, #tpu.memory_space<vmem>>[vector<16xi32>], vector<16xf32>,
        %parallel_loop3A_555 = arith.constant 4 : i32
        %parallel_loop3A_556 = arith.muli %parallel_loop3A_289, %parallel_loop3A_555 : i32
        %parallel_loop3A_557 = arith.constant 1 : i32
        %parallel_loop3A_558 = arith.addi %parallel_loop3A_556, %parallel_loop3A_557 : i32
        %parallel_loop3A_559 = arith.constant 0 : i32
        %parallel_loop3A_560 = arith.index_cast %parallel_loop3A_559 : i32 to index
        %parallel_loop3A_561 = arith.index_cast %parallel_loop3A_558 : i32 to index
        %parallel_loop3A_562 = arith.constant 64 : index
        %parallel_loop3A_563 = tpu.vector_load %arg7[%parallel_loop3A_560, %parallel_loop3A_561, %parallel_loop3A_562] {strides = array<i32>} : memref<2x64x128xf32, #tpu.memory_space<vmem>>, vector<16xf32>,
        tpu.vector_store %arg7[%parallel_loop3A_560, %parallel_loop3A_561, %parallel_loop3A_562], %parallel_loop3A_554 {strides = array<i32>} : memref<2x64x128xf32, #tpu.memory_space<vmem>>, vector<16xf32>,
        %parallel_loop3A_564 = arith.constant 2 : i32
        %parallel_loop3A_565 = vector.broadcast %parallel_loop3A_564 : i32 to vector<16xi32>
        %parallel_loop3A_566 = arith.addi %parallel_loop3A_537, %parallel_loop3A_565 : vector<16xi32>
        %parallel_loop3A_567 = tpu.vector_load_idx %arg5[%parallel_loop3A_566] : memref<32xf32, #tpu.memory_space<vmem>>[vector<16xi32>], vector<16xf32>,
        %parallel_loop3A_568 = arith.constant 4 : i32
        %parallel_loop3A_569 = arith.muli %parallel_loop3A_289, %parallel_loop3A_568 : i32
        %parallel_loop3A_570 = arith.constant 2 : i32
        %parallel_loop3A_571 = arith.addi %parallel_loop3A_569, %parallel_loop3A_570 : i32
        %parallel_loop3A_572 = arith.constant 0 : i32
        %parallel_loop3A_573 = arith.index_cast %parallel_loop3A_572 : i32 to index
        %parallel_loop3A_574 = arith.index_cast %parallel_loop3A_571 : i32 to index
        %parallel_loop3A_575 = arith.constant 64 : index
        %parallel_loop3A_576 = tpu.vector_load %arg7[%parallel_loop3A_573, %parallel_loop3A_574, %parallel_loop3A_575] {strides = array<i32>} : memref<2x64x128xf32, #tpu.memory_space<vmem>>, vector<16xf32>,
        tpu.vector_store %arg7[%parallel_loop3A_573, %parallel_loop3A_574, %parallel_loop3A_575], %parallel_loop3A_567 {strides = array<i32>} : memref<2x64x128xf32, #tpu.memory_space<vmem>>, vector<16xf32>,
        %parallel_loop3A_577 = arith.constant 3 : i32
        %parallel_loop3A_578 = vector.broadcast %parallel_loop3A_577 : i32 to vector<16xi32>
        %parallel_loop3A_579 = arith.addi %parallel_loop3A_537, %parallel_loop3A_578 : vector<16xi32>
        %parallel_loop3A_580 = tpu.vector_load_idx %arg5[%parallel_loop3A_579] : memref<32xf32, #tpu.memory_space<vmem>>[vector<16xi32>], vector<16xf32>,
        %parallel_loop3A_581 = arith.constant 4 : i32
        %parallel_loop3A_582 = arith.muli %parallel_loop3A_289, %parallel_loop3A_581 : i32
        %parallel_loop3A_583 = arith.constant 3 : i32
        %parallel_loop3A_584 = arith.addi %parallel_loop3A_582, %parallel_loop3A_583 : i32
        %parallel_loop3A_585 = arith.constant 0 : i32
        %parallel_loop3A_586 = arith.index_cast %parallel_loop3A_585 : i32 to index
        %parallel_loop3A_587 = arith.index_cast %parallel_loop3A_584 : i32 to index
        %parallel_loop3A_588 = arith.constant 64 : index
        %parallel_loop3A_589 = tpu.vector_load %arg7[%parallel_loop3A_586, %parallel_loop3A_587, %parallel_loop3A_588] {strides = array<i32>} : memref<2x64x128xf32, #tpu.memory_space<vmem>>, vector<16xf32>,
        tpu.vector_store %arg7[%parallel_loop3A_586, %parallel_loop3A_587, %parallel_loop3A_588], %parallel_loop3A_580 {strides = array<i32>} : memref<2x64x128xf32, #tpu.memory_space<vmem>>, vector<16xf32>,
        %parallel_loop3A_590 = arith.constant 0 : i32
        %parallel_loop3A_591 = arith.index_cast %parallel_loop3A_590 : i32 to index
        %parallel_loop3A_592 = arith.index_cast %parallel_loop3A_289 : i32 to index
        %parallel_loop3A_593 = arith.constant 80 : index
        %parallel_loop3A_594 = tpu.vector_load %arg6[%parallel_loop3A_591, %parallel_loop3A_592, %parallel_loop3A_593] {strides = array<i32>} : memref<2x16x128xi32, #tpu.memory_space<vmem>>, vector<16xi32>,
        %parallel_loop3A_595 = arith.constant 4 : i32
        %parallel_loop3A_596 = vector.broadcast %parallel_loop3A_595 : i32 to vector<16xi32>
        %parallel_loop3A_597 = arith.muli %parallel_loop3A_594, %parallel_loop3A_596 : vector<16xi32>
        %parallel_loop3A_598 = arith.constant 0 : i32
        %parallel_loop3A_599 = vector.broadcast %parallel_loop3A_598 : i32 to vector<16xi32>
        %parallel_loop3A_600 = arith.addi %parallel_loop3A_597, %parallel_loop3A_599 : vector<16xi32>
        %parallel_loop3A_601 = tpu.vector_load_idx %arg5[%parallel_loop3A_600] : memref<32xf32, #tpu.memory_space<vmem>>[vector<16xi32>], vector<16xf32>,
        %parallel_loop3A_602 = arith.constant 4 : i32
        %parallel_loop3A_603 = arith.muli %parallel_loop3A_289, %parallel_loop3A_602 : i32
        %parallel_loop3A_604 = arith.constant 0 : i32
        %parallel_loop3A_605 = arith.addi %parallel_loop3A_603, %parallel_loop3A_604 : i32
        %parallel_loop3A_606 = arith.constant 0 : i32
        %parallel_loop3A_607 = arith.index_cast %parallel_loop3A_606 : i32 to index
        %parallel_loop3A_608 = arith.index_cast %parallel_loop3A_605 : i32 to index
        %parallel_loop3A_609 = arith.constant 80 : index
        %parallel_loop3A_610 = tpu.vector_load %arg7[%parallel_loop3A_607, %parallel_loop3A_608, %parallel_loop3A_609] {strides = array<i32>} : memref<2x64x128xf32, #tpu.memory_space<vmem>>, vector<16xf32>,
        tpu.vector_store %arg7[%parallel_loop3A_607, %parallel_loop3A_608, %parallel_loop3A_609], %parallel_loop3A_601 {strides = array<i32>} : memref<2x64x128xf32, #tpu.memory_space<vmem>>, vector<16xf32>,
        %parallel_loop3A_611 = arith.constant 1 : i32
        %parallel_loop3A_612 = vector.broadcast %parallel_loop3A_611 : i32 to vector<16xi32>
        %parallel_loop3A_613 = arith.addi %parallel_loop3A_597, %parallel_loop3A_612 : vector<16xi32>
        %parallel_loop3A_614 = tpu.vector_load_idx %arg5[%parallel_loop3A_613] : memref<32xf32, #tpu.memory_space<vmem>>[vector<16xi32>], vector<16xf32>,
        %parallel_loop3A_615 = arith.constant 4 : i32
        %parallel_loop3A_616 = arith.muli %parallel_loop3A_289, %parallel_loop3A_615 : i32
        %parallel_loop3A_617 = arith.constant 1 : i32
        %parallel_loop3A_618 = arith.addi %parallel_loop3A_616, %parallel_loop3A_617 : i32
        %parallel_loop3A_619 = arith.constant 0 : i32
        %parallel_loop3A_620 = arith.index_cast %parallel_loop3A_619 : i32 to index
        %parallel_loop3A_621 = arith.index_cast %parallel_loop3A_618 : i32 to index
        %parallel_loop3A_622 = arith.constant 80 : index
        %parallel_loop3A_623 = tpu.vector_load %arg7[%parallel_loop3A_620, %parallel_loop3A_621, %parallel_loop3A_622] {strides = array<i32>} : memref<2x64x128xf32, #tpu.memory_space<vmem>>, vector<16xf32>,
        tpu.vector_store %arg7[%parallel_loop3A_620, %parallel_loop3A_621, %parallel_loop3A_622], %parallel_loop3A_614 {strides = array<i32>} : memref<2x64x128xf32, #tpu.memory_space<vmem>>, vector<16xf32>,
        %parallel_loop3A_624 = arith.constant 2 : i32
        %parallel_loop3A_625 = vector.broadcast %parallel_loop3A_624 : i32 to vector<16xi32>
        %parallel_loop3A_626 = arith.addi %parallel_loop3A_597, %parallel_loop3A_625 : vector<16xi32>
        %parallel_loop3A_627 = tpu.vector_load_idx %arg5[%parallel_loop3A_626] : memref<32xf32, #tpu.memory_space<vmem>>[vector<16xi32>], vector<16xf32>,
        %parallel_loop3A_628 = arith.constant 4 : i32
        %parallel_loop3A_629 = arith.muli %parallel_loop3A_289, %parallel_loop3A_628 : i32
        %parallel_loop3A_630 = arith.constant 2 : i32
        %parallel_loop3A_631 = arith.addi %parallel_loop3A_629, %parallel_loop3A_630 : i32
        %parallel_loop3A_632 = arith.constant 0 : i32
        %parallel_loop3A_633 = arith.index_cast %parallel_loop3A_632 : i32 to index
        %parallel_loop3A_634 = arith.index_cast %parallel_loop3A_631 : i32 to index
        %parallel_loop3A_635 = arith.constant 80 : index
        %parallel_loop3A_636 = tpu.vector_load %arg7[%parallel_loop3A_633, %parallel_loop3A_634, %parallel_loop3A_635] {strides = array<i32>} : memref<2x64x128xf32, #tpu.memory_space<vmem>>, vector<16xf32>,
        tpu.vector_store %arg7[%parallel_loop3A_633, %parallel_loop3A_634, %parallel_loop3A_635], %parallel_loop3A_627 {strides = array<i32>} : memref<2x64x128xf32, #tpu.memory_space<vmem>>, vector<16xf32>,
        %parallel_loop3A_637 = arith.constant 3 : i32
        %parallel_loop3A_638 = vector.broadcast %parallel_loop3A_637 : i32 to vector<16xi32>
        %parallel_loop3A_639 = arith.addi %parallel_loop3A_597, %parallel_loop3A_638 : vector<16xi32>
        %parallel_loop3A_640 = tpu.vector_load_idx %arg5[%parallel_loop3A_639] : memref<32xf32, #tpu.memory_space<vmem>>[vector<16xi32>], vector<16xf32>,
        %parallel_loop3A_641 = arith.constant 4 : i32
        %parallel_loop3A_642 = arith.muli %parallel_loop3A_289, %parallel_loop3A_641 : i32
        %parallel_loop3A_643 = arith.constant 3 : i32
        %parallel_loop3A_644 = arith.addi %parallel_loop3A_642, %parallel_loop3A_643 : i32
        %parallel_loop3A_645 = arith.constant 0 : i32
        %parallel_loop3A_646 = arith.index_cast %parallel_loop3A_645 : i32 to index
        %parallel_loop3A_647 = arith.index_cast %parallel_loop3A_644 : i32 to index
        %parallel_loop3A_648 = arith.constant 80 : index
        %parallel_loop3A_649 = tpu.vector_load %arg7[%parallel_loop3A_646, %parallel_loop3A_647, %parallel_loop3A_648] {strides = array<i32>} : memref<2x64x128xf32, #tpu.memory_space<vmem>>, vector<16xf32>,
        tpu.vector_store %arg7[%parallel_loop3A_646, %parallel_loop3A_647, %parallel_loop3A_648], %parallel_loop3A_640 {strides = array<i32>} : memref<2x64x128xf32, #tpu.memory_space<vmem>>, vector<16xf32>,
        %parallel_loop3A_650 = arith.constant 0 : i32
        %parallel_loop3A_651 = arith.index_cast %parallel_loop3A_650 : i32 to index
        %parallel_loop3A_652 = arith.index_cast %parallel_loop3A_289 : i32 to index
        %parallel_loop3A_653 = arith.constant 96 : index
        %parallel_loop3A_654 = tpu.vector_load %arg6[%parallel_loop3A_651, %parallel_loop3A_652, %parallel_loop3A_653] {strides = array<i32>} : memref<2x16x128xi32, #tpu.memory_space<vmem>>, vector<16xi32>,
        %parallel_loop3A_655 = arith.constant 4 : i32
        %parallel_loop3A_656 = vector.broadcast %parallel_loop3A_655 : i32 to vector<16xi32>
        %parallel_loop3A_657 = arith.muli %parallel_loop3A_654, %parallel_loop3A_656 : vector<16xi32>
        %parallel_loop3A_658 = arith.constant 0 : i32
        %parallel_loop3A_659 = vector.broadcast %parallel_loop3A_658 : i32 to vector<16xi32>
        %parallel_loop3A_660 = arith.addi %parallel_loop3A_657, %parallel_loop3A_659 : vector<16xi32>
        %parallel_loop3A_661 = tpu.vector_load_idx %arg5[%parallel_loop3A_660] : memref<32xf32, #tpu.memory_space<vmem>>[vector<16xi32>], vector<16xf32>,
        %parallel_loop3A_662 = arith.constant 4 : i32
        %parallel_loop3A_663 = arith.muli %parallel_loop3A_289, %parallel_loop3A_662 : i32
        %parallel_loop3A_664 = arith.constant 0 : i32
        %parallel_loop3A_665 = arith.addi %parallel_loop3A_663, %parallel_loop3A_664 : i32
        %parallel_loop3A_666 = arith.constant 0 : i32
        %parallel_loop3A_667 = arith.index_cast %parallel_loop3A_666 : i32 to index
        %parallel_loop3A_668 = arith.index_cast %parallel_loop3A_665 : i32 to index
        %parallel_loop3A_669 = arith.constant 96 : index
        %parallel_loop3A_670 = tpu.vector_load %arg7[%parallel_loop3A_667, %parallel_loop3A_668, %parallel_loop3A_669] {strides = array<i32>} : memref<2x64x128xf32, #tpu.memory_space<vmem>>, vector<16xf32>,
        tpu.vector_store %arg7[%parallel_loop3A_667, %parallel_loop3A_668, %parallel_loop3A_669], %parallel_loop3A_661 {strides = array<i32>} : memref<2x64x128xf32, #tpu.memory_space<vmem>>, vector<16xf32>,
        %parallel_loop3A_671 = arith.constant 1 : i32
        %parallel_loop3A_672 = vector.broadcast %parallel_loop3A_671 : i32 to vector<16xi32>
        %parallel_loop3A_673 = arith.addi %parallel_loop3A_657, %parallel_loop3A_672 : vector<16xi32>
        %parallel_loop3A_674 = tpu.vector_load_idx %arg5[%parallel_loop3A_673] : memref<32xf32, #tpu.memory_space<vmem>>[vector<16xi32>], vector<16xf32>,
        %parallel_loop3A_675 = arith.constant 4 : i32
        %parallel_loop3A_676 = arith.muli %parallel_loop3A_289, %parallel_loop3A_675 : i32
        %parallel_loop3A_677 = arith.constant 1 : i32
        %parallel_loop3A_678 = arith.addi %parallel_loop3A_676, %parallel_loop3A_677 : i32
        %parallel_loop3A_679 = arith.constant 0 : i32
        %parallel_loop3A_680 = arith.index_cast %parallel_loop3A_679 : i32 to index
        %parallel_loop3A_681 = arith.index_cast %parallel_loop3A_678 : i32 to index
        %parallel_loop3A_682 = arith.constant 96 : index
        %parallel_loop3A_683 = tpu.vector_load %arg7[%parallel_loop3A_680, %parallel_loop3A_681, %parallel_loop3A_682] {strides = array<i32>} : memref<2x64x128xf32, #tpu.memory_space<vmem>>, vector<16xf32>,
        tpu.vector_store %arg7[%parallel_loop3A_680, %parallel_loop3A_681, %parallel_loop3A_682], %parallel_loop3A_674 {strides = array<i32>} : memref<2x64x128xf32, #tpu.memory_space<vmem>>, vector<16xf32>,
        %parallel_loop3A_684 = arith.constant 2 : i32
        %parallel_loop3A_685 = vector.broadcast %parallel_loop3A_684 : i32 to vector<16xi32>
        %parallel_loop3A_686 = arith.addi %parallel_loop3A_657, %parallel_loop3A_685 : vector<16xi32>
        %parallel_loop3A_687 = tpu.vector_load_idx %arg5[%parallel_loop3A_686] : memref<32xf32, #tpu.memory_space<vmem>>[vector<16xi32>], vector<16xf32>,
        %parallel_loop3A_688 = arith.constant 4 : i32
        %parallel_loop3A_689 = arith.muli %parallel_loop3A_289, %parallel_loop3A_688 : i32
        %parallel_loop3A_690 = arith.constant 2 : i32
        %parallel_loop3A_691 = arith.addi %parallel_loop3A_689, %parallel_loop3A_690 : i32
        %parallel_loop3A_692 = arith.constant 0 : i32
        %parallel_loop3A_693 = arith.index_cast %parallel_loop3A_692 : i32 to index
        %parallel_loop3A_694 = arith.index_cast %parallel_loop3A_691 : i32 to index
        %parallel_loop3A_695 = arith.constant 96 : index
        %parallel_loop3A_696 = tpu.vector_load %arg7[%parallel_loop3A_693, %parallel_loop3A_694, %parallel_loop3A_695] {strides = array<i32>} : memref<2x64x128xf32, #tpu.memory_space<vmem>>, vector<16xf32>,
        tpu.vector_store %arg7[%parallel_loop3A_693, %parallel_loop3A_694, %parallel_loop3A_695], %parallel_loop3A_687 {strides = array<i32>} : memref<2x64x128xf32, #tpu.memory_space<vmem>>, vector<16xf32>,
        %parallel_loop3A_697 = arith.constant 3 : i32
        %parallel_loop3A_698 = vector.broadcast %parallel_loop3A_697 : i32 to vector<16xi32>
        %parallel_loop3A_699 = arith.addi %parallel_loop3A_657, %parallel_loop3A_698 : vector<16xi32>
        %parallel_loop3A_700 = tpu.vector_load_idx %arg5[%parallel_loop3A_699] : memref<32xf32, #tpu.memory_space<vmem>>[vector<16xi32>], vector<16xf32>,
        %parallel_loop3A_701 = arith.constant 4 : i32
        %parallel_loop3A_702 = arith.muli %parallel_loop3A_289, %parallel_loop3A_701 : i32
        %parallel_loop3A_703 = arith.constant 3 : i32
        %parallel_loop3A_704 = arith.addi %parallel_loop3A_702, %parallel_loop3A_703 : i32
        %parallel_loop3A_705 = arith.constant 0 : i32
        %parallel_loop3A_706 = arith.index_cast %parallel_loop3A_705 : i32 to index
        %parallel_loop3A_707 = arith.index_cast %parallel_loop3A_704 : i32 to index
        %parallel_loop3A_708 = arith.constant 96 : index
        %parallel_loop3A_709 = tpu.vector_load %arg7[%parallel_loop3A_706, %parallel_loop3A_707, %parallel_loop3A_708] {strides = array<i32>} : memref<2x64x128xf32, #tpu.memory_space<vmem>>, vector<16xf32>,
        tpu.vector_store %arg7[%parallel_loop3A_706, %parallel_loop3A_707, %parallel_loop3A_708], %parallel_loop3A_700 {strides = array<i32>} : memref<2x64x128xf32, #tpu.memory_space<vmem>>, vector<16xf32>,
        %parallel_loop3A_710 = arith.constant 0 : i32
        %parallel_loop3A_711 = arith.index_cast %parallel_loop3A_710 : i32 to index
        %parallel_loop3A_712 = arith.index_cast %parallel_loop3A_289 : i32 to index
        %parallel_loop3A_713 = arith.constant 112 : index
        %parallel_loop3A_714 = tpu.vector_load %arg6[%parallel_loop3A_711, %parallel_loop3A_712, %parallel_loop3A_713] {strides = array<i32>} : memref<2x16x128xi32, #tpu.memory_space<vmem>>, vector<16xi32>,
        %parallel_loop3A_715 = arith.constant 4 : i32
        %parallel_loop3A_716 = vector.broadcast %parallel_loop3A_715 : i32 to vector<16xi32>
        %parallel_loop3A_717 = arith.muli %parallel_loop3A_714, %parallel_loop3A_716 : vector<16xi32>
        %parallel_loop3A_718 = arith.constant 0 : i32
        %parallel_loop3A_719 = vector.broadcast %parallel_loop3A_718 : i32 to vector<16xi32>
        %parallel_loop3A_720 = arith.addi %parallel_loop3A_717, %parallel_loop3A_719 : vector<16xi32>
        %parallel_loop3A_721 = tpu.vector_load_idx %arg5[%parallel_loop3A_720] : memref<32xf32, #tpu.memory_space<vmem>>[vector<16xi32>], vector<16xf32>,
        %parallel_loop3A_722 = arith.constant 4 : i32
        %parallel_loop3A_723 = arith.muli %parallel_loop3A_289, %parallel_loop3A_722 : i32
        %parallel_loop3A_724 = arith.constant 0 : i32
        %parallel_loop3A_725 = arith.addi %parallel_loop3A_723, %parallel_loop3A_724 : i32
        %parallel_loop3A_726 = arith.constant 0 : i32
        %parallel_loop3A_727 = arith.index_cast %parallel_loop3A_726 : i32 to index
        %parallel_loop3A_728 = arith.index_cast %parallel_loop3A_725 : i32 to index
        %parallel_loop3A_729 = arith.constant 112 : index
        %parallel_loop3A_730 = tpu.vector_load %arg7[%parallel_loop3A_727, %parallel_loop3A_728, %parallel_loop3A_729] {strides = array<i32>} : memref<2x64x128xf32, #tpu.memory_space<vmem>>, vector<16xf32>,
        tpu.vector_store %arg7[%parallel_loop3A_727, %parallel_loop3A_728, %parallel_loop3A_729], %parallel_loop3A_721 {strides = array<i32>} : memref<2x64x128xf32, #tpu.memory_space<vmem>>, vector<16xf32>,
        %parallel_loop3A_731 = arith.constant 1 : i32
        %parallel_loop3A_732 = vector.broadcast %parallel_loop3A_731 : i32 to vector<16xi32>
        %parallel_loop3A_733 = arith.addi %parallel_loop3A_717, %parallel_loop3A_732 : vector<16xi32>
        %parallel_loop3A_734 = tpu.vector_load_idx %arg5[%parallel_loop3A_733] : memref<32xf32, #tpu.memory_space<vmem>>[vector<16xi32>], vector<16xf32>,
        %parallel_loop3A_735 = arith.constant 4 : i32
        %parallel_loop3A_736 = arith.muli %parallel_loop3A_289, %parallel_loop3A_735 : i32
        %parallel_loop3A_737 = arith.constant 1 : i32
        %parallel_loop3A_738 = arith.addi %parallel_loop3A_736, %parallel_loop3A_737 : i32
        %parallel_loop3A_739 = arith.constant 0 : i32
        %parallel_loop3A_740 = arith.index_cast %parallel_loop3A_739 : i32 to index
        %parallel_loop3A_741 = arith.index_cast %parallel_loop3A_738 : i32 to index
        %parallel_loop3A_742 = arith.constant 112 : index
        %parallel_loop3A_743 = tpu.vector_load %arg7[%parallel_loop3A_740, %parallel_loop3A_741, %parallel_loop3A_742] {strides = array<i32>} : memref<2x64x128xf32, #tpu.memory_space<vmem>>, vector<16xf32>,
        tpu.vector_store %arg7[%parallel_loop3A_740, %parallel_loop3A_741, %parallel_loop3A_742], %parallel_loop3A_734 {strides = array<i32>} : memref<2x64x128xf32, #tpu.memory_space<vmem>>, vector<16xf32>,
        %parallel_loop3A_744 = arith.constant 2 : i32
        %parallel_loop3A_745 = vector.broadcast %parallel_loop3A_744 : i32 to vector<16xi32>
        %parallel_loop3A_746 = arith.addi %parallel_loop3A_717, %parallel_loop3A_745 : vector<16xi32>
        %parallel_loop3A_747 = tpu.vector_load_idx %arg5[%parallel_loop3A_746] : memref<32xf32, #tpu.memory_space<vmem>>[vector<16xi32>], vector<16xf32>,
        %parallel_loop3A_748 = arith.constant 4 : i32
        %parallel_loop3A_749 = arith.muli %parallel_loop3A_289, %parallel_loop3A_748 : i32
        %parallel_loop3A_750 = arith.constant 2 : i32
        %parallel_loop3A_751 = arith.addi %parallel_loop3A_749, %parallel_loop3A_750 : i32
        %parallel_loop3A_752 = arith.constant 0 : i32
        %parallel_loop3A_753 = arith.index_cast %parallel_loop3A_752 : i32 to index
        %parallel_loop3A_754 = arith.index_cast %parallel_loop3A_751 : i32 to index
        %parallel_loop3A_755 = arith.constant 112 : index
        %parallel_loop3A_756 = tpu.vector_load %arg7[%parallel_loop3A_753, %parallel_loop3A_754, %parallel_loop3A_755] {strides = array<i32>} : memref<2x64x128xf32, #tpu.memory_space<vmem>>, vector<16xf32>,
        tpu.vector_store %arg7[%parallel_loop3A_753, %parallel_loop3A_754, %parallel_loop3A_755], %parallel_loop3A_747 {strides = array<i32>} : memref<2x64x128xf32, #tpu.memory_space<vmem>>, vector<16xf32>,
        %parallel_loop3A_757 = arith.constant 3 : i32
        %parallel_loop3A_758 = vector.broadcast %parallel_loop3A_757 : i32 to vector<16xi32>
        %parallel_loop3A_759 = arith.addi %parallel_loop3A_717, %parallel_loop3A_758 : vector<16xi32>
        %parallel_loop3A_760 = tpu.vector_load_idx %arg5[%parallel_loop3A_759] : memref<32xf32, #tpu.memory_space<vmem>>[vector<16xi32>], vector<16xf32>,
        %parallel_loop3A_761 = arith.constant 4 : i32
        %parallel_loop3A_762 = arith.muli %parallel_loop3A_289, %parallel_loop3A_761 : i32
        %parallel_loop3A_763 = arith.constant 3 : i32
        %parallel_loop3A_764 = arith.addi %parallel_loop3A_762, %parallel_loop3A_763 : i32
        %parallel_loop3A_765 = arith.constant 0 : i32
        %parallel_loop3A_766 = arith.index_cast %parallel_loop3A_765 : i32 to index
        %parallel_loop3A_767 = arith.index_cast %parallel_loop3A_764 : i32 to index
        %parallel_loop3A_768 = arith.constant 112 : index
        %parallel_loop3A_769 = tpu.vector_load %arg7[%parallel_loop3A_766, %parallel_loop3A_767, %parallel_loop3A_768] {strides = array<i32>} : memref<2x64x128xf32, #tpu.memory_space<vmem>>, vector<16xf32>,
        tpu.vector_store %arg7[%parallel_loop3A_766, %parallel_loop3A_767, %parallel_loop3A_768], %parallel_loop3A_760 {strides = array<i32>} : memref<2x64x128xf32, #tpu.memory_space<vmem>>, vector<16xf32>,
      } {sc.loop_unroll_factor = 8 : i64, sc.parallel_access}
      %mul3A_185 = arith.constant 50 : i32
      %mul3A_186 = arith.muli %select_n3A, %mul3A_185 : i32
      %add3A_187 = arith.addi %mul3A_186, %add3A_128 : i32
      %mul3A_188 = arith.constant 4 : i32
      %mul3A_189 = arith.muli %mul3A_32, %mul3A_188 : i32
      %dma_start3A_190 = arith.constant 0 : i32
      %dma_start3A_191 = arith.constant 0 : i32
      %dma_start3A_192 = arith.constant 0 : i32
      %dma_start3A_193 = tpu.memref_slice %arg7[%dma_start3A_190, %dma_start3A_191, %dma_start3A_192] : memref<2x64x128xf32, #tpu.memory_space<vmem>> -> memref<1x64x128xf32, #tpu.memory_space<vmem>>
      %dma_start3A_194 = tpu.memref_squeeze %dma_start3A_193 : memref<1x64x128xf32, #tpu.memory_space<vmem>> -> memref<64x128xf32, #tpu.memory_space<vmem>>
      %dma_start3A_195 = arith.constant 0 : i32
      %dma_start3A_196 = tpu.memref_slice %arg4[%add3A_187, %mul3A_189, %dma_start3A_195] : memref<200x512x128xf32, #tpu.memory_space<hbm>> -> memref<1x64x128xf32, #tpu.memory_space<hbm>>
      %dma_start3A_197 = tpu.memref_squeeze %dma_start3A_196 : memref<1x64x128xf32, #tpu.memory_space<hbm>> -> memref<64x128xf32, #tpu.memory_space<hbm>>
      %dma_start3A_198 = arith.constant 0 : i32
      %dma_start3A_199 = tpu.memref_slice %arg4[%add3A_187, %mul3A_189, %dma_start3A_198] : memref<200x512x128xf32, #tpu.memory_space<hbm>> -> memref<1x64x128xf32, #tpu.memory_space<hbm>>
      %dma_start3A_200 = tpu.memref_squeeze %dma_start3A_199 : memref<1x64x128xf32, #tpu.memory_space<hbm>> -> memref<64x128xf32, #tpu.memory_space<hbm>>
      %dma_start3A_201 = arith.constant 0 : i32
      %dma_start3A_202 = arith.constant 0 : i32
      %dma_start3A_203 = tpu.memref_slice %arg7[%dma_start3A_190, %dma_start3A_201, %dma_start3A_202] : memref<2x64x128xf32, #tpu.memory_space<vmem>> -> memref<1x64x128xf32, #tpu.memory_space<vmem>>
      %dma_start3A_204 = tpu.memref_squeeze %dma_start3A_203 : memref<1x64x128xf32, #tpu.memory_space<vmem>> -> memref<64x128xf32, #tpu.memory_space<vmem>>
      tpu.enqueue_dma source(%dma_start3A_204 : memref<64x128xf32, #tpu.memory_space<vmem>>) target(%dma_start3A_200 : memref<64x128xf32, #tpu.memory_space<hbm>>) target_semaphore(%arg10 : memref<!tpu.dma_semaphore, #tpu.memory_space<semaphore_mem>>)
      %mul3A_205 = arith.constant 2 : i32
      %mul3A_206 = arith.muli %scan3A_124, %mul3A_205 : i32
      %add3A_207 = arith.constant 1 : i32
      %add3A_208 = arith.addi %mul3A_206, %add3A_207 : i32
      %add3A_209 = arith.constant 1 : i32
      %add3A_210 = arith.addi %add3A_208, %add3A_209 : i32
      %lt3A_211 = arith.constant 50 : i32
      %lt3A_212 = arith.cmpi slt, %add3A_210, %lt3A_211 : i32
      %convert_element_type3A_213 = arith.extui %lt3A_212 : i1 to i32
      %cond3A_214 = arith.constant 0 : i32
      %cond3A_215 = arith.cmpi ne, %convert_element_type3A_213, %cond3A_214 : i32
      scf.if %cond3A_215 {
        %add3A_289 = arith.constant 1 : i32
        %add3A_290 = arith.addi %add3A_208, %add3A_289 : i32
        %mul3A_291 = arith.constant 50 : i32
        %mul3A_292 = arith.muli %select_n3A, %mul3A_291 : i32
        %add3A_293 = arith.addi %mul3A_292, %add3A_290 : i32
        %jit3A_294 = arith.constant 8 : i32
        %div3A_295 = arith.divsi %add3A_293, %jit3A_294 : i32
        %sign3A_296 = arith.constant 0 : i32
        %sign3A_297 = arith.cmpi sgt, %add3A_293, %sign3A_296 : i32
        %sign3A_298 = arith.extui %sign3A_297 : i1 to i32
        %sign3A_299 = arith.constant 0 : i32
        %sign3A_300 = arith.cmpi slt, %add3A_293, %sign3A_299 : i32
        %sign3A_301 = arith.extui %sign3A_300 : i1 to i32
        %sign3A_302 = arith.subi %sign3A_298, %sign3A_301 : i32
        %sign3A_303 = arith.constant 0 : i32
        %sign3A_304 = arith.cmpi sgt, %jit3A_294, %sign3A_303 : i32
        %sign3A_305 = arith.extui %sign3A_304 : i1 to i32
        %sign3A_306 = arith.constant 0 : i32
        %sign3A_307 = arith.cmpi slt, %jit3A_294, %sign3A_306 : i32
        %sign3A_308 = arith.extui %sign3A_307 : i1 to i32
        %sign3A_309 = arith.subi %sign3A_305, %sign3A_308 : i32
        %ne3A_310 = arith.cmpi ne, %sign3A_302, %sign3A_309 : i32
        %rem3A_311 = arith.remsi %add3A_293, %jit3A_294 : i32
        %ne3A_312 = arith.constant 0 : i32
        %ne3A_313 = arith.cmpi ne, %rem3A_311, %ne3A_312 : i32
        %and3A_314 = arith.andi %ne3A_310, %ne3A_313 : i1
        %sub3A_315 = arith.constant 1 : i32
        %sub3A_316 = arith.subi %div3A_295, %sub3A_315 : i32
        %select_n3A_317 = arith.select %and3A_314, %sub3A_316, %div3A_295 : i32
        %mul3A_318 = arith.constant 8 : i32
        %mul3A_319 = arith.muli %select_n3A_317, %mul3A_318 : i32
        %sub3A_320 = arith.subi %add3A_293, %mul3A_319 : i32
        %dma_start3A_321 = arith.constant 0 : i32
        %dma_start3A_322 = arith.constant 0 : i32
        %dma_start3A_323 = arith.constant 0 : i32
        %dma_start3A_324 = tpu.memref_slice %arg6[%dma_start3A_321, %dma_start3A_322, %dma_start3A_323] : memref<2x16x128xi32, #tpu.memory_space<vmem>> -> memref<1x16x128xi32, #tpu.memory_space<vmem>>
        %dma_start3A_325 = tpu.memref_squeeze %dma_start3A_324 : memref<1x16x128xi32, #tpu.memory_space<vmem>> -> memref<16x128xi32, #tpu.memory_space<vmem>>
        %dma_start3A_326 = arith.constant 0 : i32
        %dma_start3A_327 = tpu.memref_slice %arg3[%select_n3A_317, %mul3A_32, %sub3A_320, %dma_start3A_326] : memref<25x128x8x128xi32, #tpu.memory_space<hbm>> -> memref<1x16x1x128xi32, #tpu.memory_space<hbm>>
        %dma_start3A_328 = tpu.memref_squeeze %dma_start3A_327 : memref<1x16x1x128xi32, #tpu.memory_space<hbm>> -> memref<16x128xi32, #tpu.memory_space<hbm>>
        %dma_start3A_329 = arith.constant 0 : i32
        %dma_start3A_330 = arith.constant 0 : i32
        %dma_start3A_331 = tpu.memref_slice %arg6[%dma_start3A_321, %dma_start3A_329, %dma_start3A_330] : memref<2x16x128xi32, #tpu.memory_space<vmem>> -> memref<1x16x128xi32, #tpu.memory_space<vmem>>
        %dma_start3A_332 = tpu.memref_squeeze %dma_start3A_331 : memref<1x16x128xi32, #tpu.memory_space<vmem>> -> memref<16x128xi32, #tpu.memory_space<vmem>>
        %dma_start3A_333 = arith.constant 0 : i32
        %dma_start3A_334 = tpu.memref_slice %arg3[%select_n3A_317, %mul3A_32, %sub3A_320, %dma_start3A_333] : memref<25x128x8x128xi32, #tpu.memory_space<hbm>> -> memref<1x16x1x128xi32, #tpu.memory_space<hbm>>
        %dma_start3A_335 = tpu.memref_squeeze %dma_start3A_334 : memref<1x16x1x128xi32, #tpu.memory_space<hbm>> -> memref<16x128xi32, #tpu.memory_space<hbm>>
        tpu.enqueue_dma source(%dma_start3A_335 : memref<16x128xi32, #tpu.memory_space<hbm>>) target(%dma_start3A_332 : memref<16x128xi32, #tpu.memory_space<vmem>>) target_semaphore(%arg8 : memref<!tpu.dma_semaphore, #tpu.memory_space<semaphore_mem>>)
      } else {
      }
      %mul3A_216 = arith.constant 50 : i32
      %mul3A_217 = arith.muli %select_n3A, %mul3A_216 : i32
      %add3A_218 = arith.addi %mul3A_217, %add3A_208 : i32
      %jit3A_219 = arith.constant 8 : i32
      %div3A_220 = arith.divsi %add3A_218, %jit3A_219 : i32
      %sign3A_221 = arith.constant 0 : i32
      %sign3A_222 = arith.cmpi sgt, %add3A_218, %sign3A_221 : i32
      %sign3A_223 = arith.extui %sign3A_222 : i1 to i32
      %sign3A_224 = arith.constant 0 : i32
      %sign3A_225 = arith.cmpi slt, %add3A_218, %sign3A_224 : i32
      %sign3A_226 = arith.extui %sign3A_225 : i1 to i32
      %sign3A_227 = arith.subi %sign3A_223, %sign3A_226 : i32
      %sign3A_228 = arith.constant 0 : i32
      %sign3A_229 = arith.cmpi sgt, %jit3A_219, %sign3A_228 : i32
      %sign3A_230 = arith.extui %sign3A_229 : i1 to i32
      %sign3A_231 = arith.constant 0 : i32
      %sign3A_232 = arith.cmpi slt, %jit3A_219, %sign3A_231 : i32
      %sign3A_233 = arith.extui %sign3A_232 : i1 to i32
      %sign3A_234 = arith.subi %sign3A_230, %sign3A_233 : i32
      %ne3A_235 = arith.cmpi ne, %sign3A_227, %sign3A_234 : i32
      %rem3A_236 = arith.remsi %add3A_218, %jit3A_219 : i32
      %ne3A_237 = arith.constant 0 : i32
      %ne3A_238 = arith.cmpi ne, %rem3A_236, %ne3A_237 : i32
      %and3A_239 = arith.andi %ne3A_235, %ne3A_238 : i1
      %sub3A_240 = arith.constant 1 : i32
      %sub3A_241 = arith.subi %div3A_220, %sub3A_240 : i32
      %select_n3A_242 = arith.select %and3A_239, %sub3A_241, %div3A_220 : i32
      %mul3A_243 = arith.constant 8 : i32
      %mul3A_244 = arith.muli %select_n3A_242, %mul3A_243 : i32
      %sub3A_245 = arith.subi %add3A_218, %mul3A_244 : i32
      %dma_wait3A_246 = arith.constant 1 : i32
      %dma_wait3A_247 = arith.constant 0 : i32
      %dma_wait3A_248 = arith.constant 0 : i32
      %dma_wait3A_249 = tpu.memref_slice %arg6[%dma_wait3A_246, %dma_wait3A_247, %dma_wait3A_248] : memref<2x16x128xi32, #tpu.memory_space<vmem>> -> memref<1x16x128xi32, #tpu.memory_space<vmem>>
      %dma_wait3A_250 = tpu.memref_squeeze %dma_wait3A_249 : memref<1x16x128xi32, #tpu.memory_space<vmem>> -> memref<16x128xi32, #tpu.memory_space<vmem>>
      %dma_wait3A_251 = arith.constant 0 : i32
      %dma_wait3A_252 = tpu.memref_slice %arg3[%select_n3A_242, %mul3A_32, %sub3A_245, %dma_wait3A_251] : memref<25x128x8x128xi32, #tpu.memory_space<hbm>> -> memref<1x16x1x128xi32, #tpu.memory_space<hbm>>
      %dma_wait3A_253 = tpu.memref_squeeze %dma_wait3A_252 : memref<1x16x1x128xi32, #tpu.memory_space<hbm>> -> memref<16x128xi32, #tpu.memory_space<hbm>>
      %dma_wait3A_254 = arith.constant 0 : i32
      %dma_wait3A_255 = arith.constant 0 : i32
      %dma_wait3A_256 = tpu.memref_slice %arg6[%dma_wait3A_246, %dma_wait3A_254, %dma_wait3A_255] : memref<2x16x128xi32, #tpu.memory_space<vmem>> -> memref<1x16x128xi32, #tpu.memory_space<vmem>>
      %dma_wait3A_257 = tpu.memref_squeeze %dma_wait3A_256 : memref<1x16x128xi32, #tpu.memory_space<vmem>> -> memref<16x128xi32, #tpu.memory_space<vmem>>
      %dma_wait3A_258 = arith.constant 0 : i32
      %dma_wait3A_259 = tpu.memref_slice %arg3[%select_n3A_242, %mul3A_32, %sub3A_245, %dma_wait3A_258] : memref<25x128x8x128xi32, #tpu.memory_space<hbm>> -> memref<1x16x1x128xi32, #tpu.memory_space<hbm>>
      %dma_wait3A_260 = tpu.memref_squeeze %dma_wait3A_259 : memref<1x16x1x128xi32, #tpu.memory_space<hbm>> -> memref<16x128xi32, #tpu.memory_space<hbm>>
      tpu.wait_dma2 semaphore(%arg9 : memref<!tpu.dma_semaphore, #tpu.memory_space<semaphore_mem>>) src(%dma_wait3A_260 : memref<16x128xi32, #tpu.memory_space<hbm>>) dst(%dma_wait3A_257 : memref<16x128xi32, #tpu.memory_space<vmem>>)
      %ge3A_261 = arith.constant 2 : i32
      %ge3A_262 = arith.cmpi sge, %add3A_208, %ge3A_261 : i32
      %convert_element_type3A_263 = arith.extui %ge3A_262 : i1 to i32
      %cond3A_264 = arith.constant 0 : i32
      %cond3A_265 = arith.cmpi ne, %convert_element_type3A_263, %cond3A_264 : i32
      scf.if %cond3A_265 {
        %sub3A_289 = arith.constant 2 : i32
        %sub3A_290 = arith.subi %add3A_208, %sub3A_289 : i32
        %mul3A_291 = arith.constant 50 : i32
        %mul3A_292 = arith.muli %select_n3A, %mul3A_291 : i32
        %add3A_293 = arith.addi %mul3A_292, %sub3A_290 : i32
        %mul3A_294 = arith.constant 4 : i32
        %mul3A_295 = arith.muli %mul3A_32, %mul3A_294 : i32
        %dma_wait3A_296 = arith.constant 1 : i32
        %dma_wait3A_297 = arith.constant 0 : i32
        %dma_wait3A_298 = arith.constant 0 : i32
        %dma_wait3A_299 = tpu.memref_slice %arg7[%dma_wait3A_296, %dma_wait3A_297, %dma_wait3A_298] : memref<2x64x128xf32, #tpu.memory_space<vmem>> -> memref<1x64x128xf32, #tpu.memory_space<vmem>>
        %dma_wait3A_300 = tpu.memref_squeeze %dma_wait3A_299 : memref<1x64x128xf32, #tpu.memory_space<vmem>> -> memref<64x128xf32, #tpu.memory_space<vmem>>
        %dma_wait3A_301 = arith.constant 0 : i32
        %dma_wait3A_302 = tpu.memref_slice %arg4[%add3A_293, %mul3A_295, %dma_wait3A_301] : memref<200x512x128xf32, #tpu.memory_space<hbm>> -> memref<1x64x128xf32, #tpu.memory_space<hbm>>
        %dma_wait3A_303 = tpu.memref_squeeze %dma_wait3A_302 : memref<1x64x128xf32, #tpu.memory_space<hbm>> -> memref<64x128xf32, #tpu.memory_space<hbm>>
        %dma_wait3A_304 = arith.constant 0 : i32
        %dma_wait3A_305 = tpu.memref_slice %arg4[%add3A_293, %mul3A_295, %dma_wait3A_304] : memref<200x512x128xf32, #tpu.memory_space<hbm>> -> memref<1x64x128xf32, #tpu.memory_space<hbm>>
        %dma_wait3A_306 = tpu.memref_squeeze %dma_wait3A_305 : memref<1x64x128xf32, #tpu.memory_space<hbm>> -> memref<64x128xf32, #tpu.memory_space<hbm>>
        %dma_wait3A_307 = arith.constant 0 : i32
        %dma_wait3A_308 = arith.constant 0 : i32
        %dma_wait3A_309 = tpu.memref_slice %arg7[%dma_wait3A_296, %dma_wait3A_307, %dma_wait3A_308] : memref<2x64x128xf32, #tpu.memory_space<vmem>> -> memref<1x64x128xf32, #tpu.memory_space<vmem>>
        %dma_wait3A_310 = tpu.memref_squeeze %dma_wait3A_309 : memref<1x64x128xf32, #tpu.memory_space<vmem>> -> memref<64x128xf32, #tpu.memory_space<vmem>>
        tpu.wait_dma2 semaphore(%arg11 : memref<!tpu.dma_semaphore, #tpu.memory_space<semaphore_mem>>) src(%dma_wait3A_310 : memref<64x128xf32, #tpu.memory_space<vmem>>) dst(%dma_wait3A_306 : memref<64x128xf32, #tpu.memory_space<hbm>>)
      } else {
      }
      %parallel_loop3A_266 = arith.constant 0 : i32
      %parallel_loop3A_267 = arith.constant 16 : i32
      %parallel_loop3A_268 = arith.constant 1 : i32
      scf.for %parallel_loop3A_289 = %parallel_loop3A_266 to %parallel_loop3A_267 step %parallel_loop3A_268  : i32 {
        %parallel_loop3A_290 = arith.constant 1 : i32
        %parallel_loop3A_291 = arith.index_cast %parallel_loop3A_290 : i32 to index
        %parallel_loop3A_292 = arith.index_cast %parallel_loop3A_289 : i32 to index
        %parallel_loop3A_293 = arith.constant 0 : index
        %parallel_loop3A_294 = tpu.vector_load %arg6[%parallel_loop3A_291, %parallel_loop3A_292, %parallel_loop3A_293] {strides = array<i32>} : memref<2x16x128xi32, #tpu.memory_space<vmem>>, vector<16xi32>,
        %parallel_loop3A_295 = arith.constant 4 : i32
        %parallel_loop3A_296 = vector.broadcast %parallel_loop3A_295 : i32 to vector<16xi32>
        %parallel_loop3A_297 = arith.muli %parallel_loop3A_294, %parallel_loop3A_296 : vector<16xi32>
        %parallel_loop3A_298 = arith.constant 0 : i32
        %parallel_loop3A_299 = vector.broadcast %parallel_loop3A_298 : i32 to vector<16xi32>
        %parallel_loop3A_300 = arith.addi %parallel_loop3A_297, %parallel_loop3A_299 : vector<16xi32>
        %parallel_loop3A_301 = tpu.vector_load_idx %arg5[%parallel_loop3A_300] : memref<32xf32, #tpu.memory_space<vmem>>[vector<16xi32>], vector<16xf32>,
        %parallel_loop3A_302 = arith.constant 4 : i32
        %parallel_loop3A_303 = arith.muli %parallel_loop3A_289, %parallel_loop3A_302 : i32
        %parallel_loop3A_304 = arith.constant 0 : i32
        %parallel_loop3A_305 = arith.addi %parallel_loop3A_303, %parallel_loop3A_304 : i32
        %parallel_loop3A_306 = arith.constant 1 : i32
        %parallel_loop3A_307 = arith.index_cast %parallel_loop3A_306 : i32 to index
        %parallel_loop3A_308 = arith.index_cast %parallel_loop3A_305 : i32 to index
        %parallel_loop3A_309 = arith.constant 0 : index
        %parallel_loop3A_310 = tpu.vector_load %arg7[%parallel_loop3A_307, %parallel_loop3A_308, %parallel_loop3A_309] {strides = array<i32>} : memref<2x64x128xf32, #tpu.memory_space<vmem>>, vector<16xf32>,
        tpu.vector_store %arg7[%parallel_loop3A_307, %parallel_loop3A_308, %parallel_loop3A_309], %parallel_loop3A_301 {strides = array<i32>} : memref<2x64x128xf32, #tpu.memory_space<vmem>>, vector<16xf32>,
        %parallel_loop3A_311 = arith.constant 1 : i32
        %parallel_loop3A_312 = vector.broadcast %parallel_loop3A_311 : i32 to vector<16xi32>
        %parallel_loop3A_313 = arith.addi %parallel_loop3A_297, %parallel_loop3A_312 : vector<16xi32>
        %parallel_loop3A_314 = tpu.vector_load_idx %arg5[%parallel_loop3A_313] : memref<32xf32, #tpu.memory_space<vmem>>[vector<16xi32>], vector<16xf32>,
        %parallel_loop3A_315 = arith.constant 4 : i32
        %parallel_loop3A_316 = arith.muli %parallel_loop3A_289, %parallel_loop3A_315 : i32
        %parallel_loop3A_317 = arith.constant 1 : i32
        %parallel_loop3A_318 = arith.addi %parallel_loop3A_316, %parallel_loop3A_317 : i32
        %parallel_loop3A_319 = arith.constant 1 : i32
        %parallel_loop3A_320 = arith.index_cast %parallel_loop3A_319 : i32 to index
        %parallel_loop3A_321 = arith.index_cast %parallel_loop3A_318 : i32 to index
        %parallel_loop3A_322 = arith.constant 0 : index
        %parallel_loop3A_323 = tpu.vector_load %arg7[%parallel_loop3A_320, %parallel_loop3A_321, %parallel_loop3A_322] {strides = array<i32>} : memref<2x64x128xf32, #tpu.memory_space<vmem>>, vector<16xf32>,
        tpu.vector_store %arg7[%parallel_loop3A_320, %parallel_loop3A_321, %parallel_loop3A_322], %parallel_loop3A_314 {strides = array<i32>} : memref<2x64x128xf32, #tpu.memory_space<vmem>>, vector<16xf32>,
        %parallel_loop3A_324 = arith.constant 2 : i32
        %parallel_loop3A_325 = vector.broadcast %parallel_loop3A_324 : i32 to vector<16xi32>
        %parallel_loop3A_326 = arith.addi %parallel_loop3A_297, %parallel_loop3A_325 : vector<16xi32>
        %parallel_loop3A_327 = tpu.vector_load_idx %arg5[%parallel_loop3A_326] : memref<32xf32, #tpu.memory_space<vmem>>[vector<16xi32>], vector<16xf32>,
        %parallel_loop3A_328 = arith.constant 4 : i32
        %parallel_loop3A_329 = arith.muli %parallel_loop3A_289, %parallel_loop3A_328 : i32
        %parallel_loop3A_330 = arith.constant 2 : i32
        %parallel_loop3A_331 = arith.addi %parallel_loop3A_329, %parallel_loop3A_330 : i32
        %parallel_loop3A_332 = arith.constant 1 : i32
        %parallel_loop3A_333 = arith.index_cast %parallel_loop3A_332 : i32 to index
        %parallel_loop3A_334 = arith.index_cast %parallel_loop3A_331 : i32 to index
        %parallel_loop3A_335 = arith.constant 0 : index
        %parallel_loop3A_336 = tpu.vector_load %arg7[%parallel_loop3A_333, %parallel_loop3A_334, %parallel_loop3A_335] {strides = array<i32>} : memref<2x64x128xf32, #tpu.memory_space<vmem>>, vector<16xf32>,
        tpu.vector_store %arg7[%parallel_loop3A_333, %parallel_loop3A_334, %parallel_loop3A_335], %parallel_loop3A_327 {strides = array<i32>} : memref<2x64x128xf32, #tpu.memory_space<vmem>>, vector<16xf32>,
        %parallel_loop3A_337 = arith.constant 3 : i32
        %parallel_loop3A_338 = vector.broadcast %parallel_loop3A_337 : i32 to vector<16xi32>
        %parallel_loop3A_339 = arith.addi %parallel_loop3A_297, %parallel_loop3A_338 : vector<16xi32>
        %parallel_loop3A_340 = tpu.vector_load_idx %arg5[%parallel_loop3A_339] : memref<32xf32, #tpu.memory_space<vmem>>[vector<16xi32>], vector<16xf32>,
        %parallel_loop3A_341 = arith.constant 4 : i32
        %parallel_loop3A_342 = arith.muli %parallel_loop3A_289, %parallel_loop3A_341 : i32
        %parallel_loop3A_343 = arith.constant 3 : i32
        %parallel_loop3A_344 = arith.addi %parallel_loop3A_342, %parallel_loop3A_343 : i32
        %parallel_loop3A_345 = arith.constant 1 : i32
        %parallel_loop3A_346 = arith.index_cast %parallel_loop3A_345 : i32 to index
        %parallel_loop3A_347 = arith.index_cast %parallel_loop3A_344 : i32 to index
        %parallel_loop3A_348 = arith.constant 0 : index
        %parallel_loop3A_349 = tpu.vector_load %arg7[%parallel_loop3A_346, %parallel_loop3A_347, %parallel_loop3A_348] {strides = array<i32>} : memref<2x64x128xf32, #tpu.memory_space<vmem>>, vector<16xf32>,
        tpu.vector_store %arg7[%parallel_loop3A_346, %parallel_loop3A_347, %parallel_loop3A_348], %parallel_loop3A_340 {strides = array<i32>} : memref<2x64x128xf32, #tpu.memory_space<vmem>>, vector<16xf32>,
        %parallel_loop3A_350 = arith.constant 1 : i32
        %parallel_loop3A_351 = arith.index_cast %parallel_loop3A_350 : i32 to index
        %parallel_loop3A_352 = arith.index_cast %parallel_loop3A_289 : i32 to index
        %parallel_loop3A_353 = arith.constant 16 : index
        %parallel_loop3A_354 = tpu.vector_load %arg6[%parallel_loop3A_351, %parallel_loop3A_352, %parallel_loop3A_353] {strides = array<i32>} : memref<2x16x128xi32, #tpu.memory_space<vmem>>, vector<16xi32>,
        %parallel_loop3A_355 = arith.constant 4 : i32
        %parallel_loop3A_356 = vector.broadcast %parallel_loop3A_355 : i32 to vector<16xi32>
        %parallel_loop3A_357 = arith.muli %parallel_loop3A_354, %parallel_loop3A_356 : vector<16xi32>
        %parallel_loop3A_358 = arith.constant 0 : i32
        %parallel_loop3A_359 = vector.broadcast %parallel_loop3A_358 : i32 to vector<16xi32>
        %parallel_loop3A_360 = arith.addi %parallel_loop3A_357, %parallel_loop3A_359 : vector<16xi32>
        %parallel_loop3A_361 = tpu.vector_load_idx %arg5[%parallel_loop3A_360] : memref<32xf32, #tpu.memory_space<vmem>>[vector<16xi32>], vector<16xf32>,
        %parallel_loop3A_362 = arith.constant 4 : i32
        %parallel_loop3A_363 = arith.muli %parallel_loop3A_289, %parallel_loop3A_362 : i32
        %parallel_loop3A_364 = arith.constant 0 : i32
        %parallel_loop3A_365 = arith.addi %parallel_loop3A_363, %parallel_loop3A_364 : i32
        %parallel_loop3A_366 = arith.constant 1 : i32
        %parallel_loop3A_367 = arith.index_cast %parallel_loop3A_366 : i32 to index
        %parallel_loop3A_368 = arith.index_cast %parallel_loop3A_365 : i32 to index
        %parallel_loop3A_369 = arith.constant 16 : index
        %parallel_loop3A_370 = tpu.vector_load %arg7[%parallel_loop3A_367, %parallel_loop3A_368, %parallel_loop3A_369] {strides = array<i32>} : memref<2x64x128xf32, #tpu.memory_space<vmem>>, vector<16xf32>,
        tpu.vector_store %arg7[%parallel_loop3A_367, %parallel_loop3A_368, %parallel_loop3A_369], %parallel_loop3A_361 {strides = array<i32>} : memref<2x64x128xf32, #tpu.memory_space<vmem>>, vector<16xf32>,
        %parallel_loop3A_371 = arith.constant 1 : i32
        %parallel_loop3A_372 = vector.broadcast %parallel_loop3A_371 : i32 to vector<16xi32>
        %parallel_loop3A_373 = arith.addi %parallel_loop3A_357, %parallel_loop3A_372 : vector<16xi32>
        %parallel_loop3A_374 = tpu.vector_load_idx %arg5[%parallel_loop3A_373] : memref<32xf32, #tpu.memory_space<vmem>>[vector<16xi32>], vector<16xf32>,
        %parallel_loop3A_375 = arith.constant 4 : i32
        %parallel_loop3A_376 = arith.muli %parallel_loop3A_289, %parallel_loop3A_375 : i32
        %parallel_loop3A_377 = arith.constant 1 : i32
        %parallel_loop3A_378 = arith.addi %parallel_loop3A_376, %parallel_loop3A_377 : i32
        %parallel_loop3A_379 = arith.constant 1 : i32
        %parallel_loop3A_380 = arith.index_cast %parallel_loop3A_379 : i32 to index
        %parallel_loop3A_381 = arith.index_cast %parallel_loop3A_378 : i32 to index
        %parallel_loop3A_382 = arith.constant 16 : index
        %parallel_loop3A_383 = tpu.vector_load %arg7[%parallel_loop3A_380, %parallel_loop3A_381, %parallel_loop3A_382] {strides = array<i32>} : memref<2x64x128xf32, #tpu.memory_space<vmem>>, vector<16xf32>,
        tpu.vector_store %arg7[%parallel_loop3A_380, %parallel_loop3A_381, %parallel_loop3A_382], %parallel_loop3A_374 {strides = array<i32>} : memref<2x64x128xf32, #tpu.memory_space<vmem>>, vector<16xf32>,
        %parallel_loop3A_384 = arith.constant 2 : i32
        %parallel_loop3A_385 = vector.broadcast %parallel_loop3A_384 : i32 to vector<16xi32>
        %parallel_loop3A_386 = arith.addi %parallel_loop3A_357, %parallel_loop3A_385 : vector<16xi32>
        %parallel_loop3A_387 = tpu.vector_load_idx %arg5[%parallel_loop3A_386] : memref<32xf32, #tpu.memory_space<vmem>>[vector<16xi32>], vector<16xf32>,
        %parallel_loop3A_388 = arith.constant 4 : i32
        %parallel_loop3A_389 = arith.muli %parallel_loop3A_289, %parallel_loop3A_388 : i32
        %parallel_loop3A_390 = arith.constant 2 : i32
        %parallel_loop3A_391 = arith.addi %parallel_loop3A_389, %parallel_loop3A_390 : i32
        %parallel_loop3A_392 = arith.constant 1 : i32
        %parallel_loop3A_393 = arith.index_cast %parallel_loop3A_392 : i32 to index
        %parallel_loop3A_394 = arith.index_cast %parallel_loop3A_391 : i32 to index
        %parallel_loop3A_395 = arith.constant 16 : index
        %parallel_loop3A_396 = tpu.vector_load %arg7[%parallel_loop3A_393, %parallel_loop3A_394, %parallel_loop3A_395] {strides = array<i32>} : memref<2x64x128xf32, #tpu.memory_space<vmem>>, vector<16xf32>,
        tpu.vector_store %arg7[%parallel_loop3A_393, %parallel_loop3A_394, %parallel_loop3A_395], %parallel_loop3A_387 {strides = array<i32>} : memref<2x64x128xf32, #tpu.memory_space<vmem>>, vector<16xf32>,
        %parallel_loop3A_397 = arith.constant 3 : i32
        %parallel_loop3A_398 = vector.broadcast %parallel_loop3A_397 : i32 to vector<16xi32>
        %parallel_loop3A_399 = arith.addi %parallel_loop3A_357, %parallel_loop3A_398 : vector<16xi32>
        %parallel_loop3A_400 = tpu.vector_load_idx %arg5[%parallel_loop3A_399] : memref<32xf32, #tpu.memory_space<vmem>>[vector<16xi32>], vector<16xf32>,
        %parallel_loop3A_401 = arith.constant 4 : i32
        %parallel_loop3A_402 = arith.muli %parallel_loop3A_289, %parallel_loop3A_401 : i32
        %parallel_loop3A_403 = arith.constant 3 : i32
        %parallel_loop3A_404 = arith.addi %parallel_loop3A_402, %parallel_loop3A_403 : i32
        %parallel_loop3A_405 = arith.constant 1 : i32
        %parallel_loop3A_406 = arith.index_cast %parallel_loop3A_405 : i32 to index
        %parallel_loop3A_407 = arith.index_cast %parallel_loop3A_404 : i32 to index
        %parallel_loop3A_408 = arith.constant 16 : index
        %parallel_loop3A_409 = tpu.vector_load %arg7[%parallel_loop3A_406, %parallel_loop3A_407, %parallel_loop3A_408] {strides = array<i32>} : memref<2x64x128xf32, #tpu.memory_space<vmem>>, vector<16xf32>,
        tpu.vector_store %arg7[%parallel_loop3A_406, %parallel_loop3A_407, %parallel_loop3A_408], %parallel_loop3A_400 {strides = array<i32>} : memref<2x64x128xf32, #tpu.memory_space<vmem>>, vector<16xf32>,
        %parallel_loop3A_410 = arith.constant 1 : i32
        %parallel_loop3A_411 = arith.index_cast %parallel_loop3A_410 : i32 to index
        %parallel_loop3A_412 = arith.index_cast %parallel_loop3A_289 : i32 to index
        %parallel_loop3A_413 = arith.constant 32 : index
        %parallel_loop3A_414 = tpu.vector_load %arg6[%parallel_loop3A_411, %parallel_loop3A_412, %parallel_loop3A_413] {strides = array<i32>} : memref<2x16x128xi32, #tpu.memory_space<vmem>>, vector<16xi32>,
        %parallel_loop3A_415 = arith.constant 4 : i32
        %parallel_loop3A_416 = vector.broadcast %parallel_loop3A_415 : i32 to vector<16xi32>
        %parallel_loop3A_417 = arith.muli %parallel_loop3A_414, %parallel_loop3A_416 : vector<16xi32>
        %parallel_loop3A_418 = arith.constant 0 : i32
        %parallel_loop3A_419 = vector.broadcast %parallel_loop3A_418 : i32 to vector<16xi32>
        %parallel_loop3A_420 = arith.addi %parallel_loop3A_417, %parallel_loop3A_419 : vector<16xi32>
        %parallel_loop3A_421 = tpu.vector_load_idx %arg5[%parallel_loop3A_420] : memref<32xf32, #tpu.memory_space<vmem>>[vector<16xi32>], vector<16xf32>,
        %parallel_loop3A_422 = arith.constant 4 : i32
        %parallel_loop3A_423 = arith.muli %parallel_loop3A_289, %parallel_loop3A_422 : i32
        %parallel_loop3A_424 = arith.constant 0 : i32
        %parallel_loop3A_425 = arith.addi %parallel_loop3A_423, %parallel_loop3A_424 : i32
        %parallel_loop3A_426 = arith.constant 1 : i32
        %parallel_loop3A_427 = arith.index_cast %parallel_loop3A_426 : i32 to index
        %parallel_loop3A_428 = arith.index_cast %parallel_loop3A_425 : i32 to index
        %parallel_loop3A_429 = arith.constant 32 : index
        %parallel_loop3A_430 = tpu.vector_load %arg7[%parallel_loop3A_427, %parallel_loop3A_428, %parallel_loop3A_429] {strides = array<i32>} : memref<2x64x128xf32, #tpu.memory_space<vmem>>, vector<16xf32>,
        tpu.vector_store %arg7[%parallel_loop3A_427, %parallel_loop3A_428, %parallel_loop3A_429], %parallel_loop3A_421 {strides = array<i32>} : memref<2x64x128xf32, #tpu.memory_space<vmem>>, vector<16xf32>,
        %parallel_loop3A_431 = arith.constant 1 : i32
        %parallel_loop3A_432 = vector.broadcast %parallel_loop3A_431 : i32 to vector<16xi32>
        %parallel_loop3A_433 = arith.addi %parallel_loop3A_417, %parallel_loop3A_432 : vector<16xi32>
        %parallel_loop3A_434 = tpu.vector_load_idx %arg5[%parallel_loop3A_433] : memref<32xf32, #tpu.memory_space<vmem>>[vector<16xi32>], vector<16xf32>,
        %parallel_loop3A_435 = arith.constant 4 : i32
        %parallel_loop3A_436 = arith.muli %parallel_loop3A_289, %parallel_loop3A_435 : i32
        %parallel_loop3A_437 = arith.constant 1 : i32
        %parallel_loop3A_438 = arith.addi %parallel_loop3A_436, %parallel_loop3A_437 : i32
        %parallel_loop3A_439 = arith.constant 1 : i32
        %parallel_loop3A_440 = arith.index_cast %parallel_loop3A_439 : i32 to index
        %parallel_loop3A_441 = arith.index_cast %parallel_loop3A_438 : i32 to index
        %parallel_loop3A_442 = arith.constant 32 : index
        %parallel_loop3A_443 = tpu.vector_load %arg7[%parallel_loop3A_440, %parallel_loop3A_441, %parallel_loop3A_442] {strides = array<i32>} : memref<2x64x128xf32, #tpu.memory_space<vmem>>, vector<16xf32>,
        tpu.vector_store %arg7[%parallel_loop3A_440, %parallel_loop3A_441, %parallel_loop3A_442], %parallel_loop3A_434 {strides = array<i32>} : memref<2x64x128xf32, #tpu.memory_space<vmem>>, vector<16xf32>,
        %parallel_loop3A_444 = arith.constant 2 : i32
        %parallel_loop3A_445 = vector.broadcast %parallel_loop3A_444 : i32 to vector<16xi32>
        %parallel_loop3A_446 = arith.addi %parallel_loop3A_417, %parallel_loop3A_445 : vector<16xi32>
        %parallel_loop3A_447 = tpu.vector_load_idx %arg5[%parallel_loop3A_446] : memref<32xf32, #tpu.memory_space<vmem>>[vector<16xi32>], vector<16xf32>,
        %parallel_loop3A_448 = arith.constant 4 : i32
        %parallel_loop3A_449 = arith.muli %parallel_loop3A_289, %parallel_loop3A_448 : i32
        %parallel_loop3A_450 = arith.constant 2 : i32
        %parallel_loop3A_451 = arith.addi %parallel_loop3A_449, %parallel_loop3A_450 : i32
        %parallel_loop3A_452 = arith.constant 1 : i32
        %parallel_loop3A_453 = arith.index_cast %parallel_loop3A_452 : i32 to index
        %parallel_loop3A_454 = arith.index_cast %parallel_loop3A_451 : i32 to index
        %parallel_loop3A_455 = arith.constant 32 : index
        %parallel_loop3A_456 = tpu.vector_load %arg7[%parallel_loop3A_453, %parallel_loop3A_454, %parallel_loop3A_455] {strides = array<i32>} : memref<2x64x128xf32, #tpu.memory_space<vmem>>, vector<16xf32>,
        tpu.vector_store %arg7[%parallel_loop3A_453, %parallel_loop3A_454, %parallel_loop3A_455], %parallel_loop3A_447 {strides = array<i32>} : memref<2x64x128xf32, #tpu.memory_space<vmem>>, vector<16xf32>,
        %parallel_loop3A_457 = arith.constant 3 : i32
        %parallel_loop3A_458 = vector.broadcast %parallel_loop3A_457 : i32 to vector<16xi32>
        %parallel_loop3A_459 = arith.addi %parallel_loop3A_417, %parallel_loop3A_458 : vector<16xi32>
        %parallel_loop3A_460 = tpu.vector_load_idx %arg5[%parallel_loop3A_459] : memref<32xf32, #tpu.memory_space<vmem>>[vector<16xi32>], vector<16xf32>,
        %parallel_loop3A_461 = arith.constant 4 : i32
        %parallel_loop3A_462 = arith.muli %parallel_loop3A_289, %parallel_loop3A_461 : i32
        %parallel_loop3A_463 = arith.constant 3 : i32
        %parallel_loop3A_464 = arith.addi %parallel_loop3A_462, %parallel_loop3A_463 : i32
        %parallel_loop3A_465 = arith.constant 1 : i32
        %parallel_loop3A_466 = arith.index_cast %parallel_loop3A_465 : i32 to index
        %parallel_loop3A_467 = arith.index_cast %parallel_loop3A_464 : i32 to index
        %parallel_loop3A_468 = arith.constant 32 : index
        %parallel_loop3A_469 = tpu.vector_load %arg7[%parallel_loop3A_466, %parallel_loop3A_467, %parallel_loop3A_468] {strides = array<i32>} : memref<2x64x128xf32, #tpu.memory_space<vmem>>, vector<16xf32>,
        tpu.vector_store %arg7[%parallel_loop3A_466, %parallel_loop3A_467, %parallel_loop3A_468], %parallel_loop3A_460 {strides = array<i32>} : memref<2x64x128xf32, #tpu.memory_space<vmem>>, vector<16xf32>,
        %parallel_loop3A_470 = arith.constant 1 : i32
        %parallel_loop3A_471 = arith.index_cast %parallel_loop3A_470 : i32 to index
        %parallel_loop3A_472 = arith.index_cast %parallel_loop3A_289 : i32 to index
        %parallel_loop3A_473 = arith.constant 48 : index
        %parallel_loop3A_474 = tpu.vector_load %arg6[%parallel_loop3A_471, %parallel_loop3A_472, %parallel_loop3A_473] {strides = array<i32>} : memref<2x16x128xi32, #tpu.memory_space<vmem>>, vector<16xi32>,
        %parallel_loop3A_475 = arith.constant 4 : i32
        %parallel_loop3A_476 = vector.broadcast %parallel_loop3A_475 : i32 to vector<16xi32>
        %parallel_loop3A_477 = arith.muli %parallel_loop3A_474, %parallel_loop3A_476 : vector<16xi32>
        %parallel_loop3A_478 = arith.constant 0 : i32
        %parallel_loop3A_479 = vector.broadcast %parallel_loop3A_478 : i32 to vector<16xi32>
        %parallel_loop3A_480 = arith.addi %parallel_loop3A_477, %parallel_loop3A_479 : vector<16xi32>
        %parallel_loop3A_481 = tpu.vector_load_idx %arg5[%parallel_loop3A_480] : memref<32xf32, #tpu.memory_space<vmem>>[vector<16xi32>], vector<16xf32>,
        %parallel_loop3A_482 = arith.constant 4 : i32
        %parallel_loop3A_483 = arith.muli %parallel_loop3A_289, %parallel_loop3A_482 : i32
        %parallel_loop3A_484 = arith.constant 0 : i32
        %parallel_loop3A_485 = arith.addi %parallel_loop3A_483, %parallel_loop3A_484 : i32
        %parallel_loop3A_486 = arith.constant 1 : i32
        %parallel_loop3A_487 = arith.index_cast %parallel_loop3A_486 : i32 to index
        %parallel_loop3A_488 = arith.index_cast %parallel_loop3A_485 : i32 to index
        %parallel_loop3A_489 = arith.constant 48 : index
        %parallel_loop3A_490 = tpu.vector_load %arg7[%parallel_loop3A_487, %parallel_loop3A_488, %parallel_loop3A_489] {strides = array<i32>} : memref<2x64x128xf32, #tpu.memory_space<vmem>>, vector<16xf32>,
        tpu.vector_store %arg7[%parallel_loop3A_487, %parallel_loop3A_488, %parallel_loop3A_489], %parallel_loop3A_481 {strides = array<i32>} : memref<2x64x128xf32, #tpu.memory_space<vmem>>, vector<16xf32>,
        %parallel_loop3A_491 = arith.constant 1 : i32
        %parallel_loop3A_492 = vector.broadcast %parallel_loop3A_491 : i32 to vector<16xi32>
        %parallel_loop3A_493 = arith.addi %parallel_loop3A_477, %parallel_loop3A_492 : vector<16xi32>
        %parallel_loop3A_494 = tpu.vector_load_idx %arg5[%parallel_loop3A_493] : memref<32xf32, #tpu.memory_space<vmem>>[vector<16xi32>], vector<16xf32>,
        %parallel_loop3A_495 = arith.constant 4 : i32
        %parallel_loop3A_496 = arith.muli %parallel_loop3A_289, %parallel_loop3A_495 : i32
        %parallel_loop3A_497 = arith.constant 1 : i32
        %parallel_loop3A_498 = arith.addi %parallel_loop3A_496, %parallel_loop3A_497 : i32
        %parallel_loop3A_499 = arith.constant 1 : i32
        %parallel_loop3A_500 = arith.index_cast %parallel_loop3A_499 : i32 to index
        %parallel_loop3A_501 = arith.index_cast %parallel_loop3A_498 : i32 to index
        %parallel_loop3A_502 = arith.constant 48 : index
        %parallel_loop3A_503 = tpu.vector_load %arg7[%parallel_loop3A_500, %parallel_loop3A_501, %parallel_loop3A_502] {strides = array<i32>} : memref<2x64x128xf32, #tpu.memory_space<vmem>>, vector<16xf32>,
        tpu.vector_store %arg7[%parallel_loop3A_500, %parallel_loop3A_501, %parallel_loop3A_502], %parallel_loop3A_494 {strides = array<i32>} : memref<2x64x128xf32, #tpu.memory_space<vmem>>, vector<16xf32>,
        %parallel_loop3A_504 = arith.constant 2 : i32
        %parallel_loop3A_505 = vector.broadcast %parallel_loop3A_504 : i32 to vector<16xi32>
        %parallel_loop3A_506 = arith.addi %parallel_loop3A_477, %parallel_loop3A_505 : vector<16xi32>
        %parallel_loop3A_507 = tpu.vector_load_idx %arg5[%parallel_loop3A_506] : memref<32xf32, #tpu.memory_space<vmem>>[vector<16xi32>], vector<16xf32>,
        %parallel_loop3A_508 = arith.constant 4 : i32
        %parallel_loop3A_509 = arith.muli %parallel_loop3A_289, %parallel_loop3A_508 : i32
        %parallel_loop3A_510 = arith.constant 2 : i32
        %parallel_loop3A_511 = arith.addi %parallel_loop3A_509, %parallel_loop3A_510 : i32
        %parallel_loop3A_512 = arith.constant 1 : i32
        %parallel_loop3A_513 = arith.index_cast %parallel_loop3A_512 : i32 to index
        %parallel_loop3A_514 = arith.index_cast %parallel_loop3A_511 : i32 to index
        %parallel_loop3A_515 = arith.constant 48 : index
        %parallel_loop3A_516 = tpu.vector_load %arg7[%parallel_loop3A_513, %parallel_loop3A_514, %parallel_loop3A_515] {strides = array<i32>} : memref<2x64x128xf32, #tpu.memory_space<vmem>>, vector<16xf32>,
        tpu.vector_store %arg7[%parallel_loop3A_513, %parallel_loop3A_514, %parallel_loop3A_515], %parallel_loop3A_507 {strides = array<i32>} : memref<2x64x128xf32, #tpu.memory_space<vmem>>, vector<16xf32>,
        %parallel_loop3A_517 = arith.constant 3 : i32
        %parallel_loop3A_518 = vector.broadcast %parallel_loop3A_517 : i32 to vector<16xi32>
        %parallel_loop3A_519 = arith.addi %parallel_loop3A_477, %parallel_loop3A_518 : vector<16xi32>
        %parallel_loop3A_520 = tpu.vector_load_idx %arg5[%parallel_loop3A_519] : memref<32xf32, #tpu.memory_space<vmem>>[vector<16xi32>], vector<16xf32>,
        %parallel_loop3A_521 = arith.constant 4 : i32
        %parallel_loop3A_522 = arith.muli %parallel_loop3A_289, %parallel_loop3A_521 : i32
        %parallel_loop3A_523 = arith.constant 3 : i32
        %parallel_loop3A_524 = arith.addi %parallel_loop3A_522, %parallel_loop3A_523 : i32
        %parallel_loop3A_525 = arith.constant 1 : i32
        %parallel_loop3A_526 = arith.index_cast %parallel_loop3A_525 : i32 to index
        %parallel_loop3A_527 = arith.index_cast %parallel_loop3A_524 : i32 to index
        %parallel_loop3A_528 = arith.constant 48 : index
        %parallel_loop3A_529 = tpu.vector_load %arg7[%parallel_loop3A_526, %parallel_loop3A_527, %parallel_loop3A_528] {strides = array<i32>} : memref<2x64x128xf32, #tpu.memory_space<vmem>>, vector<16xf32>,
        tpu.vector_store %arg7[%parallel_loop3A_526, %parallel_loop3A_527, %parallel_loop3A_528], %parallel_loop3A_520 {strides = array<i32>} : memref<2x64x128xf32, #tpu.memory_space<vmem>>, vector<16xf32>,
        %parallel_loop3A_530 = arith.constant 1 : i32
        %parallel_loop3A_531 = arith.index_cast %parallel_loop3A_530 : i32 to index
        %parallel_loop3A_532 = arith.index_cast %parallel_loop3A_289 : i32 to index
        %parallel_loop3A_533 = arith.constant 64 : index
        %parallel_loop3A_534 = tpu.vector_load %arg6[%parallel_loop3A_531, %parallel_loop3A_532, %parallel_loop3A_533] {strides = array<i32>} : memref<2x16x128xi32, #tpu.memory_space<vmem>>, vector<16xi32>,
        %parallel_loop3A_535 = arith.constant 4 : i32
        %parallel_loop3A_536 = vector.broadcast %parallel_loop3A_535 : i32 to vector<16xi32>
        %parallel_loop3A_537 = arith.muli %parallel_loop3A_534, %parallel_loop3A_536 : vector<16xi32>
        %parallel_loop3A_538 = arith.constant 0 : i32
        %parallel_loop3A_539 = vector.broadcast %parallel_loop3A_538 : i32 to vector<16xi32>
        %parallel_loop3A_540 = arith.addi %parallel_loop3A_537, %parallel_loop3A_539 : vector<16xi32>
        %parallel_loop3A_541 = tpu.vector_load_idx %arg5[%parallel_loop3A_540] : memref<32xf32, #tpu.memory_space<vmem>>[vector<16xi32>], vector<16xf32>,
        %parallel_loop3A_542 = arith.constant 4 : i32
        %parallel_loop3A_543 = arith.muli %parallel_loop3A_289, %parallel_loop3A_542 : i32
        %parallel_loop3A_544 = arith.constant 0 : i32
        %parallel_loop3A_545 = arith.addi %parallel_loop3A_543, %parallel_loop3A_544 : i32
        %parallel_loop3A_546 = arith.constant 1 : i32
        %parallel_loop3A_547 = arith.index_cast %parallel_loop3A_546 : i32 to index
        %parallel_loop3A_548 = arith.index_cast %parallel_loop3A_545 : i32 to index
        %parallel_loop3A_549 = arith.constant 64 : index
        %parallel_loop3A_550 = tpu.vector_load %arg7[%parallel_loop3A_547, %parallel_loop3A_548, %parallel_loop3A_549] {strides = array<i32>} : memref<2x64x128xf32, #tpu.memory_space<vmem>>, vector<16xf32>,
        tpu.vector_store %arg7[%parallel_loop3A_547, %parallel_loop3A_548, %parallel_loop3A_549], %parallel_loop3A_541 {strides = array<i32>} : memref<2x64x128xf32, #tpu.memory_space<vmem>>, vector<16xf32>,
        %parallel_loop3A_551 = arith.constant 1 : i32
        %parallel_loop3A_552 = vector.broadcast %parallel_loop3A_551 : i32 to vector<16xi32>
        %parallel_loop3A_553 = arith.addi %parallel_loop3A_537, %parallel_loop3A_552 : vector<16xi32>
        %parallel_loop3A_554 = tpu.vector_load_idx %arg5[%parallel_loop3A_553] : memref<32xf32, #tpu.memory_space<vmem>>[vector<16xi32>], vector<16xf32>,
        %parallel_loop3A_555 = arith.constant 4 : i32
        %parallel_loop3A_556 = arith.muli %parallel_loop3A_289, %parallel_loop3A_555 : i32
        %parallel_loop3A_557 = arith.constant 1 : i32
        %parallel_loop3A_558 = arith.addi %parallel_loop3A_556, %parallel_loop3A_557 : i32
        %parallel_loop3A_559 = arith.constant 1 : i32
        %parallel_loop3A_560 = arith.index_cast %parallel_loop3A_559 : i32 to index
        %parallel_loop3A_561 = arith.index_cast %parallel_loop3A_558 : i32 to index
        %parallel_loop3A_562 = arith.constant 64 : index
        %parallel_loop3A_563 = tpu.vector_load %arg7[%parallel_loop3A_560, %parallel_loop3A_561, %parallel_loop3A_562] {strides = array<i32>} : memref<2x64x128xf32, #tpu.memory_space<vmem>>, vector<16xf32>,
        tpu.vector_store %arg7[%parallel_loop3A_560, %parallel_loop3A_561, %parallel_loop3A_562], %parallel_loop3A_554 {strides = array<i32>} : memref<2x64x128xf32, #tpu.memory_space<vmem>>, vector<16xf32>,
        %parallel_loop3A_564 = arith.constant 2 : i32
        %parallel_loop3A_565 = vector.broadcast %parallel_loop3A_564 : i32 to vector<16xi32>
        %parallel_loop3A_566 = arith.addi %parallel_loop3A_537, %parallel_loop3A_565 : vector<16xi32>
        %parallel_loop3A_567 = tpu.vector_load_idx %arg5[%parallel_loop3A_566] : memref<32xf32, #tpu.memory_space<vmem>>[vector<16xi32>], vector<16xf32>,
        %parallel_loop3A_568 = arith.constant 4 : i32
        %parallel_loop3A_569 = arith.muli %parallel_loop3A_289, %parallel_loop3A_568 : i32
        %parallel_loop3A_570 = arith.constant 2 : i32
        %parallel_loop3A_571 = arith.addi %parallel_loop3A_569, %parallel_loop3A_570 : i32
        %parallel_loop3A_572 = arith.constant 1 : i32
        %parallel_loop3A_573 = arith.index_cast %parallel_loop3A_572 : i32 to index
        %parallel_loop3A_574 = arith.index_cast %parallel_loop3A_571 : i32 to index
        %parallel_loop3A_575 = arith.constant 64 : index
        %parallel_loop3A_576 = tpu.vector_load %arg7[%parallel_loop3A_573, %parallel_loop3A_574, %parallel_loop3A_575] {strides = array<i32>} : memref<2x64x128xf32, #tpu.memory_space<vmem>>, vector<16xf32>,
        tpu.vector_store %arg7[%parallel_loop3A_573, %parallel_loop3A_574, %parallel_loop3A_575], %parallel_loop3A_567 {strides = array<i32>} : memref<2x64x128xf32, #tpu.memory_space<vmem>>, vector<16xf32>,
        %parallel_loop3A_577 = arith.constant 3 : i32
        %parallel_loop3A_578 = vector.broadcast %parallel_loop3A_577 : i32 to vector<16xi32>
        %parallel_loop3A_579 = arith.addi %parallel_loop3A_537, %parallel_loop3A_578 : vector<16xi32>
        %parallel_loop3A_580 = tpu.vector_load_idx %arg5[%parallel_loop3A_579] : memref<32xf32, #tpu.memory_space<vmem>>[vector<16xi32>], vector<16xf32>,
        %parallel_loop3A_581 = arith.constant 4 : i32
        %parallel_loop3A_582 = arith.muli %parallel_loop3A_289, %parallel_loop3A_581 : i32
        %parallel_loop3A_583 = arith.constant 3 : i32
        %parallel_loop3A_584 = arith.addi %parallel_loop3A_582, %parallel_loop3A_583 : i32
        %parallel_loop3A_585 = arith.constant 1 : i32
        %parallel_loop3A_586 = arith.index_cast %parallel_loop3A_585 : i32 to index
        %parallel_loop3A_587 = arith.index_cast %parallel_loop3A_584 : i32 to index
        %parallel_loop3A_588 = arith.constant 64 : index
        %parallel_loop3A_589 = tpu.vector_load %arg7[%parallel_loop3A_586, %parallel_loop3A_587, %parallel_loop3A_588] {strides = array<i32>} : memref<2x64x128xf32, #tpu.memory_space<vmem>>, vector<16xf32>,
        tpu.vector_store %arg7[%parallel_loop3A_586, %parallel_loop3A_587, %parallel_loop3A_588], %parallel_loop3A_580 {strides = array<i32>} : memref<2x64x128xf32, #tpu.memory_space<vmem>>, vector<16xf32>,
        %parallel_loop3A_590 = arith.constant 1 : i32
        %parallel_loop3A_591 = arith.index_cast %parallel_loop3A_590 : i32 to index
        %parallel_loop3A_592 = arith.index_cast %parallel_loop3A_289 : i32 to index
        %parallel_loop3A_593 = arith.constant 80 : index
        %parallel_loop3A_594 = tpu.vector_load %arg6[%parallel_loop3A_591, %parallel_loop3A_592, %parallel_loop3A_593] {strides = array<i32>} : memref<2x16x128xi32, #tpu.memory_space<vmem>>, vector<16xi32>,
        %parallel_loop3A_595 = arith.constant 4 : i32
        %parallel_loop3A_596 = vector.broadcast %parallel_loop3A_595 : i32 to vector<16xi32>
        %parallel_loop3A_597 = arith.muli %parallel_loop3A_594, %parallel_loop3A_596 : vector<16xi32>
        %parallel_loop3A_598 = arith.constant 0 : i32
        %parallel_loop3A_599 = vector.broadcast %parallel_loop3A_598 : i32 to vector<16xi32>
        %parallel_loop3A_600 = arith.addi %parallel_loop3A_597, %parallel_loop3A_599 : vector<16xi32>
        %parallel_loop3A_601 = tpu.vector_load_idx %arg5[%parallel_loop3A_600] : memref<32xf32, #tpu.memory_space<vmem>>[vector<16xi32>], vector<16xf32>,
        %parallel_loop3A_602 = arith.constant 4 : i32
        %parallel_loop3A_603 = arith.muli %parallel_loop3A_289, %parallel_loop3A_602 : i32
        %parallel_loop3A_604 = arith.constant 0 : i32
        %parallel_loop3A_605 = arith.addi %parallel_loop3A_603, %parallel_loop3A_604 : i32
        %parallel_loop3A_606 = arith.constant 1 : i32
        %parallel_loop3A_607 = arith.index_cast %parallel_loop3A_606 : i32 to index
        %parallel_loop3A_608 = arith.index_cast %parallel_loop3A_605 : i32 to index
        %parallel_loop3A_609 = arith.constant 80 : index
        %parallel_loop3A_610 = tpu.vector_load %arg7[%parallel_loop3A_607, %parallel_loop3A_608, %parallel_loop3A_609] {strides = array<i32>} : memref<2x64x128xf32, #tpu.memory_space<vmem>>, vector<16xf32>,
        tpu.vector_store %arg7[%parallel_loop3A_607, %parallel_loop3A_608, %parallel_loop3A_609], %parallel_loop3A_601 {strides = array<i32>} : memref<2x64x128xf32, #tpu.memory_space<vmem>>, vector<16xf32>,
        %parallel_loop3A_611 = arith.constant 1 : i32
        %parallel_loop3A_612 = vector.broadcast %parallel_loop3A_611 : i32 to vector<16xi32>
        %parallel_loop3A_613 = arith.addi %parallel_loop3A_597, %parallel_loop3A_612 : vector<16xi32>
        %parallel_loop3A_614 = tpu.vector_load_idx %arg5[%parallel_loop3A_613] : memref<32xf32, #tpu.memory_space<vmem>>[vector<16xi32>], vector<16xf32>,
        %parallel_loop3A_615 = arith.constant 4 : i32
        %parallel_loop3A_616 = arith.muli %parallel_loop3A_289, %parallel_loop3A_615 : i32
        %parallel_loop3A_617 = arith.constant 1 : i32
        %parallel_loop3A_618 = arith.addi %parallel_loop3A_616, %parallel_loop3A_617 : i32
        %parallel_loop3A_619 = arith.constant 1 : i32
        %parallel_loop3A_620 = arith.index_cast %parallel_loop3A_619 : i32 to index
        %parallel_loop3A_621 = arith.index_cast %parallel_loop3A_618 : i32 to index
        %parallel_loop3A_622 = arith.constant 80 : index
        %parallel_loop3A_623 = tpu.vector_load %arg7[%parallel_loop3A_620, %parallel_loop3A_621, %parallel_loop3A_622] {strides = array<i32>} : memref<2x64x128xf32, #tpu.memory_space<vmem>>, vector<16xf32>,
        tpu.vector_store %arg7[%parallel_loop3A_620, %parallel_loop3A_621, %parallel_loop3A_622], %parallel_loop3A_614 {strides = array<i32>} : memref<2x64x128xf32, #tpu.memory_space<vmem>>, vector<16xf32>,
        %parallel_loop3A_624 = arith.constant 2 : i32
        %parallel_loop3A_625 = vector.broadcast %parallel_loop3A_624 : i32 to vector<16xi32>
        %parallel_loop3A_626 = arith.addi %parallel_loop3A_597, %parallel_loop3A_625 : vector<16xi32>
        %parallel_loop3A_627 = tpu.vector_load_idx %arg5[%parallel_loop3A_626] : memref<32xf32, #tpu.memory_space<vmem>>[vector<16xi32>], vector<16xf32>,
        %parallel_loop3A_628 = arith.constant 4 : i32
        %parallel_loop3A_629 = arith.muli %parallel_loop3A_289, %parallel_loop3A_628 : i32
        %parallel_loop3A_630 = arith.constant 2 : i32
        %parallel_loop3A_631 = arith.addi %parallel_loop3A_629, %parallel_loop3A_630 : i32
        %parallel_loop3A_632 = arith.constant 1 : i32
        %parallel_loop3A_633 = arith.index_cast %parallel_loop3A_632 : i32 to index
        %parallel_loop3A_634 = arith.index_cast %parallel_loop3A_631 : i32 to index
        %parallel_loop3A_635 = arith.constant 80 : index
        %parallel_loop3A_636 = tpu.vector_load %arg7[%parallel_loop3A_633, %parallel_loop3A_634, %parallel_loop3A_635] {strides = array<i32>} : memref<2x64x128xf32, #tpu.memory_space<vmem>>, vector<16xf32>,
        tpu.vector_store %arg7[%parallel_loop3A_633, %parallel_loop3A_634, %parallel_loop3A_635], %parallel_loop3A_627 {strides = array<i32>} : memref<2x64x128xf32, #tpu.memory_space<vmem>>, vector<16xf32>,
        %parallel_loop3A_637 = arith.constant 3 : i32
        %parallel_loop3A_638 = vector.broadcast %parallel_loop3A_637 : i32 to vector<16xi32>
        %parallel_loop3A_639 = arith.addi %parallel_loop3A_597, %parallel_loop3A_638 : vector<16xi32>
        %parallel_loop3A_640 = tpu.vector_load_idx %arg5[%parallel_loop3A_639] : memref<32xf32, #tpu.memory_space<vmem>>[vector<16xi32>], vector<16xf32>,
        %parallel_loop3A_641 = arith.constant 4 : i32
        %parallel_loop3A_642 = arith.muli %parallel_loop3A_289, %parallel_loop3A_641 : i32
        %parallel_loop3A_643 = arith.constant 3 : i32
        %parallel_loop3A_644 = arith.addi %parallel_loop3A_642, %parallel_loop3A_643 : i32
        %parallel_loop3A_645 = arith.constant 1 : i32
        %parallel_loop3A_646 = arith.index_cast %parallel_loop3A_645 : i32 to index
        %parallel_loop3A_647 = arith.index_cast %parallel_loop3A_644 : i32 to index
        %parallel_loop3A_648 = arith.constant 80 : index
        %parallel_loop3A_649 = tpu.vector_load %arg7[%parallel_loop3A_646, %parallel_loop3A_647, %parallel_loop3A_648] {strides = array<i32>} : memref<2x64x128xf32, #tpu.memory_space<vmem>>, vector<16xf32>,
        tpu.vector_store %arg7[%parallel_loop3A_646, %parallel_loop3A_647, %parallel_loop3A_648], %parallel_loop3A_640 {strides = array<i32>} : memref<2x64x128xf32, #tpu.memory_space<vmem>>, vector<16xf32>,
        %parallel_loop3A_650 = arith.constant 1 : i32
        %parallel_loop3A_651 = arith.index_cast %parallel_loop3A_650 : i32 to index
        %parallel_loop3A_652 = arith.index_cast %parallel_loop3A_289 : i32 to index
        %parallel_loop3A_653 = arith.constant 96 : index
        %parallel_loop3A_654 = tpu.vector_load %arg6[%parallel_loop3A_651, %parallel_loop3A_652, %parallel_loop3A_653] {strides = array<i32>} : memref<2x16x128xi32, #tpu.memory_space<vmem>>, vector<16xi32>,
        %parallel_loop3A_655 = arith.constant 4 : i32
        %parallel_loop3A_656 = vector.broadcast %parallel_loop3A_655 : i32 to vector<16xi32>
        %parallel_loop3A_657 = arith.muli %parallel_loop3A_654, %parallel_loop3A_656 : vector<16xi32>
        %parallel_loop3A_658 = arith.constant 0 : i32
        %parallel_loop3A_659 = vector.broadcast %parallel_loop3A_658 : i32 to vector<16xi32>
        %parallel_loop3A_660 = arith.addi %parallel_loop3A_657, %parallel_loop3A_659 : vector<16xi32>
        %parallel_loop3A_661 = tpu.vector_load_idx %arg5[%parallel_loop3A_660] : memref<32xf32, #tpu.memory_space<vmem>>[vector<16xi32>], vector<16xf32>,
        %parallel_loop3A_662 = arith.constant 4 : i32
        %parallel_loop3A_663 = arith.muli %parallel_loop3A_289, %parallel_loop3A_662 : i32
        %parallel_loop3A_664 = arith.constant 0 : i32
        %parallel_loop3A_665 = arith.addi %parallel_loop3A_663, %parallel_loop3A_664 : i32
        %parallel_loop3A_666 = arith.constant 1 : i32
        %parallel_loop3A_667 = arith.index_cast %parallel_loop3A_666 : i32 to index
        %parallel_loop3A_668 = arith.index_cast %parallel_loop3A_665 : i32 to index
        %parallel_loop3A_669 = arith.constant 96 : index
        %parallel_loop3A_670 = tpu.vector_load %arg7[%parallel_loop3A_667, %parallel_loop3A_668, %parallel_loop3A_669] {strides = array<i32>} : memref<2x64x128xf32, #tpu.memory_space<vmem>>, vector<16xf32>,
        tpu.vector_store %arg7[%parallel_loop3A_667, %parallel_loop3A_668, %parallel_loop3A_669], %parallel_loop3A_661 {strides = array<i32>} : memref<2x64x128xf32, #tpu.memory_space<vmem>>, vector<16xf32>,
        %parallel_loop3A_671 = arith.constant 1 : i32
        %parallel_loop3A_672 = vector.broadcast %parallel_loop3A_671 : i32 to vector<16xi32>
        %parallel_loop3A_673 = arith.addi %parallel_loop3A_657, %parallel_loop3A_672 : vector<16xi32>
        %parallel_loop3A_674 = tpu.vector_load_idx %arg5[%parallel_loop3A_673] : memref<32xf32, #tpu.memory_space<vmem>>[vector<16xi32>], vector<16xf32>,
        %parallel_loop3A_675 = arith.constant 4 : i32
        %parallel_loop3A_676 = arith.muli %parallel_loop3A_289, %parallel_loop3A_675 : i32
        %parallel_loop3A_677 = arith.constant 1 : i32
        %parallel_loop3A_678 = arith.addi %parallel_loop3A_676, %parallel_loop3A_677 : i32
        %parallel_loop3A_679 = arith.constant 1 : i32
        %parallel_loop3A_680 = arith.index_cast %parallel_loop3A_679 : i32 to index
        %parallel_loop3A_681 = arith.index_cast %parallel_loop3A_678 : i32 to index
        %parallel_loop3A_682 = arith.constant 96 : index
        %parallel_loop3A_683 = tpu.vector_load %arg7[%parallel_loop3A_680, %parallel_loop3A_681, %parallel_loop3A_682] {strides = array<i32>} : memref<2x64x128xf32, #tpu.memory_space<vmem>>, vector<16xf32>,
        tpu.vector_store %arg7[%parallel_loop3A_680, %parallel_loop3A_681, %parallel_loop3A_682], %parallel_loop3A_674 {strides = array<i32>} : memref<2x64x128xf32, #tpu.memory_space<vmem>>, vector<16xf32>,
        %parallel_loop3A_684 = arith.constant 2 : i32
        %parallel_loop3A_685 = vector.broadcast %parallel_loop3A_684 : i32 to vector<16xi32>
        %parallel_loop3A_686 = arith.addi %parallel_loop3A_657, %parallel_loop3A_685 : vector<16xi32>
        %parallel_loop3A_687 = tpu.vector_load_idx %arg5[%parallel_loop3A_686] : memref<32xf32, #tpu.memory_space<vmem>>[vector<16xi32>], vector<16xf32>,
        %parallel_loop3A_688 = arith.constant 4 : i32
        %parallel_loop3A_689 = arith.muli %parallel_loop3A_289, %parallel_loop3A_688 : i32
        %parallel_loop3A_690 = arith.constant 2 : i32
        %parallel_loop3A_691 = arith.addi %parallel_loop3A_689, %parallel_loop3A_690 : i32
        %parallel_loop3A_692 = arith.constant 1 : i32
        %parallel_loop3A_693 = arith.index_cast %parallel_loop3A_692 : i32 to index
        %parallel_loop3A_694 = arith.index_cast %parallel_loop3A_691 : i32 to index
        %parallel_loop3A_695 = arith.constant 96 : index
        %parallel_loop3A_696 = tpu.vector_load %arg7[%parallel_loop3A_693, %parallel_loop3A_694, %parallel_loop3A_695] {strides = array<i32>} : memref<2x64x128xf32, #tpu.memory_space<vmem>>, vector<16xf32>,
        tpu.vector_store %arg7[%parallel_loop3A_693, %parallel_loop3A_694, %parallel_loop3A_695], %parallel_loop3A_687 {strides = array<i32>} : memref<2x64x128xf32, #tpu.memory_space<vmem>>, vector<16xf32>,
        %parallel_loop3A_697 = arith.constant 3 : i32
        %parallel_loop3A_698 = vector.broadcast %parallel_loop3A_697 : i32 to vector<16xi32>
        %parallel_loop3A_699 = arith.addi %parallel_loop3A_657, %parallel_loop3A_698 : vector<16xi32>
        %parallel_loop3A_700 = tpu.vector_load_idx %arg5[%parallel_loop3A_699] : memref<32xf32, #tpu.memory_space<vmem>>[vector<16xi32>], vector<16xf32>,
        %parallel_loop3A_701 = arith.constant 4 : i32
        %parallel_loop3A_702 = arith.muli %parallel_loop3A_289, %parallel_loop3A_701 : i32
        %parallel_loop3A_703 = arith.constant 3 : i32
        %parallel_loop3A_704 = arith.addi %parallel_loop3A_702, %parallel_loop3A_703 : i32
        %parallel_loop3A_705 = arith.constant 1 : i32
        %parallel_loop3A_706 = arith.index_cast %parallel_loop3A_705 : i32 to index
        %parallel_loop3A_707 = arith.index_cast %parallel_loop3A_704 : i32 to index
        %parallel_loop3A_708 = arith.constant 96 : index
        %parallel_loop3A_709 = tpu.vector_load %arg7[%parallel_loop3A_706, %parallel_loop3A_707, %parallel_loop3A_708] {strides = array<i32>} : memref<2x64x128xf32, #tpu.memory_space<vmem>>, vector<16xf32>,
        tpu.vector_store %arg7[%parallel_loop3A_706, %parallel_loop3A_707, %parallel_loop3A_708], %parallel_loop3A_700 {strides = array<i32>} : memref<2x64x128xf32, #tpu.memory_space<vmem>>, vector<16xf32>,
        %parallel_loop3A_710 = arith.constant 1 : i32
        %parallel_loop3A_711 = arith.index_cast %parallel_loop3A_710 : i32 to index
        %parallel_loop3A_712 = arith.index_cast %parallel_loop3A_289 : i32 to index
        %parallel_loop3A_713 = arith.constant 112 : index
        %parallel_loop3A_714 = tpu.vector_load %arg6[%parallel_loop3A_711, %parallel_loop3A_712, %parallel_loop3A_713] {strides = array<i32>} : memref<2x16x128xi32, #tpu.memory_space<vmem>>, vector<16xi32>,
        %parallel_loop3A_715 = arith.constant 4 : i32
        %parallel_loop3A_716 = vector.broadcast %parallel_loop3A_715 : i32 to vector<16xi32>
        %parallel_loop3A_717 = arith.muli %parallel_loop3A_714, %parallel_loop3A_716 : vector<16xi32>
        %parallel_loop3A_718 = arith.constant 0 : i32
        %parallel_loop3A_719 = vector.broadcast %parallel_loop3A_718 : i32 to vector<16xi32>
        %parallel_loop3A_720 = arith.addi %parallel_loop3A_717, %parallel_loop3A_719 : vector<16xi32>
        %parallel_loop3A_721 = tpu.vector_load_idx %arg5[%parallel_loop3A_720] : memref<32xf32, #tpu.memory_space<vmem>>[vector<16xi32>], vector<16xf32>,
        %parallel_loop3A_722 = arith.constant 4 : i32
        %parallel_loop3A_723 = arith.muli %parallel_loop3A_289, %parallel_loop3A_722 : i32
        %parallel_loop3A_724 = arith.constant 0 : i32
        %parallel_loop3A_725 = arith.addi %parallel_loop3A_723, %parallel_loop3A_724 : i32
        %parallel_loop3A_726 = arith.constant 1 : i32
        %parallel_loop3A_727 = arith.index_cast %parallel_loop3A_726 : i32 to index
        %parallel_loop3A_728 = arith.index_cast %parallel_loop3A_725 : i32 to index
        %parallel_loop3A_729 = arith.constant 112 : index
        %parallel_loop3A_730 = tpu.vector_load %arg7[%parallel_loop3A_727, %parallel_loop3A_728, %parallel_loop3A_729] {strides = array<i32>} : memref<2x64x128xf32, #tpu.memory_space<vmem>>, vector<16xf32>,
        tpu.vector_store %arg7[%parallel_loop3A_727, %parallel_loop3A_728, %parallel_loop3A_729], %parallel_loop3A_721 {strides = array<i32>} : memref<2x64x128xf32, #tpu.memory_space<vmem>>, vector<16xf32>,
        %parallel_loop3A_731 = arith.constant 1 : i32
        %parallel_loop3A_732 = vector.broadcast %parallel_loop3A_731 : i32 to vector<16xi32>
        %parallel_loop3A_733 = arith.addi %parallel_loop3A_717, %parallel_loop3A_732 : vector<16xi32>
        %parallel_loop3A_734 = tpu.vector_load_idx %arg5[%parallel_loop3A_733] : memref<32xf32, #tpu.memory_space<vmem>>[vector<16xi32>], vector<16xf32>,
        %parallel_loop3A_735 = arith.constant 4 : i32
        %parallel_loop3A_736 = arith.muli %parallel_loop3A_289, %parallel_loop3A_735 : i32
        %parallel_loop3A_737 = arith.constant 1 : i32
        %parallel_loop3A_738 = arith.addi %parallel_loop3A_736, %parallel_loop3A_737 : i32
        %parallel_loop3A_739 = arith.constant 1 : i32
        %parallel_loop3A_740 = arith.index_cast %parallel_loop3A_739 : i32 to index
        %parallel_loop3A_741 = arith.index_cast %parallel_loop3A_738 : i32 to index
        %parallel_loop3A_742 = arith.constant 112 : index
        %parallel_loop3A_743 = tpu.vector_load %arg7[%parallel_loop3A_740, %parallel_loop3A_741, %parallel_loop3A_742] {strides = array<i32>} : memref<2x64x128xf32, #tpu.memory_space<vmem>>, vector<16xf32>,
        tpu.vector_store %arg7[%parallel_loop3A_740, %parallel_loop3A_741, %parallel_loop3A_742], %parallel_loop3A_734 {strides = array<i32>} : memref<2x64x128xf32, #tpu.memory_space<vmem>>, vector<16xf32>,
        %parallel_loop3A_744 = arith.constant 2 : i32
        %parallel_loop3A_745 = vector.broadcast %parallel_loop3A_744 : i32 to vector<16xi32>
        %parallel_loop3A_746 = arith.addi %parallel_loop3A_717, %parallel_loop3A_745 : vector<16xi32>
        %parallel_loop3A_747 = tpu.vector_load_idx %arg5[%parallel_loop3A_746] : memref<32xf32, #tpu.memory_space<vmem>>[vector<16xi32>], vector<16xf32>,
        %parallel_loop3A_748 = arith.constant 4 : i32
        %parallel_loop3A_749 = arith.muli %parallel_loop3A_289, %parallel_loop3A_748 : i32
        %parallel_loop3A_750 = arith.constant 2 : i32
        %parallel_loop3A_751 = arith.addi %parallel_loop3A_749, %parallel_loop3A_750 : i32
        %parallel_loop3A_752 = arith.constant 1 : i32
        %parallel_loop3A_753 = arith.index_cast %parallel_loop3A_752 : i32 to index
        %parallel_loop3A_754 = arith.index_cast %parallel_loop3A_751 : i32 to index
        %parallel_loop3A_755 = arith.constant 112 : index
        %parallel_loop3A_756 = tpu.vector_load %arg7[%parallel_loop3A_753, %parallel_loop3A_754, %parallel_loop3A_755] {strides = array<i32>} : memref<2x64x128xf32, #tpu.memory_space<vmem>>, vector<16xf32>,
        tpu.vector_store %arg7[%parallel_loop3A_753, %parallel_loop3A_754, %parallel_loop3A_755], %parallel_loop3A_747 {strides = array<i32>} : memref<2x64x128xf32, #tpu.memory_space<vmem>>, vector<16xf32>,
        %parallel_loop3A_757 = arith.constant 3 : i32
        %parallel_loop3A_758 = vector.broadcast %parallel_loop3A_757 : i32 to vector<16xi32>
        %parallel_loop3A_759 = arith.addi %parallel_loop3A_717, %parallel_loop3A_758 : vector<16xi32>
        %parallel_loop3A_760 = tpu.vector_load_idx %arg5[%parallel_loop3A_759] : memref<32xf32, #tpu.memory_space<vmem>>[vector<16xi32>], vector<16xf32>,
        %parallel_loop3A_761 = arith.constant 4 : i32
        %parallel_loop3A_762 = arith.muli %parallel_loop3A_289, %parallel_loop3A_761 : i32
        %parallel_loop3A_763 = arith.constant 3 : i32
        %parallel_loop3A_764 = arith.addi %parallel_loop3A_762, %parallel_loop3A_763 : i32
        %parallel_loop3A_765 = arith.constant 1 : i32
        %parallel_loop3A_766 = arith.index_cast %parallel_loop3A_765 : i32 to index
        %parallel_loop3A_767 = arith.index_cast %parallel_loop3A_764 : i32 to index
        %parallel_loop3A_768 = arith.constant 112 : index
        %parallel_loop3A_769 = tpu.vector_load %arg7[%parallel_loop3A_766, %parallel_loop3A_767, %parallel_loop3A_768] {strides = array<i32>} : memref<2x64x128xf32, #tpu.memory_space<vmem>>, vector<16xf32>,
        tpu.vector_store %arg7[%parallel_loop3A_766, %parallel_loop3A_767, %parallel_loop3A_768], %parallel_loop3A_760 {strides = array<i32>} : memref<2x64x128xf32, #tpu.memory_space<vmem>>, vector<16xf32>,
      } {sc.loop_unroll_factor = 8 : i64, sc.parallel_access}
      %mul3A_269 = arith.constant 50 : i32
      %mul3A_270 = arith.muli %select_n3A, %mul3A_269 : i32
      %add3A_271 = arith.addi %mul3A_270, %add3A_208 : i32
      %mul3A_272 = arith.constant 4 : i32
      %mul3A_273 = arith.muli %mul3A_32, %mul3A_272 : i32
      %dma_start3A_274 = arith.constant 1 : i32
      %dma_start3A_275 = arith.constant 0 : i32
      %dma_start3A_276 = arith.constant 0 : i32
      %dma_start3A_277 = tpu.memref_slice %arg7[%dma_start3A_274, %dma_start3A_275, %dma_start3A_276] : memref<2x64x128xf32, #tpu.memory_space<vmem>> -> memref<1x64x128xf32, #tpu.memory_space<vmem>>
      %dma_start3A_278 = tpu.memref_squeeze %dma_start3A_277 : memref<1x64x128xf32, #tpu.memory_space<vmem>> -> memref<64x128xf32, #tpu.memory_space<vmem>>
      %dma_start3A_279 = arith.constant 0 : i32
      %dma_start3A_280 = tpu.memref_slice %arg4[%add3A_271, %mul3A_273, %dma_start3A_279] : memref<200x512x128xf32, #tpu.memory_space<hbm>> -> memref<1x64x128xf32, #tpu.memory_space<hbm>>
      %dma_start3A_281 = tpu.memref_squeeze %dma_start3A_280 : memref<1x64x128xf32, #tpu.memory_space<hbm>> -> memref<64x128xf32, #tpu.memory_space<hbm>>
      %dma_start3A_282 = arith.constant 0 : i32
      %dma_start3A_283 = tpu.memref_slice %arg4[%add3A_271, %mul3A_273, %dma_start3A_282] : memref<200x512x128xf32, #tpu.memory_space<hbm>> -> memref<1x64x128xf32, #tpu.memory_space<hbm>>
      %dma_start3A_284 = tpu.memref_squeeze %dma_start3A_283 : memref<1x64x128xf32, #tpu.memory_space<hbm>> -> memref<64x128xf32, #tpu.memory_space<hbm>>
      %dma_start3A_285 = arith.constant 0 : i32
      %dma_start3A_286 = arith.constant 0 : i32
      %dma_start3A_287 = tpu.memref_slice %arg7[%dma_start3A_274, %dma_start3A_285, %dma_start3A_286] : memref<2x64x128xf32, #tpu.memory_space<vmem>> -> memref<1x64x128xf32, #tpu.memory_space<vmem>>
      %dma_start3A_288 = tpu.memref_squeeze %dma_start3A_287 : memref<1x64x128xf32, #tpu.memory_space<vmem>> -> memref<64x128xf32, #tpu.memory_space<vmem>>
      tpu.enqueue_dma source(%dma_start3A_288 : memref<64x128xf32, #tpu.memory_space<vmem>>) target(%dma_start3A_284 : memref<64x128xf32, #tpu.memory_space<hbm>>) target_semaphore(%arg11 : memref<!tpu.dma_semaphore, #tpu.memory_space<semaphore_mem>>)
    }
    %scan3A_82 = arith.constant 25 : i32
    %mul3A_83 = arith.constant 50 : i32
    %mul3A_84 = arith.muli %select_n3A, %mul3A_83 : i32
    %add3A_85 = arith.constant 48 : i32
    %add3A_86 = arith.addi %mul3A_84, %add3A_85 : i32
    %mul3A_87 = arith.constant 4 : i32
    %mul3A_88 = arith.muli %mul3A_32, %mul3A_87 : i32
    %dma_wait3A = arith.constant 0 : i32
    %dma_wait3A_89 = arith.constant 0 : i32
    %dma_wait3A_90 = arith.constant 0 : i32
    %dma_wait3A_91 = tpu.memref_slice %arg7[%dma_wait3A, %dma_wait3A_89, %dma_wait3A_90] : memref<2x64x128xf32, #tpu.memory_space<vmem>> -> memref<1x64x128xf32, #tpu.memory_space<vmem>>
    %dma_wait3A_92 = tpu.memref_squeeze %dma_wait3A_91 : memref<1x64x128xf32, #tpu.memory_space<vmem>> -> memref<64x128xf32, #tpu.memory_space<vmem>>
    %dma_wait3A_93 = arith.constant 0 : i32
    %dma_wait3A_94 = tpu.memref_slice %arg4[%add3A_86, %mul3A_88, %dma_wait3A_93] : memref<200x512x128xf32, #tpu.memory_space<hbm>> -> memref<1x64x128xf32, #tpu.memory_space<hbm>>
    %dma_wait3A_95 = tpu.memref_squeeze %dma_wait3A_94 : memref<1x64x128xf32, #tpu.memory_space<hbm>> -> memref<64x128xf32, #tpu.memory_space<hbm>>
    %dma_wait3A_96 = arith.constant 0 : i32
    %dma_wait3A_97 = tpu.memref_slice %arg4[%add3A_86, %mul3A_88, %dma_wait3A_96] : memref<200x512x128xf32, #tpu.memory_space<hbm>> -> memref<1x64x128xf32, #tpu.memory_space<hbm>>
    %dma_wait3A_98 = tpu.memref_squeeze %dma_wait3A_97 : memref<1x64x128xf32, #tpu.memory_space<hbm>> -> memref<64x128xf32, #tpu.memory_space<hbm>>
    %dma_wait3A_99 = arith.constant 0 : i32
    %dma_wait3A_100 = arith.constant 0 : i32
    %dma_wait3A_101 = tpu.memref_slice %arg7[%dma_wait3A, %dma_wait3A_99, %dma_wait3A_100] : memref<2x64x128xf32, #tpu.memory_space<vmem>> -> memref<1x64x128xf32, #tpu.memory_space<vmem>>
    %dma_wait3A_102 = tpu.memref_squeeze %dma_wait3A_101 : memref<1x64x128xf32, #tpu.memory_space<vmem>> -> memref<64x128xf32, #tpu.memory_space<vmem>>
    tpu.wait_dma2 semaphore(%arg10 : memref<!tpu.dma_semaphore, #tpu.memory_space<semaphore_mem>>) src(%dma_wait3A_102 : memref<64x128xf32, #tpu.memory_space<vmem>>) dst(%dma_wait3A_98 : memref<64x128xf32, #tpu.memory_space<hbm>>)
    %mul3A_103 = arith.constant 50 : i32
    %mul3A_104 = arith.muli %select_n3A, %mul3A_103 : i32
    %add3A_105 = arith.constant 49 : i32
    %add3A_106 = arith.addi %mul3A_104, %add3A_105 : i32
    %mul3A_107 = arith.constant 4 : i32
    %mul3A_108 = arith.muli %mul3A_32, %mul3A_107 : i32
    %dma_wait3A_109 = arith.constant 1 : i32
    %dma_wait3A_110 = arith.constant 0 : i32
    %dma_wait3A_111 = arith.constant 0 : i32
    %dma_wait3A_112 = tpu.memref_slice %arg7[%dma_wait3A_109, %dma_wait3A_110, %dma_wait3A_111] : memref<2x64x128xf32, #tpu.memory_space<vmem>> -> memref<1x64x128xf32, #tpu.memory_space<vmem>>
    %dma_wait3A_113 = tpu.memref_squeeze %dma_wait3A_112 : memref<1x64x128xf32, #tpu.memory_space<vmem>> -> memref<64x128xf32, #tpu.memory_space<vmem>>
    %dma_wait3A_114 = arith.constant 0 : i32
    %dma_wait3A_115 = tpu.memref_slice %arg4[%add3A_106, %mul3A_108, %dma_wait3A_114] : memref<200x512x128xf32, #tpu.memory_space<hbm>> -> memref<1x64x128xf32, #tpu.memory_space<hbm>>
    %dma_wait3A_116 = tpu.memref_squeeze %dma_wait3A_115 : memref<1x64x128xf32, #tpu.memory_space<hbm>> -> memref<64x128xf32, #tpu.memory_space<hbm>>
    %dma_wait3A_117 = arith.constant 0 : i32
    %dma_wait3A_118 = tpu.memref_slice %arg4[%add3A_106, %mul3A_108, %dma_wait3A_117] : memref<200x512x128xf32, #tpu.memory_space<hbm>> -> memref<1x64x128xf32, #tpu.memory_space<hbm>>
    %dma_wait3A_119 = tpu.memref_squeeze %dma_wait3A_118 : memref<1x64x128xf32, #tpu.memory_space<hbm>> -> memref<64x128xf32, #tpu.memory_space<hbm>>
    %dma_wait3A_120 = arith.constant 0 : i32
    %dma_wait3A_121 = arith.constant 0 : i32
    %dma_wait3A_122 = tpu.memref_slice %arg7[%dma_wait3A_109, %dma_wait3A_120, %dma_wait3A_121] : memref<2x64x128xf32, #tpu.memory_space<vmem>> -> memref<1x64x128xf32, #tpu.memory_space<vmem>>
    %dma_wait3A_123 = tpu.memref_squeeze %dma_wait3A_122 : memref<1x64x128xf32, #tpu.memory_space<vmem>> -> memref<64x128xf32, #tpu.memory_space<vmem>>
    tpu.wait_dma2 semaphore(%arg11 : memref<!tpu.dma_semaphore, #tpu.memory_space<semaphore_mem>>) src(%dma_wait3A_123 : memref<64x128xf32, #tpu.memory_space<vmem>>) dst(%dma_wait3A_119 : memref<64x128xf32, #tpu.memory_space<hbm>>)
    return
  }
}

</mosaic_0001>

<sc_bundles>
// kernel: kernel.3.cloned.1.call-start
scs
__scs_entry_jumppad:
0x0: {  	(pc) =	sbr.rel $0x88, $3  }
0x1: {  	(tag) =	ssettag $0x0;
	lr =	simm.s32 $0x1  }
0x2: {  	[smem:$0x3F9F] =	sst lr;
	_ =	strace $0xD0000000  }
0x3: {  	_ = 	snop  }
0x4: {  	_ = 	snop  }
0x5: {  	_ = 	snop  }
0x6: {  	_ = 	snop  }
0x7: {  	_ = 	snop  }
__scs_overlays_trampoline_lowered:
0x8: {  	[smem:$0x3FAE] =	sst s0  }
0x9: {  	[smem:$0x3FAF] =	sst s1  }
0xa: {  	[smem:$0x3FB0] =	sst s2  }
0xb: {  	[smem:$0x3FB1] =	sst s3  }
0xc: {  	[smem:$0x3FB2] =	sst s4  }
0xd: {  	[smem:$0x3FB3] =	sst s5  }
0xe: {  	[smem:$0x3FB4] =	sst s6  }
0xf: {  	[smem:$0x3FB5] =	sst s7  }
0x10: {  	[smem:$0x3FB6] =	sst s8  }
0x11: {  	[smem:$0x3FB7] =	sst s9;
	s0 =	simm.s32 @!p0 $0x0  }
0x12: {  	s1 =	sld [smem:$0x3F9D];
	s0 =	simm.s32 @p0 $0x1  }
0x13: {  	[smem:$0x3FB8] =	sst s0;
	s0 =	simm.s32 @!p1 $0x0  }
0x14: {  	s2 =	sld [smem:$0x3F9C];
	s0 =	simm.s32 @p1 $0x1  }
0x15: {  	[smem:$0x3FB9] =	sst s0;
	s0 =	simm.s32 @!p2 $0x0  }
0x16: {  	s3 =	sld [smem:$0x3FDB];
	s0 =	simm.s32 @p2 $0x1  }
0x17: {  	s4 =	simm.s32 $0x1BF5;
	[smem:$0x3FBB] =	sst s0  }
0x18: {  	s0 =	sld [smem:$0x3F9E];
	_ =	swait.ge [sflag:s4], $0x0  }
0x19: {  	s7 =	sld [smem:$0x3F9F]  }
0x1a: {  	s8 =	sadd.s32 $0xFFFFE003, lr  }
0x1b: {  	s9 =	sadd.s32 $0xFFFFFEF7, lr;
	s5 =	simm.s32 $0xFFFFFFFF;
	p2 =	slt.u32 s8, $0xFFFFF086  }
0x1c: {  	p1 =	slt.u32 s9, $0xF7A;
	s5 =	simm.s32 @!p2 $0x0  }
0x1d: {  	s5 =	simm.s32 @p1 $0x1;
	p0 =	seq.s32 s7, s2  }
0x1e: {  	s7 =	smul.u32 @!p0 $0xF7A, s2;
	p2 =	seq.s32 @!p0 s5, $0x0  }
0x1f: {  	s9 =	smul.u32 $0xF7A, s1;
	s8 =	simm.s32 @!p0 $0x1BF5;
	p2 =	por !p2, p0  }
0x20: {  	[sflag:s8] =	ssyncset.s32 @!p0 $0xFFFFF086;
	s6 =	sadd.s32 @!p0 s3, s7;
	s7 =	simm.s32 @!p0 $0x108  }
0x21: {  	s3 =	sadd.s32 s3, s9;
	s6 =	sadd.s32 @!p0 $0x88, s6;
	s7 =	simm.s32 @p2 $0x1082  }
0x22: {  	[simem:s7], [sflag:s8] =	dma.local @!p0 [hbm:s6], $0xF7A  }
0x23: {  	s9 =	sor.u32 $0xD0000000, s2;
	s6 =	simm.s32 $0x108;
	_ =	swait.ge @!p0 [sflag:s8], $0x0  }
0x24: {  	s3 =	sadd.s32 $0x88, s3;
	s6 =	simm.s32 @!p1 $0x1082;
	[sflag:s4] =	ssyncset.s32 $0xFFFFF086  }
0x25: {  	[simem:s6], [sflag:s4] =	dma.local [hbm:s3], $0xF7A  }
0x26: {  	[smem:$0x3F9F] =	sst s1;
	(tag) =	ssettag s2;
	_ =	strace s9  }
0x27: {  	s1 =	sld [smem:$0x3FAF]  }
0x28: {  	s2 =	sld [smem:$0x3FB0]  }
0x29: {  	s4 =	sld [smem:$0x3FB2]  }
0x2a: {  	p0 =	seq.s32 s5, $0x0;
	s5 =	sld [smem:$0x3FB3]  }
0x2b: {  	s6 =	sld [smem:$0x3FB4]  }
0x2c: {  	s7 =	sld [smem:$0x3FB5]  }
0x2d: {  	s3 =	simm.s32 $0x108;
	s8 =	sld [smem:$0x3FB6]  }
0x2e: {  	s3 =	simm.s32 @!p0 $0x1082;
	s9 =	sld [smem:$0x3FB7]  }
0x2f: {  	lr =	sadd.s32 s0, s3;
	s0 =	sld [smem:$0x3FAE]  }
0x30: {  	s3 =	sld [smem:$0x3FB1]  }
0x31: {  	[smem:$0x3FBA] =	sst s10  }
0x32: {  	s10 =	sld [smem:$0x3FB8];
	_ =	sdelay $0x3  }
0x33: {  	p0 =	seq.s32 s10, $0x1;
	s10 =	sld [smem:$0x3FBA];
	_ =	sdelay $0x3  }
0x34: {  	[smem:$0x3FBA] =	sst s10  }
0x35: {  	s10 =	sld [smem:$0x3FB9];
	_ =	sdelay $0x3  }
0x36: {  	p1 =	seq.s32 s10, $0x1;
	s10 =	sld [smem:$0x3FBA];
	_ =	sdelay $0x3  }
0x37: {  	[smem:$0x3FBA] =	sst s10  }
0x38: {  	s10 =	sld [smem:$0x3FBB]  }
0x39: {  	_ = 	snop;
	(pc) =	sbr.ind lr, $3  }
0x3a: {  	_ = 	snop  }
0x3b: {  	_ = 	snop  }
0x3c: {  	p2 =	seq.s32 s10, $0x1;
	s10 =	sld [smem:$0x3FBA]  }
0x3d: {  	_ =	shalt  }
0x3e: {  	_ =	shalt  }
0x3f: {  	_ =	shalt  }
0x40: {  	_ =	shalt  }
0x41: {  	_ =	shalt  }
0x42: {  	_ =	shalt  }
0x43: {  	_ =	shalt  }
0x44: {  	_ =	shalt  }
0x45: {  	_ =	shalt  }
0x46: {  	_ =	shalt  }
0x47: {  	_ =	shalt  }
0x48: {  	_ =	shalt  }
0x49: {  	_ =	shalt  }
0x4a: {  	_ =	shalt  }
0x4b: {  	_ =	shalt  }
0x4c: {  	_ =	shalt  }
0x4d: {  	_ =	shalt  }
0x4e: {  	_ =	shalt  }
0x4f: {  	_ =	shalt  }
0x50: {  	_ =	shalt  }
0x51: {  	_ =	shalt  }
0x52: {  	_ =	shalt  }
0x53: {  	_ =	shalt  }
0x54: {  	_ =	shalt  }
0x55: {  	_ =	shalt  }
0x56: {  	_ =	shalt  }
0x57: {  	_ =	shalt  }
0x58: {  	_ =	shalt  }
0x59: {  	_ =	shalt  }
0x5a: {  	_ =	shalt  }
0x5b: {  	_ =	shalt  }
0x5c: {  	_ =	shalt  }
0x5d: {  	_ =	shalt  }
0x5e: {  	_ =	shalt  }
0x5f: {  	_ =	shalt  }
0x60: {  	_ =	shalt  }
0x61: {  	_ =	shalt  }
0x62: {  	_ =	shalt  }
0x63: {  	_ =	shalt  }
0x64: {  	_ =	shalt  }
0x65: {  	_ =	shalt  }
0x66: {  	_ =	shalt  }
0x67: {  	_ =	shalt  }
0x68: {  	_ =	shalt  }
0x69: {  	_ =	shalt  }
0x6a: {  	_ =	shalt  }
0x6b: {  	_ =	shalt  }
0x6c: {  	_ =	shalt  }
0x6d: {  	_ =	shalt  }
0x6e: {  	_ =	shalt  }
0x6f: {  	_ =	shalt  }
0x70: {  	_ =	shalt  }
0x71: {  	_ =	shalt  }
0x72: {  	_ =	shalt  }
0x73: {  	_ =	shalt  }
0x74: {  	_ =	shalt  }
0x75: {  	_ =	shalt  }
0x76: {  	_ =	shalt  }
0x77: {  	_ =	shalt  }
0x78: {  	_ =	shalt  }
0x79: {  	_ =	shalt  }
0x7a: {  	_ =	shalt  }
0x7b: {  	_ =	shalt  }
0x7c: {  	_ =	shalt  }
0x7d: {  	_ =	shalt  }
0x7e: {  	_ =	shalt  }
0x7f: {  	_ =	shalt  }
0x80: {  	_ =	shalt  }
0x81: {  	_ =	shalt  }
0x82: {  	_ =	shalt  }
0x83: {  	_ =	shalt  }
0x84: {  	_ =	shalt  }
0x85: {  	_ =	shalt  }
0x86: {  	_ =	shalt  }
0x87: {  	_ =	shalt  }
.Lfunc_end0:
.L_simem_size_0:
called_computation_lowered:
.L_overlay_start_0:
0x88: {  	s2 =	sld [smem:$0x3FD9]  }
0x89: {  	s3 =	sld [smem:$0x3FFE];
	_ =	sdelay $0x1  }
0x8a: {  	s1 =	srdreg.scid  }
0x8b: {  	s0 =	sand.u32 $0x1, s1  }
0x8c: {  	s17 =	sshll.u32 s0, $0xA;
	s2 =	sadd.s32 s3, s2  }
0x8d: {  	s2 =	sadd.s32 s2, s17  }
0x8e: {  	[smem:$0x3FC6] =	sst s2  }
0x8f: {  	_ = 	snop  }
0x90: {  	s2 =	sld [smem:$0x3FC9]  }
0x91: {  	s18 =	sld [smem:$0x3FD0];
	(tm) =	ssettm $0x1  }
0x92: {  	s4 =	sld [smem:$0x3FFB];
	_ =	sdelay $0x3  }
0x93: {  	_ =	strace s4  }
0x94: {  	s4 =	sld [smem:$0x3FFC];
	_ =	sdelay $0x3  }
0x95: {  	_ =	strace s4  }
0x96: {  	s4 =	sld [smem:$0x3FFD];
	_ =	sdelay $0x3  }
0x97: {  	_ =	strace s4  }
0x98: {  	_ =	strace $0x8FFFFFFF  }
0x99: {  	s19 =	sld [smem:$0x3FDB];
	_ =	sdelay $0x1  }
0x9a: {  	s5 =	simm.s32 $_scs_section_size  }
0x9b: {  	s6 =	simm.s32 $_size__tile_overlayer_lowered;
	s7 =	simm.s32 $_tile_overlayer_lowered  }
0x9c: {  	s22 =	simm.s32 $0x1BFF;
	s21 =	sshll.u32 s7, $0x1;
	s4 =	sadd.s32 s5, s19  }
0x9d: {  	s8 =	simm.s32 $0x0;
	s20 =	sshll.u32 s6, $0x1;
	s6 =	sadd.s32 s21, s4  }
0x9e: {  	[timem:s8], [sflag:s22] =	dma.local [hbm:s6], s20  }
0x9f: {  	_ =	swait.ge [sflag:s22], s20  }
0xa0: {  	s5 =	ssub.s32 $0x0, s20;
	[sflag:s22] =	ssyncset.done $0x0  }
0xa1: {  	[sflag:s22] =	ssyncadd.s32 s5;
	_ =	sdelay $0x1  }
0xa2: {  	s23 =	simm.s32 $0x1B8B  }
0xa3: {  	_ =	swait.ge [sflag:s23], $0x1  }
0xa4: {  	[sflag:s23] =	ssyncset.done $0x0  }
0xa5: {  	s25 =	simm.s32 $0x1B8E;
	s24 =	sld [smem:$0x3FFE];
	[sflag:s23] =	ssyncadd.s32 $0xFFFFFFFF  }
0xa6: {  	s26 =	simm.s32 $execute0_lowered;
	[smem:$0x3FD2] =	sst s25  }
0xa7: {  	s6 =	sshll.u32 s26, $0x1;
	_ =	strace $0x80000046;
	[dreg:$0x1] =	wrdreg $0xFFFFFFFF  }
0xa8: {  	s28 =	simm.s32 $_size_execute0_lowered;
	s4 =	sadd.s32 s4, s6;
	[dreg:$0x0] =	wrdreg $0x0  }
0xa9: {  	s6 =	sshll.u32 s28, $0x1;
	[dreg:$0x2] =	wrdreg s4  }
0xaa: {  	[dreg:$0x3] =	wrdreg s6  }
0xab: {  	[dreg:$0x4] =	wrdreg $0xC0  }
0xac: {  	_ =	task [dreg:s8], $0x5FFFF  }
0xad: {  	[dreg:$0x1] =	wrdreg $0xFFFFFFFF  }
0xae: {  	[dreg:$0x0] =	wrdreg $0x60  }
0xaf: {  	[dreg:$0x2] =	wrdreg s24  }
0xb0: {  	[dreg:$0x3] =	wrdreg s2  }
0xb1: {  	[dreg:$0x4] =	wrdreg s18  }
0xb2: {  	[dreg:$0x5] =	wrdreg $0x9  }
0xb3: {  	_ =	task.clear_ibuf [dreg:s8], $0x6FFFF;
	_ =	strace $0x90000046  }
0xb4: {  	s29 =	simm.s32 $0x9;
	_ =	strace $0x80000048  }
0xb5: {  	_ =	swait.ge [sflag:s29], $0x1  }
0xb6: {  	[sflag:s29] =	ssyncadd.s32 $0xFFFFFFFF  }
0xb7: {  	_ =	strace $0x90000048  }
0xb8: {  	_ =	sfence  }
0xb9: {  	s30 =	sld [smem:$0x0];
	_ =	sdelay $0x2  }
0xba: {  	s31 =	sshll.u32 s1, $0xD;
	s1 =	sshrl.u32 s1, $0x2  }
0xbb: {  	s3 =	sand.u32 $0x4000, s31;
	s1 =	sadd.s32 s1, s30  }
0xbc: {  	s0 =	sor.u32 s3, s0;
	s1 =	sshll.u32 s1, $0x11  }
0xbd: {  	s0 =	sor.u32 s1, s0  }
0xbe: {  	s0 =	sadd.s32 $0x8F2B, s0  }
0xbf: {  	[sflag:s0] =	ssyncadd.remote.s32 $0x1  }
0xc0: {  	_ =	sfence.sel $0xFFFF  }
0xc1: {  	[dreg:$0x0] =	wrdreg $0xFFFFFFFF;
	(pc) =	sbr.abs _section_cstart, $3  }
0xc2: {  	[dreg:$0x1] =	wrdreg $0xFFFFFFFF  }
0xc3: {  	_ =	task.clear_ibuf [dreg:s8], $0x2FFFF;
	_ =	strace $0x9FFFFFFF  }
0xc4: {  	(tm) =	ssettm $0x7FFFFFFF  }
0xc5: {  	_ =	shalt  }
tec
execute0_lowered:
.L_overlay_start_1:
0x0: {  	(tag) =	ssettag $0x1  }
0x1: {  	s0 =	rddreg [dreg:$0x0]  }
0x2: {  	s12 =	rddreg [dreg:$0x1]  }
0x3: {  	s3 =	rddreg [dreg:$0x2];
	s2 =	stileid.u32;
	s4 =	simm.s32 $0x0  }
0x4: {  	s6 =	srdreg.scid;
	s13 =	simm.s32 $0x400;
	s14 =	simm.s32 $0x80  }
0x5: {  	s16 =	simm.s32 $0x1;
	s18 =	simm.s32 $0x2;
	s1 =	sshrl.u32 s2, $0x2  }
0x6: {  	s7 =	sshll.u32 s2, $0x1;
	[smem:$0x7FF] =	sst s4;
	s8 =	sand.u32 $0x1, s6  }
0x7: {  	s0 =	sadd.s32 $0x400, s0;
	s5 =	smul.u32 $0x32, s1;
	s26 =	sand.u32 $0x6, s7  }
0x8: {  	s9 =	smul.u32 $0x1900, s1;
	s1 =	sshll.u32 s1, $0x8;
	_ =	strace $0x80000047  }
0x9: {  	[dreg:$0x4] =	wrdreg s0;
	s7 =	sor.u32 s8, s26;
	s28 =	sshrl.u32 s5, $0x3  }
0xa: {  	s8 =	ssub.s32 $0x2, s8;
	s10 =	sshll.u32 s28, $0x11;
	s11 =	sshll.u32 s28, $0xA  }
0xb: {  	s6 =	sshll.u32 s7, $0xE;
	s9 =	ssub.s32 s9, s11;
	s1 =	sor.u32 s10, s1  }
0xc: {  	s29 =	sshrl.u32 s8, $0x1;
	s9 =	sand.u32 $0xFFFFFC00, s9;
	s1 =	sor.u32 s6, s1  }
0xd: {  	s31 =	sadd.s32 $0x2, s5;
	s30 =	ssub.s32 s8, s29;
	s1 =	sadd.s32 s9, s1  }
0xe: {  	[dreg:$0x6] =	wrdreg s31;
	s0 =	smax.u32 s30, $0x1;
	s1 =	sshrl.u32 s1, $0x3  }
0xf: {  	s19 =	simm.s32 $0x4;
	[dreg:$0x7] =	wrdreg s0;
	s1 =	sadd.s32 s12, s1  }
0x10: {  	s9 =	sshll.u32 s7, $0xD;
	[dreg:$0x5] =	wrdreg s1;
	s1 =	simm.s32 $0x0  }
.LBB2_1:
0x11: {  	[dreg:$0x8] =	wrdreg s1  }
0x12: {  	s0 =	rddreg [dreg:$0x4];
	s30 =	simm.s32 $0x5  }
0x13: {  	[tilespmem:s4], [sflag:$0x5] =	stream.linear.gather [hbm4b:s0+s4], $0x80, $0x38;
	[tilespmem:$0x5080] =	vst v63  }
0x14: {  	_ =	swait.ge [sflag:s30], $0x80  }
0x15: {  	[sflag:s30] =	ssyncset.done $0x0  }
0x16: {  	s23 =	simm.s32 $0x0;
	s31 =	rddreg [dreg:$0x5];
	[sflag:s30] =	ssyncadd.s32 $0xFFFFFF80  }
0x17: {  	[tilespmem:s14], [sflag:$0x1] =	stream.strided.gather [hbm4b:s31+s14], $0x800, s13, s14, $0x38;
	[tilespmem:$0x5080] =	vst v63  }
.LBB2_2:
0x18: {  	s25 =	sshll.u32 s23, $0x1  }
0x19: {  	s26 =	sadd.s32 s5, s25  }
0x1a: {  	s24 =	sadd.s32 $0x1, s26  }
0x1b: {  	s0 =	sshrl.u32 s24, $0x3;
	s1 =	sshll.u32 s24, $0x7  }
0x1c: {  	s7 =	sshll.u32 s0, $0x11;
	s0 =	sshll.u32 s0, $0xA;
	s8 =	sand.u32 $0x380, s1  }
0x1d: {  	s0 =	ssub.s32 s1, s0;
	s29 =	sor.u32 s8, s7  }
0x1e: {  	s0 =	sand.u32 $0xFFFFFC00, s0;
	s1 =	sor.u32 s6, s29  }
0x1f: {  	s0 =	sadd.s32 s0, s1  }
0x20: {  	s30 =	rddreg [dreg:$0x1];
	s0 =	sshrl.u32 s0, $0x3  }
0x21: {  	s31 =	simm.s32 $0x880;
	s0 =	sadd.s32 s30, s0  }
0x22: {  	[tilespmem:s31], [sflag:$0x2] =	stream.strided.gather [hbm4b:s0+s14], $0x800, s13, s14, $0x38;
	[tilespmem:$0x5080] =	vst v63  }
0x23: {  	_ =	swait.ge [sflag:s16], $0x800  }
0x24: {  	p0 =	seq.s32 s23, $0x0;
	[sflag:s16] =	ssyncset.done $0x0  }
0x25: {  	s0 =	simm.s32 @!p0 $0x3;
	[sflag:s16] =	ssyncadd.s32 $0xFFFFF800  }
0x26: {  	_ =	swait.ge @!p0 [sflag:s0], $0x2000  }
0x27: {  	[sflag:s0] =	ssyncset.done @!p0 $0x0  }
0x28: {  	p1 =	por $0x1, $0x1;
	[sflag:s0] =	ssyncadd.s32 @!p0 $0xFFFFE000;
	s0 =	simm.s32 $0x0  }
.LBB2_3:
0x29: {  	s0 =	sshll.u32 s0, $0x9  }
0x2a: {  	s7 =	sshra.s32 s0, $0x2  }
0x2b: {  	v0 =	vld [tilespmem:s7+$0x80];
	_ =	sdelay $0x4  }
0x2c: {  	v0 =	vshll.u32 v0, $0x2;
	_ =	sdelay $0x4  }
0x2d: {  	v1 =	vld.idx.msk [tilespmem:v0+s4+$0x0], $0xffff  }
0x2e: {  	v2 =	vor.u32 $0x1, v0;
	_ =	sdelay $0x2  }
0x2f: {  	s1 =	sand.u32 $0x3FFFFE00, s0  }
0x30: {  	[tilespmem:s1+$0x1080] =	vst v1  }
0x31: {  	v1 =	vld.idx.msk [tilespmem:v2+s4+$0x0], $0xffff  }
0x32: {  	v19 =	vor.u32 $0x2, v0;
	_ =	sdelay $0x3  }
0x33: {  	[tilespmem:s1+$0x1100] =	vst v1  }
0x34: {  	v1 =	vld.idx.msk [tilespmem:v19+s4+$0x0], $0xffff  }
0x35: {  	v0 =	vor.u32 $0x3, v0;
	_ =	sdelay $0x3  }
0x36: {  	[tilespmem:s1+$0x1180] =	vst v1  }
0x37: {  	v0 =	vld.idx.msk [tilespmem:v0+s4+$0x0], $0xffff;
	_ =	sdelay $0x4  }
0x38: {  	[tilespmem:s1+$0x1200] =	vst v0  }
0x39: {  	v0 =	vld [tilespmem:s7+$0x90];
	_ =	sdelay $0x4  }
0x3a: {  	v0 =	vshll.u32 v0, $0x2;
	_ =	sdelay $0x4  }
0x3b: {  	v1 =	vld.idx.msk [tilespmem:v0+s4+$0x0], $0xffff  }
0x3c: {  	v20 =	vor.u32 $0x1, v0;
	_ =	sdelay $0x3  }
0x3d: {  	[tilespmem:s1+$0x1090] =	vst v1  }
0x3e: {  	v1 =	vld.idx.msk [tilespmem:v20+s4+$0x0], $0xffff  }
0x3f: {  	v21 =	vor.u32 $0x2, v0;
	_ =	sdelay $0x3  }
0x40: {  	[tilespmem:s1+$0x1110] =	vst v1  }
0x41: {  	v1 =	vld.idx.msk [tilespmem:v21+s4+$0x0], $0xffff  }
0x42: {  	v0 =	vor.u32 $0x3, v0;
	_ =	sdelay $0x3  }
0x43: {  	[tilespmem:s1+$0x1190] =	vst v1  }
0x44: {  	v0 =	vld.idx.msk [tilespmem:v0+s4+$0x0], $0xffff;
	_ =	sdelay $0x4  }
0x45: {  	[tilespmem:s1+$0x1210] =	vst v0  }
0x46: {  	v0 =	vld [tilespmem:s7+$0xA0];
	_ =	sdelay $0x4  }
0x47: {  	v0 =	vshll.u32 v0, $0x2;
	_ =	sdelay $0x4  }
0x48: {  	v1 =	vld.idx.msk [tilespmem:v0+s4+$0x0], $0xffff  }
0x49: {  	v22 =	vor.u32 $0x1, v0;
	_ =	sdelay $0x3  }
0x4a: {  	[tilespmem:s1+$0x10A0] =	vst v1  }
0x4b: {  	v1 =	vld.idx.msk [tilespmem:v22+s4+$0x0], $0xffff  }
0x4c: {  	v23 =	vor.u32 $0x2, v0;
	_ =	sdelay $0x3  }
0x4d: {  	[tilespmem:s1+$0x1120] =	vst v1  }
0x4e: {  	v1 =	vld.idx.msk [tilespmem:v23+s4+$0x0], $0xffff  }
0x4f: {  	v0 =	vor.u32 $0x3, v0;
	_ =	sdelay $0x3  }
0x50: {  	[tilespmem:s1+$0x11A0] =	vst v1  }
0x51: {  	v0 =	vld.idx.msk [tilespmem:v0+s4+$0x0], $0xffff;
	_ =	sdelay $0x4  }
0x52: {  	[tilespmem:s1+$0x1220] =	vst v0  }
0x53: {  	v0 =	vld [tilespmem:s7+$0xB0];
	_ =	sdelay $0x4  }
0x54: {  	v0 =	vshll.u32 v0, $0x2;
	_ =	sdelay $0x4  }
0x55: {  	v1 =	vld.idx.msk [tilespmem:v0+s4+$0x0], $0xffff  }
0x56: {  	v24 =	vor.u32 $0x1, v0;
	_ =	sdelay $0x3  }
0x57: {  	[tilespmem:s1+$0x10B0] =	vst v1  }
0x58: {  	v1 =	vld.idx.msk [tilespmem:v24+s4+$0x0], $0xffff  }
0x59: {  	v25 =	vor.u32 $0x2, v0;
	_ =	sdelay $0x3  }
0x5a: {  	[tilespmem:s1+$0x1130] =	vst v1  }
0x5b: {  	v1 =	vld.idx.msk [tilespmem:v25+s4+$0x0], $0xffff  }
0x5c: {  	v0 =	vor.u32 $0x3, v0;
	_ =	sdelay $0x3  }
0x5d: {  	[tilespmem:s1+$0x11B0] =	vst v1  }
0x5e: {  	v0 =	vld.idx.msk [tilespmem:v0+s4+$0x0], $0xffff;
	_ =	sdelay $0x4  }
0x5f: {  	[tilespmem:s1+$0x1230] =	vst v0  }
0x60: {  	v0 =	vld [tilespmem:s7+$0xC0];
	_ =	sdelay $0x4  }
0x61: {  	v0 =	vshll.u32 v0, $0x2;
	_ =	sdelay $0x4  }
0x62: {  	v1 =	vld.idx.msk [tilespmem:v0+s4+$0x0], $0xffff  }
0x63: {  	v26 =	vor.u32 $0x1, v0;
	_ =	sdelay $0x3  }
0x64: {  	[tilespmem:s1+$0x10C0] =	vst v1  }
0x65: {  	v1 =	vld.idx.msk [tilespmem:v26+s4+$0x0], $0xffff  }
0x66: {  	v27 =	vor.u32 $0x2, v0;
	_ =	sdelay $0x3  }
0x67: {  	[tilespmem:s1+$0x1140] =	vst v1  }
0x68: {  	v1 =	vld.idx.msk [tilespmem:v27+s4+$0x0], $0xffff  }
0x69: {  	v0 =	vor.u32 $0x3, v0;
	_ =	sdelay $0x3  }
0x6a: {  	[tilespmem:s1+$0x11C0] =	vst v1  }
0x6b: {  	v0 =	vld.idx.msk [tilespmem:v0+s4+$0x0], $0xffff;
	_ =	sdelay $0x4  }
0x6c: {  	[tilespmem:s1+$0x1240] =	vst v0  }
0x6d: {  	v0 =	vld [tilespmem:s7+$0xD0];
	_ =	sdelay $0x4  }
0x6e: {  	v0 =	vshll.u32 v0, $0x2;
	_ =	sdelay $0x4  }
0x6f: {  	v1 =	vld.idx.msk [tilespmem:v0+s4+$0x0], $0xffff  }
0x70: {  	v28 =	vor.u32 $0x1, v0;
	_ =	sdelay $0x3  }
0x71: {  	[tilespmem:s1+$0x10D0] =	vst v1  }
0x72: {  	v1 =	vld.idx.msk [tilespmem:v28+s4+$0x0], $0xffff  }
0x73: {  	v29 =	vor.u32 $0x2, v0;
	_ =	sdelay $0x3  }
0x74: {  	[tilespmem:s1+$0x1150] =	vst v1  }
0x75: {  	v1 =	vld.idx.msk [tilespmem:v29+s4+$0x0], $0xffff  }
0x76: {  	v0 =	vor.u32 $0x3, v0;
	_ =	sdelay $0x3  }
0x77: {  	[tilespmem:s1+$0x11D0] =	vst v1  }
0x78: {  	v0 =	vld.idx.msk [tilespmem:v0+s4+$0x0], $0xffff;
	_ =	sdelay $0x4  }
0x79: {  	[tilespmem:s1+$0x1250] =	vst v0  }
0x7a: {  	v0 =	vld [tilespmem:s7+$0xE0];
	_ =	sdelay $0x4  }
0x7b: {  	v0 =	vshll.u32 v0, $0x2;
	_ =	sdelay $0x4  }
0x7c: {  	v1 =	vld.idx.msk [tilespmem:v0+s4+$0x0], $0xffff  }
0x7d: {  	v30 =	vor.u32 $0x1, v0;
	_ =	sdelay $0x3  }
0x7e: {  	[tilespmem:s1+$0x10E0] =	vst v1  }
0x7f: {  	v1 =	vld.idx.msk [tilespmem:v30+s4+$0x0], $0xffff  }
0x80: {  	v31 =	vor.u32 $0x2, v0;
	_ =	sdelay $0x3  }
0x81: {  	[tilespmem:s1+$0x1160] =	vst v1  }
0x82: {  	v1 =	vld.idx.msk [tilespmem:v31+s4+$0x0], $0xffff  }
0x83: {  	v0 =	vor.u32 $0x3, v0;
	_ =	sdelay $0x3  }
0x84: {  	[tilespmem:s1+$0x11E0] =	vst v1  }
0x85: {  	v0 =	vld.idx.msk [tilespmem:v0+s4+$0x0], $0xffff;
	_ =	sdelay $0x4  }
0x86: {  	[tilespmem:s1+$0x1260] =	vst v0  }
0x87: {  	v0 =	vld [tilespmem:s7+$0xF0];
	_ =	sdelay $0x4  }
0x88: {  	v0 =	vshll.u32 v0, $0x2;
	_ =	sdelay $0x4  }
0x89: {  	v1 =	vld.idx.msk [tilespmem:v0+s4+$0x0], $0xffff  }
0x8a: {  	s28 =	sor.u32 $0x200, s0;
	v32 =	vor.u32 $0x1, v0  }
0x8b: {  	s8 =	sshra.s32 s28, $0x2  }
0x8c: {  	v3 =	vld [tilespmem:s8+$0x80];
	_ =	sdelay $0x1  }
0x8d: {  	[tilespmem:s1+$0x10F0] =	vst v1  }
0x8e: {  	v1 =	vld.idx.msk [tilespmem:v32+s4+$0x0], $0xffff  }
0x8f: {  	v33 =	vor.u32 $0x2, v0  }
0x90: {  	v3 =	vshll.u32 v3, $0x2;
	_ =	sdelay $0x2  }
0x91: {  	[tilespmem:s1+$0x1170] =	vst v1  }
0x92: {  	v1 =	vld.idx.msk [tilespmem:v33+s4+$0x0], $0xffff  }
0x93: {  	v34 =	vld.idx.msk [tilespmem:v3+s4+$0x0], $0xffff;
	v0 =	vor.u32 $0x3, v0  }
0x94: {  	v4 =	vor.u32 $0x1, v3;
	_ =	sdelay $0x2  }
0x95: {  	s28 =	sand.u32 $0x3FFFFE00, s28;
	[tilespmem:s1+$0x11F0] =	vst v1  }
0x96: {  	[tilespmem:s28+$0x1080] =	vst v34;
	v0 =	vld.idx.msk [tilespmem:v0+s4+$0x0], $0xffff  }
0x97: {  	v35 =	vld.idx.msk [tilespmem:v4+s4+$0x0], $0xffff  }
0x98: {  	v36 =	vor.u32 $0x2, v3;
	_ =	sdelay $0x2  }
0x99: {  	[tilespmem:s1+$0x1270] =	vst v0  }
0x9a: {  	[tilespmem:s28+$0x1100] =	vst v35  }
0x9b: {  	v37 =	vld.idx.msk [tilespmem:v36+s4+$0x0], $0xffff  }
0x9c: {  	v38 =	vor.u32 $0x3, v3;
	_ =	sdelay $0x3  }
0x9d: {  	[tilespmem:s28+$0x1180] =	vst v37  }
0x9e: {  	v0 =	vld.idx.msk [tilespmem:v38+s4+$0x0], $0xffff;
	_ =	sdelay $0x4  }
0x9f: {  	[tilespmem:s28+$0x1200] =	vst v0  }
0xa0: {  	v0 =	vld [tilespmem:s8+$0x90];
	_ =	sdelay $0x4  }
0xa1: {  	v0 =	vshll.u32 v0, $0x2;
	_ =	sdelay $0x4  }
0xa2: {  	v39 =	vld.idx.msk [tilespmem:v0+s4+$0x0], $0xffff  }
0xa3: {  	v40 =	vor.u32 $0x1, v0;
	_ =	sdelay $0x3  }
0xa4: {  	[tilespmem:s28+$0x1090] =	vst v39  }
0xa5: {  	v1 =	vld.idx.msk [tilespmem:v40+s4+$0x0], $0xffff  }
0xa6: {  	v41 =	vor.u32 $0x2, v0;
	_ =	sdelay $0x3  }
0xa7: {  	[tilespmem:s28+$0x1110] =	vst v1  }
0xa8: {  	v1 =	vld.idx.msk [tilespmem:v41+s4+$0x0], $0xffff  }
0xa9: {  	v0 =	vor.u32 $0x3, v0;
	_ =	sdelay $0x3  }
0xaa: {  	[tilespmem:s28+$0x1190] =	vst v1  }
0xab: {  	v0 =	vld.idx.msk [tilespmem:v0+s4+$0x0], $0xffff;
	_ =	sdelay $0x4  }
0xac: {  	[tilespmem:s28+$0x1210] =	vst v0  }
0xad: {  	v0 =	vld [tilespmem:s8+$0xA0];
	_ =	sdelay $0x4  }
0xae: {  	v0 =	vshll.u32 v0, $0x2;
	_ =	sdelay $0x4  }
0xaf: {  	v1 =	vld.idx.msk [tilespmem:v0+s4+$0x0], $0xffff  }
0xb0: {  	v42 =	vor.u32 $0x1, v0;
	_ =	sdelay $0x3  }
0xb1: {  	[tilespmem:s28+$0x10A0] =	vst v1  }
0xb2: {  	v1 =	vld.idx.msk [tilespmem:v42+s4+$0x0], $0xffff  }
0xb3: {  	v43 =	vor.u32 $0x2, v0;
	_ =	sdelay $0x3  }
0xb4: {  	[tilespmem:s28+$0x1120] =	vst v1  }
0xb5: {  	v1 =	vld.idx.msk [tilespmem:v43+s4+$0x0], $0xffff  }
0xb6: {  	v0 =	vor.u32 $0x3, v0;
	_ =	sdelay $0x3  }
0xb7: {  	[tilespmem:s28+$0x11A0] =	vst v1  }
0xb8: {  	s30 =	sor.u32 $0x600, s0;
	v0 =	vld.idx.msk [tilespmem:v0+s4+$0x0], $0xffff  }
0xb9: {  	s11 =	sshra.s32 s30, $0x2  }
0xba: {  	v51 =	vld [tilespmem:s11+$0x80];
	_ =	sdelay $0x2  }
0xbb: {  	[tilespmem:s28+$0x1220] =	vst v0  }
0xbc: {  	v0 =	vld [tilespmem:s8+$0xB0]  }
0xbd: {  	v4 =	vshll.u32 v51, $0x2;
	_ =	sdelay $0x3  }
0xbe: {  	v0 =	vshll.u32 v0, $0x2  }
0xbf: {  	v9 =	vld.idx.msk [tilespmem:v4+s4+$0x0], $0xffff  }
0xc0: {  	v10 =	vor.u32 $0x1, v4;
	_ =	sdelay $0x1  }
0xc1: {  	s29 =	sor.u32 $0x400, s0  }
0xc2: {  	s15 =	sshra.s32 s29, $0x2;
	s30 =	sand.u32 $0x3FFFFE00, s30;
	v1 =	vld.idx.msk [tilespmem:v0+s4+$0x0], $0xffff  }
0xc3: {  	s20 =	sor.u32 $0xC00, s0;
	v46 =	vld [tilespmem:s15+$0x80];
	[tilespmem:s30+$0x1080] =	vst v9;
	v44 =	vor.u32 $0x1, v0  }
0xc4: {  	s31 =	sor.u32 $0x800, s0;
	s22 =	sshra.s32 s20, $0x2;
	v10 =	vld.idx.msk [tilespmem:v10+s4+$0x0], $0xffff  }
0xc5: {  	s2 =	sor.u32 $0xE00, s0;
	s12 =	sshra.s32 s31, $0x2;
	v7 =	vld [tilespmem:s22+$0x80];
	v16 =	vor.u32 $0x2, v4  }
0xc6: {  	s10 =	sshra.s32 s2, $0x2;
	v5 =	vld [tilespmem:s12+$0x80]  }
0xc7: {  	v8 =	vld [tilespmem:s10+$0x80];
	[tilespmem:s28+$0x10B0] =	vst v1  }
0xc8: {  	v47 =	vshll.u32 v46, $0x2;
	v1 =	vld.idx.msk [tilespmem:v44+s4+$0x0], $0xffff  }
0xc9: {  	[tilespmem:s30+$0x1100] =	vst v10;
	v45 =	vor.u32 $0x2, v0  }
0xca: {  	v7 =	vshll.u32 v7, $0x2;
	v16 =	vld.idx.msk [tilespmem:v16+s4+$0x0], $0xffff  }
0xcb: {  	v4 =	vor.u32 $0x3, v4  }
0xcc: {  	v53 =	vshll.u32 v5, $0x2  }
0xcd: {  	v8 =	vshll.u32 v8, $0x2;
	v48 =	vld.idx.msk [tilespmem:v47+s4+$0x0], $0xffff;
	[tilespmem:s28+$0x1130] =	vst v1  }
0xce: {  	v3 =	vor.u32 $0x1, v47;
	v1 =	vld.idx.msk [tilespmem:v45+s4+$0x0], $0xffff  }
0xcf: {  	v14 =	vld.idx.msk [tilespmem:v7+s4+$0x0], $0xffff;
	[tilespmem:s30+$0x1180] =	vst v16  }
0xd0: {  	v57 =	vor.u32 $0x1, v7;
	v4 =	vld.idx.msk [tilespmem:v4+s4+$0x0], $0xffff  }
0xd1: {  	s29 =	sand.u32 $0x3FFFFE00, s29;
	v11 =	vld.idx.msk [tilespmem:v53+s4+$0x0], $0xffff  }
0xd2: {  	s17 =	sor.u32 $0xA00, s0;
	v56 =	vor.u32 $0x1, v53;
	v15 =	vld.idx.msk [tilespmem:v8+s4+$0x0], $0xffff;
	[tilespmem:s29+$0x1080] =	vst v48  }
0xd3: {  	s21 =	sshra.s32 s17, $0x2;
	s7 =	sand.u32 $0x3FFFFE00, s17;
	s17 =	sand.u32 $0x3FFFFE00, s20;
	v58 =	vor.u32 $0x1, v8;
	[tilespmem:s28+$0x11B0] =	vst v1;
	v1 =	vld.idx.msk [tilespmem:v3+s4+$0x0], $0xffff  }
0xd4: {  	v52 =	vld [tilespmem:s21+$0x80];
	v49 =	vor.u32 $0x2, v47;
	[tilespmem:s17+$0x1080] =	vst v14  }
0xd5: {  	s31 =	sand.u32 $0x3FFFFE00, s31;
	v9 =	vld.idx.msk [tilespmem:v57+s4+$0x0], $0xffff;
	[tilespmem:s30+$0x1200] =	vst v4  }
0xd6: {  	s20 =	sand.u32 $0x3FFFFE00, s2;
	v62 =	vor.u32 $0x2, v7;
	[tilespmem:s31+$0x1080] =	vst v11;
	v21 =	vld [tilespmem:s11+$0x90]  }
0xd7: {  	[tilespmem:s20+$0x1080] =	vst v15;
	v5 =	vld.idx.msk [tilespmem:v56+s4+$0x0], $0xffff;
	v0 =	vor.u32 $0x3, v0  }
0xd8: {  	v11 =	vld.idx.msk [tilespmem:v58+s4+$0x0], $0xffff;
	[tilespmem:s29+$0x1100] =	vst v1  }
0xd9: {  	v63 =	vor.u32 $0x2, v8;
	v1 =	vld.idx.msk [tilespmem:v49+s4+$0x0], $0xffff  }
0xda: {  	v2 =	vor.u32 $0x3, v47;
	[tilespmem:s17+$0x1100] =	vst v9  }
0xdb: {  	v10 =	vld.idx.msk [tilespmem:v62+s4+$0x0], $0xffff;
	v22 =	vshll.u32 v21, $0x2  }
0xdc: {  	v7 =	vor.u32 $0x3, v7;
	[tilespmem:s31+$0x1100] =	vst v5;
	v0 =	vld.idx.msk [tilespmem:v0+s4+$0x0], $0xffff  }
0xdd: {  	[tilespmem:s20+$0x1100] =	vst v11  }
0xde: {  	v5 =	vld.idx.msk [tilespmem:v63+s4+$0x0], $0xffff;
	[tilespmem:s29+$0x1180] =	vst v1;
	v1 =	vshll.u32 v52, $0x2  }
0xdf: {  	v8 =	vor.u32 $0x3, v8;
	v2 =	vld.idx.msk [tilespmem:v2+s4+$0x0], $0xffff  }
0xe0: {  	[tilespmem:s17+$0x1180] =	vst v10;
	v25 =	vld.idx.msk [tilespmem:v22+s4+$0x0], $0xffff  }
0xe1: {  	v7 =	vld.idx.msk [tilespmem:v7+s4+$0x0], $0xffff;
	v26 =	vor.u32 $0x1, v22;
	[tilespmem:s28+$0x1230] =	vst v0  }
0xe2: {  	v0 =	vld [tilespmem:s8+$0xC0]  }
0xe3: {  	v59 =	vor.u32 $0x2, v53;
	[tilespmem:s20+$0x1180] =	vst v5;
	v12 =	vld.idx.msk [tilespmem:v1+s4+$0x0], $0xffff  }
0xe4: {  	v20 =	vld.idx.msk [tilespmem:v8+s4+$0x0], $0xffff;
	[tilespmem:s29+$0x1200] =	vst v2  }
0xe5: {  	[tilespmem:s30+$0x1090] =	vst v25;
	v13 =	vor.u32 $0x1, v1;
	v2 =	vld [tilespmem:s15+$0x90]  }
0xe6: {  	v8 =	vld.idx.msk [tilespmem:v26+s4+$0x0], $0xffff  }
0xe7: {  	v36 =	vor.u32 $0x2, v22  }
0xe8: {  	v0 =	vshll.u32 v0, $0x2;
	[tilespmem:s7+$0x1080] =	vst v12;
	v12 =	vld.idx.msk [tilespmem:v59+s4+$0x0], $0xffff  }
0xe9: {  	v3 =	vor.u32 $0x3, v53  }
0xea: {  	[tilespmem:s17+$0x1200] =	vst v7;
	v13 =	vld.idx.msk [tilespmem:v13+s4+$0x0], $0xffff;
	v2 =	vshll.u32 v2, $0x2  }
0xeb: {  	v7 =	vld [tilespmem:s22+$0x90];
	[tilespmem:s30+$0x1110] =	vst v8;
	v60 =	vor.u32 $0x2, v1  }
0xec: {  	v42 =	vld.idx.msk [tilespmem:v36+s4+$0x0], $0xffff  }
0xed: {  	v4 =	vor.u32 $0x3, v22;
	v50 =	vld.idx.msk [tilespmem:v0+s4+$0x0], $0xffff;
	[tilespmem:s31+$0x1180] =	vst v12  }
0xee: {  	v6 =	vor.u32 $0x1, v0;
	v3 =	vld.idx.msk [tilespmem:v3+s4+$0x0], $0xffff  }
0xef: {  	[tilespmem:s7+$0x1100] =	vst v13;
	v17 =	vld.idx.msk [tilespmem:v2+s4+$0x0], $0xffff  }
0xf0: {  	[tilespmem:s20+$0x1200] =	vst v20;
	v61 =	vor.u32 $0x1, v2;
	v13 =	vld.idx.msk [tilespmem:v60+s4+$0x0], $0xffff  }
0xf1: {  	v23 =	vld [tilespmem:s10+$0x90];
	[tilespmem:s30+$0x1190] =	vst v42;
	v1 =	vor.u32 $0x3, v1  }
0xf2: {  	v4 =	vld.idx.msk [tilespmem:v4+s4+$0x0], $0xffff;
	[tilespmem:s28+$0x10C0] =	vst v50  }
0xf3: {  	v24 =	vshll.u32 v7, $0x2;
	v54 =	vld.idx.msk [tilespmem:v6+s4+$0x0], $0xffff;
	[tilespmem:s31+$0x1200] =	vst v3  }
0xf4: {  	[tilespmem:s29+$0x1090] =	vst v17;
	v3 =	vld [tilespmem:s12+$0x90]  }
0xf5: {  	v55 =	vor.u32 $0x2, v0;
	[tilespmem:s7+$0x1180] =	vst v13;
	v18 =	vld.idx.msk [tilespmem:v61+s4+$0x0], $0xffff  }
0xf6: {  	v19 =	vor.u32 $0x2, v2;
	v1 =	vld.idx.msk [tilespmem:v1+s4+$0x0], $0xffff;
	_ =	sdelay $0x1  }
0xf7: {  	v32 =	vld.idx.msk [tilespmem:v24+s4+$0x0], $0xffff;
	[tilespmem:s30+$0x1210] =	vst v4  }
0xf8: {  	v5 =	vshll.u32 v23, $0x2;
	v4 =	vld [tilespmem:s11+$0xA0];
	[tilespmem:s28+$0x1140] =	vst v54  }
0xf9: {  	v6 =	vld.idx.msk [tilespmem:v55+s4+$0x0], $0xffff;
	v3 =	vshll.u32 v3, $0x2;
	[tilespmem:s29+$0x1110] =	vst v18  }
0xfa: {  	v0 =	vor.u32 $0x3, v0;
	[tilespmem:s7+$0x1200] =	vst v1;
	v9 =	vld.idx.msk [tilespmem:v19+s4+$0x0], $0xffff  }
0xfb: {  	v2 =	vor.u32 $0x3, v2;
	v1 =	vld [tilespmem:s21+$0x90]  }
0xfc: {  	v33 =	vor.u32 $0x1, v24  }
0xfd: {  	v34 =	vld.idx.msk [tilespmem:v5+s4+$0x0], $0xffff;
	v4 =	vshll.u32 v4, $0x2  }
0xfe: {  	v35 =	vor.u32 $0x1, v5;
	[tilespmem:s28+$0x11C0] =	vst v6;
	v27 =	vld.idx.msk [tilespmem:v3+s4+$0x0], $0xffff  }
0xff: {  	v0 =	vld.idx.msk [tilespmem:v0+s4+$0x0], $0xffff;
	v28 =	vor.u32 $0x1, v3;
	[tilespmem:s29+$0x1190] =	vst v9  }
0x100: {  	[tilespmem:s17+$0x1090] =	vst v32;
	v1 =	vshll.u32 v1, $0x2;
	v2 =	vld.idx.msk [tilespmem:v2+s4+$0x0], $0xffff  }
0x101: {  	v7 =	vld.idx.msk [tilespmem:v33+s4+$0x0], $0xffff  }
0x102: {  	v41 =	vor.u32 $0x2, v24;
	[tilespmem:s20+$0x1090] =	vst v34;
	v47 =	vld.idx.msk [tilespmem:v4+s4+$0x0], $0xffff  }
0x103: {  	v9 =	vld.idx.msk [tilespmem:v35+s4+$0x0], $0xffff;
	[tilespmem:s31+$0x1090] =	vst v27  }
0x104: {  	v43 =	vor.u32 $0x2, v5;
	[tilespmem:s28+$0x1240] =	vst v0;
	v0 =	vld.idx.msk [tilespmem:v28+s4+$0x0], $0xffff  }
0x105: {  	v29 =	vld.idx.msk [tilespmem:v1+s4+$0x0], $0xffff;
	[tilespmem:s29+$0x1210] =	vst v2  }
0x106: {  	[tilespmem:s17+$0x1110] =	vst v7;
	v31 =	vor.u32 $0x1, v1;
	v2 =	vld [tilespmem:s15+$0xA0]  }
0x107: {  	v8 =	vld.idx.msk [tilespmem:v41+s4+$0x0], $0xffff;
	v48 =	vor.u32 $0x1, v4  }
0x108: {  	v37 =	vor.u32 $0x2, v3;
	[tilespmem:s20+$0x1110] =	vst v9  }
0x109: {  	v6 =	vor.u32 $0x3, v24;
	[tilespmem:s31+$0x1110] =	vst v0;
	v0 =	vld.idx.msk [tilespmem:v43+s4+$0x0], $0xffff  }
0x10a: {  	v5 =	vor.u32 $0x3, v5;
	[tilespmem:s7+$0x1090] =	vst v29  }
0x10b: {  	[tilespmem:s30+$0x10A0] =	vst v47;
	v12 =	vld.idx.msk [tilespmem:v31+s4+$0x0], $0xffff;
	v2 =	vshll.u32 v2, $0x2  }
0x10c: {  	[tilespmem:s17+$0x1190] =	vst v8;
	v8 =	vld.idx.msk [tilespmem:v48+s4+$0x0], $0xffff;
	v39 =	vor.u32 $0x2, v1  }
0x10d: {  	v58 =	vor.u32 $0x2, v4;
	v10 =	vld.idx.msk [tilespmem:v37+s4+$0x0], $0xffff  }
0x10e: {  	v6 =	vld.idx.msk [tilespmem:v6+s4+$0x0], $0xffff;
	v3 =	vor.u32 $0x3, v3;
	[tilespmem:s20+$0x1190] =	vst v0  }
0x10f: {  	v0 =	vld.idx.msk [tilespmem:v5+s4+$0x0], $0xffff  }
0x110: {  	[tilespmem:s7+$0x1110] =	vst v12;
	v38 =	vld.idx.msk [tilespmem:v2+s4+$0x0], $0xffff  }
0x111: {  	[tilespmem:s30+$0x1120] =	vst v8;
	v40 =	vor.u32 $0x1, v2;
	v12 =	vld.idx.msk [tilespmem:v39+s4+$0x0], $0xffff  }
0x112: {  	v16 =	vld.idx.msk [tilespmem:v58+s4+$0x0], $0xffff;
	v1 =	vor.u32 $0x3, v1;
	[tilespmem:s31+$0x1190] =	vst v10  }
0x113: {  	v4 =	vor.u32 $0x3, v4;
	[tilespmem:s17+$0x1210] =	vst v6;
	v3 =	vld.idx.msk [tilespmem:v3+s4+$0x0], $0xffff  }
0x114: {  	v45 =	vld [tilespmem:s22+$0xA0];
	[tilespmem:s20+$0x1210] =	vst v0  }
0x115: {  	v46 =	vld [tilespmem:s10+$0xA0];
	[tilespmem:s29+$0x10A0] =	vst v38  }
0x116: {  	[tilespmem:s7+$0x1190] =	vst v12;
	v13 =	vld.idx.msk [tilespmem:v40+s4+$0x0], $0xffff  }
0x117: {  	[tilespmem:s30+$0x11A0] =	vst v16;
	v44 =	vor.u32 $0x2, v2;
	v1 =	vld.idx.msk [tilespmem:v1+s4+$0x0], $0xffff  }
0x118: {  	v4 =	vld.idx.msk [tilespmem:v4+s4+$0x0], $0xffff;
	[tilespmem:s31+$0x1210] =	vst v3  }
0x119: {  	v3 =	vld [tilespmem:s12+$0xA0]  }
0x11a: {  	v5 =	vshll.u32 v45, $0x2  }
0x11b: {  	v6 =	vshll.u32 v46, $0x2;
	[tilespmem:s29+$0x1120] =	vst v13  }
0x11c: {  	[tilespmem:s7+$0x1210] =	vst v1;
	v7 =	vld.idx.msk [tilespmem:v44+s4+$0x0], $0xffff  }
0x11d: {  	[tilespmem:s30+$0x1220] =	vst v4;
	v2 =	vor.u32 $0x3, v2;
	v1 =	vld [tilespmem:s21+$0xA0]  }
0x11e: {  	v24 =	vld [tilespmem:s11+$0xB0];
	v3 =	vshll.u32 v3, $0x2  }
0x11f: {  	v54 =	vld.idx.msk [tilespmem:v5+s4+$0x0], $0xffff  }
0x120: {  	v55 =	vor.u32 $0x1, v5;
	v56 =	vld.idx.msk [tilespmem:v6+s4+$0x0], $0xffff  }
0x121: {  	v57 =	vor.u32 $0x1, v6;
	[tilespmem:s29+$0x11A0] =	vst v7  }
0x122: {  	v1 =	vshll.u32 v1, $0x2;
	v2 =	vld.idx.msk [tilespmem:v2+s4+$0x0], $0xffff  }
0x123: {  	v49 =	vld.idx.msk [tilespmem:v3+s4+$0x0], $0xffff  }
0x124: {  	v30 =	vld [tilespmem:s8+$0xD0];
	[tilespmem:s17+$0x10A0] =	vst v54;
	v50 =	vor.u32 $0x1, v3  }
0x125: {  	v27 =	vshll.u32 v24, $0x2;
	v7 =	vld.idx.msk [tilespmem:v55+s4+$0x0], $0xffff;
	[tilespmem:s20+$0x10A0] =	vst v56  }
0x126: {  	v63 =	vor.u32 $0x2, v5;
	v9 =	vld.idx.msk [tilespmem:v57+s4+$0x0], $0xffff  }
0x127: {  	v51 =	vld.idx.msk [tilespmem:v1+s4+$0x0], $0xffff;
	[tilespmem:s29+$0x1220] =	vst v2  }
0x128: {  	v53 =	vor.u32 $0x1, v1;
	[tilespmem:s31+$0x10A0] =	vst v49;
	v2 =	vld [tilespmem:s15+$0xB0]  }
0x129: {  	v20 =	vor.u32 $0x2, v6;
	v10 =	vld.idx.msk [tilespmem:v50+s4+$0x0], $0xffff  }
0x12a: {  	v0 =	vshll.u32 v30, $0x2;
	v30 =	vld.idx.msk [tilespmem:v27+s4+$0x0], $0xffff;
	v59 =	vor.u32 $0x2, v3;
	[tilespmem:s17+$0x1120] =	vst v7  }
0x12b: {  	v31 =	vor.u32 $0x1, v27;
	v8 =	vld.idx.msk [tilespmem:v63+s4+$0x0], $0xffff  }
0x12c: {  	v5 =	vor.u32 $0x3, v5;
	[tilespmem:s7+$0x10A0] =	vst v51  }
0x12d: {  	[tilespmem:s20+$0x1120] =	vst v9;
	v13 =	vld.idx.msk [tilespmem:v53+s4+$0x0], $0xffff;
	v2 =	vshll.u32 v2, $0x2  }
0x12e: {  	v61 =	vor.u32 $0x2, v1;
	[tilespmem:s31+$0x1120] =	vst v10;
	v9 =	vld.idx.msk [tilespmem:v20+s4+$0x0], $0xffff  }
0x12f: {  	[tilespmem:s30+$0x10B0] =	vst v30;
	v6 =	vor.u32 $0x3, v6;
	v11 =	vld.idx.msk [tilespmem:v59+s4+$0x0], $0xffff  }
0x130: {  	v3 =	vor.u32 $0x3, v3;
	v10 =	vld.idx.msk [tilespmem:v31+s4+$0x0], $0xffff;
	[tilespmem:s17+$0x11A0] =	vst v8  }
0x131: {  	v39 =	vor.u32 $0x2, v27;
	v5 =	vld.idx.msk [tilespmem:v5+s4+$0x0], $0xffff  }
0x132: {  	[tilespmem:s7+$0x1120] =	vst v13;
	v60 =	vld.idx.msk [tilespmem:v2+s4+$0x0], $0xffff  }
0x133: {  	v62 =	vor.u32 $0x1, v2;
	[tilespmem:s20+$0x11A0] =	vst v9;
	v13 =	vld.idx.msk [tilespmem:v61+s4+$0x0], $0xffff  }
0x134: {  	v1 =	vor.u32 $0x3, v1;
	[tilespmem:s31+$0x11A0] =	vst v11;
	v23 =	vld.idx.msk [tilespmem:v6+s4+$0x0], $0xffff  }
0x135: {  	[tilespmem:s30+$0x1130] =	vst v10;
	v3 =	vld.idx.msk [tilespmem:v3+s4+$0x0], $0xffff  }
0x136: {  	v16 =	vld.idx.msk [tilespmem:v39+s4+$0x0], $0xffff;
	[tilespmem:s17+$0x1220] =	vst v5  }
0x137: {  	v5 =	vld [tilespmem:s22+$0xB0];
	[tilespmem:s29+$0x10B0] =	vst v60  }
0x138: {  	v4 =	vor.u32 $0x3, v27;
	[tilespmem:s7+$0x11A0] =	vst v13;
	v21 =	vld.idx.msk [tilespmem:v62+s4+$0x0], $0xffff  }
0x139: {  	v22 =	vor.u32 $0x2, v2;
	[tilespmem:s20+$0x1220] =	vst v23;
	v1 =	vld.idx.msk [tilespmem:v1+s4+$0x0], $0xffff  }
0x13a: {  	[tilespmem:s31+$0x1220] =	vst v3;
	v28 =	vld [tilespmem:s10+$0xB0]  }
0x13b: {  	v3 =	vld [tilespmem:s12+$0xB0]  }
0x13c: {  	[tilespmem:s30+$0x11B0] =	vst v16;
	v5 =	vshll.u32 v5, $0x2  }
0x13d: {  	v4 =	vld.idx.msk [tilespmem:v4+s4+$0x0], $0xffff;
	[tilespmem:s29+$0x1130] =	vst v21  }
0x13e: {  	[tilespmem:s7+$0x1220] =	vst v1;
	v7 =	vld.idx.msk [tilespmem:v22+s4+$0x0], $0xffff  }
0x13f: {  	v6 =	vshll.u32 v28, $0x2;
	v26 =	vld [tilespmem:s21+$0xB0]  }
0x140: {  	v52 =	vld.idx.msk [tilespmem:v0+s4+$0x0], $0xffff;
	v3 =	vshll.u32 v3, $0x2  }
0x141: {  	v25 =	vor.u32 $0x1, v0;
	v35 =	vld.idx.msk [tilespmem:v5+s4+$0x0], $0xffff  }
0x142: {  	v36 =	vor.u32 $0x1, v5;
	[tilespmem:s30+$0x1230] =	vst v4  }
0x143: {  	v2 =	vor.u32 $0x3, v2;
	v4 =	vld [tilespmem:s11+$0xC0]  }
0x144: {  	v37 =	vld.idx.msk [tilespmem:v6+s4+$0x0], $0xffff;
	[tilespmem:s29+$0x11B0] =	vst v7;
	v7 =	vshll.u32 v26, $0x2  }
0x145: {  	[tilespmem:s28+$0x10D0] =	vst v52;
	v38 =	vor.u32 $0x1, v6;
	v11 =	vld.idx.msk [tilespmem:v3+s4+$0x0], $0xffff  }
0x146: {  	v1 =	vld.idx.msk [tilespmem:v25+s4+$0x0], $0xffff;
	v32 =	vor.u32 $0x1, v3;
	[tilespmem:s17+$0x10B0] =	vst v35  }
0x147: {  	v9 =	vld.idx.msk [tilespmem:v36+s4+$0x0], $0xffff  }
0x148: {  	v43 =	vor.u32 $0x2, v5;
	v2 =	vld.idx.msk [tilespmem:v2+s4+$0x0], $0xffff  }
0x149: {  	[tilespmem:s20+$0x10B0] =	vst v37;
	v33 =	vld.idx.msk [tilespmem:v7+s4+$0x0], $0xffff  }
0x14a: {  	v34 =	vor.u32 $0x1, v7;
	[tilespmem:s31+$0x10B0] =	vst v11;
	v11 =	vld.idx.msk [tilespmem:v38+s4+$0x0], $0xffff  }
0x14b: {  	v44 =	vor.u32 $0x2, v6;
	[tilespmem:s28+$0x1150] =	vst v1;
	v1 =	vld.idx.msk [tilespmem:v32+s4+$0x0], $0xffff  }
0x14c: {  	v40 =	vor.u32 $0x2, v3;
	[tilespmem:s17+$0x1130] =	vst v9  }
0x14d: {  	v29 =	vor.u32 $0x2, v0;
	[tilespmem:s29+$0x1230] =	vst v2;
	v10 =	vld.idx.msk [tilespmem:v43+s4+$0x0], $0xffff  }
0x14e: {  	v48 =	vshll.u32 v4, $0x2;
	v2 =	vld [tilespmem:s15+$0xC0];
	[tilespmem:s7+$0x10B0] =	vst v33  }
0x14f: {  	v5 =	vor.u32 $0x3, v5;
	[tilespmem:s20+$0x1130] =	vst v11;
	v13 =	vld.idx.msk [tilespmem:v34+s4+$0x0], $0xffff  }
0x150: {  	v41 =	vor.u32 $0x2, v7;
	[tilespmem:s31+$0x1130] =	vst v1;
	v1 =	vld.idx.msk [tilespmem:v44+s4+$0x0], $0xffff  }
0x151: {  	v6 =	vor.u32 $0x3, v6;
	v12 =	vld.idx.msk [tilespmem:v40+s4+$0x0], $0xffff  }
0x152: {  	v3 =	vor.u32 $0x3, v3;
	v8 =	vld.idx.msk [tilespmem:v29+s4+$0x0], $0xffff  }
0x153: {  	v50 =	vld.idx.msk [tilespmem:v48+s4+$0x0], $0xffff;
	[tilespmem:s17+$0x11B0] =	vst v10;
	v2 =	vshll.u32 v2, $0x2  }
0x154: {  	v51 =	vor.u32 $0x1, v48;
	v5 =	vld.idx.msk [tilespmem:v5+s4+$0x0], $0xffff;
	[tilespmem:s7+$0x1130] =	vst v13  }
0x155: {  	[tilespmem:s20+$0x11B0] =	vst v1;
	v13 =	vld.idx.msk [tilespmem:v41+s4+$0x0], $0xffff  }
0x156: {  	v7 =	vor.u32 $0x3, v7;
	[tilespmem:s31+$0x11B0] =	vst v12;
	v1 =	vld.idx.msk [tilespmem:v6+s4+$0x0], $0xffff  }
0x157: {  	[tilespmem:s28+$0x11D0] =	vst v8;
	v3 =	vld.idx.msk [tilespmem:v3+s4+$0x0], $0xffff  }
0x158: {  	[tilespmem:s30+$0x10C0] =	vst v50;
	v17 =	vld.idx.msk [tilespmem:v2+s4+$0x0], $0xffff  }
0x159: {  	v8 =	vld.idx.msk [tilespmem:v51+s4+$0x0], $0xffff;
	v42 =	vor.u32 $0x1, v2;
	[tilespmem:s17+$0x1230] =	vst v5  }
0x15a: {  	v0 =	vor.u32 $0x3, v0;
	v5 =	vld [tilespmem:s22+$0xC0];
	[tilespmem:s7+$0x11B0] =	vst v13  }
0x15b: {  	[tilespmem:s20+$0x1230] =	vst v1;
	v7 =	vld.idx.msk [tilespmem:v7+s4+$0x0], $0xffff  }
0x15c: {  	[tilespmem:s31+$0x1230] =	vst v3;
	v49 =	vld [tilespmem:s10+$0xC0]  }
0x15d: {  	[tilespmem:s29+$0x10C0] =	vst v17;
	v3 =	vld [tilespmem:s12+$0xC0]  }
0x15e: {  	v61 =	vor.u32 $0x2, v48;
	v45 =	vld.idx.msk [tilespmem:v42+s4+$0x0], $0xffff  }
0x15f: {  	v0 =	vld.idx.msk [tilespmem:v0+s4+$0x0], $0xffff;
	v46 =	vor.u32 $0x2, v2  }
0x160: {  	[tilespmem:s7+$0x1230] =	vst v7  }
0x161: {  	v5 =	vshll.u32 v5, $0x2;
	v47 =	vld [tilespmem:s21+$0xC0]  }
0x162: {  	[tilespmem:s30+$0x1140] =	vst v8;
	v4 =	vshll.u32 v49, $0x2  }
0x163: {  	v15 =	vld.idx.msk [tilespmem:v61+s4+$0x0], $0xffff;
	v3 =	vshll.u32 v3, $0x2;
	[tilespmem:s29+$0x1140] =	vst v45  }
0x164: {  	[tilespmem:s28+$0x1250] =	vst v0;
	v1 =	vor.u32 $0x3, v48;
	v9 =	vld.idx.msk [tilespmem:v46+s4+$0x0], $0xffff  }
0x165: {  	v55 =	vld [tilespmem:s8+$0xE0];
	v2 =	vor.u32 $0x3, v2  }
0x166: {  	v57 =	vld.idx.msk [tilespmem:v5+s4+$0x0], $0xffff;
	v6 =	vshll.u32 v47, $0x2  }
0x167: {  	v58 =	vor.u32 $0x1, v5;
	v59 =	vld.idx.msk [tilespmem:v4+s4+$0x0], $0xffff  }
0x168: {  	[tilespmem:s30+$0x11C0] =	vst v15;
	v60 =	vor.u32 $0x1, v4;
	v52 =	vld.idx.msk [tilespmem:v3+s4+$0x0], $0xffff  }
0x169: {  	v1 =	vld.idx.msk [tilespmem:v1+s4+$0x0], $0xffff;
	v53 =	vor.u32 $0x1, v3;
	[tilespmem:s29+$0x11C0] =	vst v9  }
0x16a: {  	v2 =	vld.idx.msk [tilespmem:v2+s4+$0x0], $0xffff  }
0x16b: {  	[tilespmem:s17+$0x10C0] =	vst v57;
	v54 =	vld.idx.msk [tilespmem:v6+s4+$0x0], $0xffff  }
0x16c: {  	v7 =	vld.idx.msk [tilespmem:v58+s4+$0x0], $0xffff;
	v56 =	vor.u32 $0x1, v6;
	[tilespmem:s20+$0x10C0] =	vst v59  }
0x16d: {  	v21 =	vor.u32 $0x2, v5;
	[tilespmem:s31+$0x10C0] =	vst v52;
	v9 =	vld.idx.msk [tilespmem:v60+s4+$0x0], $0xffff  }
0x16e: {  	v22 =	vor.u32 $0x2, v4;
	[tilespmem:s30+$0x1240] =	vst v1;
	v0 =	vld.idx.msk [tilespmem:v53+s4+$0x0], $0xffff  }
0x16f: {  	v1 =	vld [tilespmem:s11+$0xD0];
	[tilespmem:s29+$0x1240] =	vst v2  }
0x170: {  	v62 =	vor.u32 $0x2, v3;
	v2 =	vld [tilespmem:s15+$0xD0];
	[tilespmem:s7+$0x10C0] =	vst v54  }
0x171: {  	v25 =	vshll.u32 v55, $0x2;
	[tilespmem:s17+$0x1140] =	vst v7;
	v12 =	vld.idx.msk [tilespmem:v56+s4+$0x0], $0xffff  }
0x172: {  	v19 =	vor.u32 $0x2, v6;
	v8 =	vld.idx.msk [tilespmem:v21+s4+$0x0], $0xffff;
	[tilespmem:s20+$0x1140] =	vst v9  }
0x173: {  	v5 =	vor.u32 $0x3, v5;
	[tilespmem:s31+$0x1140] =	vst v0;
	v0 =	vld.idx.msk [tilespmem:v22+s4+$0x0], $0xffff  }
0x174: {  	v4 =	vor.u32 $0x3, v4  }
0x175: {  	v10 =	vld.idx.msk [tilespmem:v62+s4+$0x0], $0xffff;
	v2 =	vshll.u32 v2, $0x2  }
0x176: {  	v27 =	vld.idx.msk [tilespmem:v25+s4+$0x0], $0xffff;
	v3 =	vor.u32 $0x3, v3;
	[tilespmem:s7+$0x1140] =	vst v12  }
0x177: {  	v30 =	vshll.u32 v1, $0x2;
	[tilespmem:s17+$0x11C0] =	vst v8;
	v12 =	vld.idx.msk [tilespmem:v19+s4+$0x0], $0xffff  }
0x178: {  	v6 =	vor.u32 $0x3, v6;
	v5 =	vld.idx.msk [tilespmem:v5+s4+$0x0], $0xffff;
	[tilespmem:s20+$0x11C0] =	vst v0  }
0x179: {  	v0 =	vld.idx.msk [tilespmem:v4+s4+$0x0], $0xffff  }
0x17a: {  	[tilespmem:s31+$0x11C0] =	vst v10;
	v63 =	vld.idx.msk [tilespmem:v2+s4+$0x0], $0xffff  }
0x17b: {  	v20 =	vor.u32 $0x1, v2;
	v3 =	vld.idx.msk [tilespmem:v3+s4+$0x0], $0xffff  }
0x17c: {  	v33 =	vld.idx.msk [tilespmem:v30+s4+$0x0], $0xffff;
	[tilespmem:s7+$0x11C0] =	vst v12  }
0x17d: {  	v34 =	vor.u32 $0x1, v30;
	[tilespmem:s17+$0x1240] =	vst v5;
	v6 =	vld.idx.msk [tilespmem:v6+s4+$0x0], $0xffff  }
0x17e: {  	v29 =	vld [tilespmem:s22+$0xD0];
	[tilespmem:s20+$0x1240] =	vst v0  }
0x17f: {  	v31 =	vld [tilespmem:s10+$0xD0];
	[tilespmem:s29+$0x10D0] =	vst v63  }
0x180: {  	[tilespmem:s31+$0x1240] =	vst v3;
	v23 =	vld.idx.msk [tilespmem:v20+s4+$0x0], $0xffff  }
0x181: {  	[tilespmem:s30+$0x10D0] =	vst v33;
	v24 =	vor.u32 $0x2, v2;
	v3 =	vld [tilespmem:s12+$0xD0]  }
0x182: {  	v28 =	vor.u32 $0x1, v25;
	v9 =	vld.idx.msk [tilespmem:v34+s4+$0x0], $0xffff;
	[tilespmem:s7+$0x1240] =	vst v6  }
0x183: {  	v44 =	vor.u32 $0x2, v30;
	v26 =	vld [tilespmem:s21+$0xD0]  }
0x184: {  	v32 =	vshll.u32 v29, $0x2  }
0x185: {  	v1 =	vshll.u32 v31, $0x2;
	[tilespmem:s29+$0x1150] =	vst v23  }
0x186: {  	[tilespmem:s28+$0x10E0] =	vst v27;
	v3 =	vshll.u32 v3, $0x2;
	v7 =	vld.idx.msk [tilespmem:v24+s4+$0x0], $0xffff  }
0x187: {  	v2 =	vor.u32 $0x3, v2;
	v5 =	vld.idx.msk [tilespmem:v28+s4+$0x0], $0xffff;
	[tilespmem:s30+$0x1150] =	vst v9  }
0x188: {  	v11 =	vld.idx.msk [tilespmem:v44+s4+$0x0], $0xffff;
	v4 =	vshll.u32 v26, $0x2  }
0x189: {  	v0 =	vor.u32 $0x3, v30;
	v40 =	vld.idx.msk [tilespmem:v32+s4+$0x0], $0xffff  }
0x18a: {  	v41 =	vor.u32 $0x1, v32;
	v42 =	vld.idx.msk [tilespmem:v1+s4+$0x0], $0xffff  }
0x18b: {  	v39 =	vor.u32 $0x2, v25;
	v10 =	vld.idx.msk [tilespmem:v3+s4+$0x0], $0xffff;
	[tilespmem:s29+$0x11D0] =	vst v7  }
0x18c: {  	[tilespmem:s28+$0x1160] =	vst v5;
	v43 =	vor.u32 $0x1, v1;
	v2 =	vld.idx.msk [tilespmem:v2+s4+$0x0], $0xffff  }
0x18d: {  	[tilespmem:s30+$0x11D0] =	vst v11;
	v35 =	vor.u32 $0x1, v3;
	v36 =	vld.idx.msk [tilespmem:v4+s4+$0x0], $0xffff  }
0x18e: {  	v0 =	vld.idx.msk [tilespmem:v0+s4+$0x0], $0xffff;
	[tilespmem:s17+$0x10D0] =	vst v40;
	v38 =	vor.u32 $0x1, v4  }
0x18f: {  	v7 =	vld.idx.msk [tilespmem:v41+s4+$0x0], $0xffff;
	[tilespmem:s20+$0x10D0] =	vst v42  }
0x190: {  	v14 =	vld.idx.msk [tilespmem:v39+s4+$0x0], $0xffff;
	v47 =	vor.u32 $0x2, v32;
	[tilespmem:s31+$0x10D0] =	vst v10  }
0x191: {  	v10 =	vld.idx.msk [tilespmem:v43+s4+$0x0], $0xffff;
	[tilespmem:s29+$0x1250] =	vst v2  }
0x192: {  	v48 =	vor.u32 $0x2, v1;
	v2 =	vld.idx.msk [tilespmem:v35+s4+$0x0], $0xffff;
	[tilespmem:s7+$0x10D0] =	vst v36  }
0x193: {  	v45 =	vor.u32 $0x2, v3;
	[tilespmem:s30+$0x1250] =	vst v0;
	v13 =	vld.idx.msk [tilespmem:v38+s4+$0x0], $0xffff  }
0x194: {  	v54 =	vld [tilespmem:s11+$0xE0];
	v46 =	vor.u32 $0x2, v4;
	[tilespmem:s17+$0x1150] =	vst v7  }
0x195: {  	v9 =	vld.idx.msk [tilespmem:v47+s4+$0x0], $0xffff  }
0x196: {  	v6 =	vor.u32 $0x3, v32;
	v37 =	vld [tilespmem:s15+$0xE0];
	[tilespmem:s20+$0x1150] =	vst v10  }
0x197: {  	v52 =	vor.u32 $0x3, v25;
	[tilespmem:s31+$0x1150] =	vst v2;
	v2 =	vld.idx.msk [tilespmem:v48+s4+$0x0], $0xffff  }
0x198: {  	v1 =	vor.u32 $0x3, v1;
	v5 =	vld.idx.msk [tilespmem:v45+s4+$0x0], $0xffff;
	[tilespmem:s7+$0x1150] =	vst v13  }
0x199: {  	v3 =	vor.u32 $0x3, v3;
	v13 =	vld.idx.msk [tilespmem:v46+s4+$0x0], $0xffff  }
0x19a: {  	v4 =	vor.u32 $0x3, v4;
	[tilespmem:s17+$0x11D0] =	vst v9  }
0x19b: {  	[tilespmem:s28+$0x11E0] =	vst v14;
	v12 =	vshll.u32 v37, $0x2;
	v6 =	vld.idx.msk [tilespmem:v6+s4+$0x0], $0xffff  }
0x19c: {  	v7 =	vld.idx.msk [tilespmem:v52+s4+$0x0], $0xffff;
	[tilespmem:s20+$0x11D0] =	vst v2  }
0x19d: {  	v57 =	vshll.u32 v54, $0x2;
	[tilespmem:s31+$0x11D0] =	vst v5;
	v53 =	vld.idx.msk [tilespmem:v1+s4+$0x0], $0xffff  }
0x19e: {  	v3 =	vld.idx.msk [tilespmem:v3+s4+$0x0], $0xffff;
	[tilespmem:s7+$0x11D0] =	vst v13  }
0x19f: {  	v4 =	vld.idx.msk [tilespmem:v4+s4+$0x0], $0xffff  }
0x1a0: {  	v49 =	vld.idx.msk [tilespmem:v12+s4+$0x0], $0xffff;
	[tilespmem:s17+$0x1250] =	vst v6  }
0x1a1: {  	v50 =	vor.u32 $0x1, v12;
	v6 =	vld [tilespmem:s22+$0xE0]  }
0x1a2: {  	v60 =	vld.idx.msk [tilespmem:v57+s4+$0x0], $0xffff;
	[tilespmem:s20+$0x1250] =	vst v53  }
0x1a3: {  	[tilespmem:s31+$0x1250] =	vst v3;
	v58 =	vld [tilespmem:s10+$0xE0]  }
0x1a4: {  	v55 =	vld [tilespmem:s12+$0xE0];
	[tilespmem:s7+$0x1250] =	vst v4  }
0x1a5: {  	v61 =	vor.u32 $0x1, v57;
	[tilespmem:s29+$0x10E0] =	vst v49;
	v4 =	vld [tilespmem:s21+$0xE0]  }
0x1a6: {  	v51 =	vld.idx.msk [tilespmem:v50+s4+$0x0], $0xffff;
	v6 =	vshll.u32 v6, $0x2  }
0x1a7: {  	v56 =	vor.u32 $0x2, v12  }
0x1a8: {  	[tilespmem:s28+$0x1260] =	vst v7;
	v1 =	vshll.u32 v58, $0x2  }
0x1a9: {  	v7 =	vld [tilespmem:s8+$0xF0];
	[tilespmem:s30+$0x10E0] =	vst v60;
	v2 =	vshll.u32 v55, $0x2  }
0x1aa: {  	v9 =	vld.idx.msk [tilespmem:v61+s4+$0x0], $0xffff;
	v4 =	vshll.u32 v4, $0x2  }
0x1ab: {  	v24 =	vor.u32 $0x2, v57;
	[tilespmem:s29+$0x1160] =	vst v51;
	v20 =	vld.idx.msk [tilespmem:v6+s4+$0x0], $0xffff  }
0x1ac: {  	v21 =	vor.u32 $0x1, v6;
	v3 =	vld.idx.msk [tilespmem:v56+s4+$0x0], $0xffff  }
0x1ad: {  	v59 =	vor.u32 $0x3, v12;
	v22 =	vld.idx.msk [tilespmem:v1+s4+$0x0], $0xffff  }
0x1ae: {  	v23 =	vor.u32 $0x1, v1;
	v62 =	vld.idx.msk [tilespmem:v2+s4+$0x0], $0xffff  }
0x1af: {  	[tilespmem:s30+$0x1160] =	vst v9;
	v63 =	vor.u32 $0x1, v2;
	v18 =	vld.idx.msk [tilespmem:v4+s4+$0x0], $0xffff  }
0x1b0: {  	v29 =	vld.idx.msk [tilespmem:v24+s4+$0x0], $0xffff;
	[tilespmem:s17+$0x10E0] =	vst v20;
	v19 =	vor.u32 $0x1, v4  }
0x1b1: {  	v7 =	vshll.u32 v7, $0x2;
	[tilespmem:s29+$0x11E0] =	vst v3;
	v8 =	vld.idx.msk [tilespmem:v21+s4+$0x0], $0xffff  }
0x1b2: {  	v28 =	vor.u32 $0x2, v6;
	v5 =	vld.idx.msk [tilespmem:v59+s4+$0x0], $0xffff;
	[tilespmem:s20+$0x10E0] =	vst v22  }
0x1b3: {  	[tilespmem:s31+$0x10E0] =	vst v62;
	v10 =	vld.idx.msk [tilespmem:v23+s4+$0x0], $0xffff  }
0x1b4: {  	v30 =	vor.u32 $0x2, v1;
	v3 =	vld.idx.msk [tilespmem:v63+s4+$0x0], $0xffff;
	[tilespmem:s7+$0x10E0] =	vst v18  }
0x1b5: {  	v25 =	vor.u32 $0x2, v2;
	v11 =	vld.idx.msk [tilespmem:v19+s4+$0x0], $0xffff  }
0x1b6: {  	v31 =	vld.idx.msk [tilespmem:v7+s4+$0x0], $0xffff;
	v27 =	vor.u32 $0x2, v4;
	[tilespmem:s17+$0x1160] =	vst v8  }
0x1b7: {  	v0 =	vor.u32 $0x3, v57;
	[tilespmem:s29+$0x1260] =	vst v5;
	v9 =	vld.idx.msk [tilespmem:v28+s4+$0x0], $0xffff  }
0x1b8: {  	v32 =	vor.u32 $0x1, v7;
	v26 =	vld [tilespmem:s15+$0xF0];
	[tilespmem:s20+$0x1160] =	vst v10  }
0x1b9: {  	v6 =	vor.u32 $0x3, v6;
	[tilespmem:s31+$0x1160] =	vst v3;
	v3 =	vld.idx.msk [tilespmem:v30+s4+$0x0], $0xffff  }
0x1ba: {  	v1 =	vor.u32 $0x3, v1;
	v5 =	vld.idx.msk [tilespmem:v25+s4+$0x0], $0xffff;
	[tilespmem:s7+$0x1160] =	vst v11  }
0x1bb: {  	[tilespmem:s30+$0x11E0] =	vst v29;
	v2 =	vor.u32 $0x3, v2;
	v11 =	vld.idx.msk [tilespmem:v27+s4+$0x0], $0xffff  }
0x1bc: {  	v0 =	vld.idx.msk [tilespmem:v0+s4+$0x0], $0xffff;
	[tilespmem:s28+$0x10F0] =	vst v31;
	v4 =	vor.u32 $0x3, v4  }
0x1bd: {  	v33 =	vld.idx.msk [tilespmem:v32+s4+$0x0], $0xffff;
	[tilespmem:s17+$0x11E0] =	vst v9  }
0x1be: {  	v6 =	vld.idx.msk [tilespmem:v6+s4+$0x0], $0xffff;
	v41 =	vshll.u32 v26, $0x2;
	[tilespmem:s20+$0x11E0] =	vst v3  }
0x1bf: {  	[tilespmem:s31+$0x11E0] =	vst v5;
	v35 =	vld.idx.msk [tilespmem:v1+s4+$0x0], $0xffff  }
0x1c0: {  	v2 =	vld.idx.msk [tilespmem:v2+s4+$0x0], $0xffff;
	[tilespmem:s7+$0x11E0] =	vst v11  }
0x1c1: {  	[tilespmem:s30+$0x1260] =	vst v0;
	v4 =	vld.idx.msk [tilespmem:v4+s4+$0x0], $0xffff  }
0x1c2: {  	v36 =	vld [tilespmem:s11+$0xF0]  }
0x1c3: {  	[tilespmem:s17+$0x1260] =	vst v6;
	v42 =	vld.idx.msk [tilespmem:v41+s4+$0x0], $0xffff  }
0x1c4: {  	v39 =	vld [tilespmem:s22+$0xF0];
	[tilespmem:s20+$0x1260] =	vst v35  }
0x1c5: {  	[tilespmem:s31+$0x1260] =	vst v2;
	v0 =	vld [tilespmem:s10+$0xF0]  }
0x1c6: {  	v34 =	vor.u32 $0x2, v7;
	v2 =	vld [tilespmem:s12+$0xF0];
	[tilespmem:s7+$0x1260] =	vst v4  }
0x1c7: {  	v1 =	vshll.u32 v36, $0x2;
	v37 =	vld [tilespmem:s21+$0xF0]  }
0x1c8: {  	v43 =	vor.u32 $0x1, v41  }
0x1c9: {  	v5 =	vshll.u32 v39, $0x2  }
0x1ca: {  	[tilespmem:s28+$0x1170] =	vst v33;
	v0 =	vshll.u32 v0, $0x2  }
0x1cb: {  	v38 =	vld.idx.msk [tilespmem:v34+s4+$0x0], $0xffff;
	v2 =	vshll.u32 v2, $0x2  }
0x1cc: {  	v44 =	vld.idx.msk [tilespmem:v1+s4+$0x0], $0xffff;
	[tilespmem:s29+$0x10F0] =	vst v42;
	v3 =	vshll.u32 v37, $0x2  }
0x1cd: {  	v40 =	vor.u32 $0x3, v7;
	v8 =	vld.idx.msk [tilespmem:v43+s4+$0x0], $0xffff  }
0x1ce: {  	v45 =	vor.u32 $0x1, v1;
	v50 =	vld.idx.msk [tilespmem:v5+s4+$0x0], $0xffff  }
0x1cf: {  	v51 =	vor.u32 $0x1, v5;
	v52 =	vld.idx.msk [tilespmem:v0+s4+$0x0], $0xffff  }
0x1d0: {  	[tilespmem:s28+$0x11F0] =	vst v38;
	v53 =	vor.u32 $0x1, v0;
	v46 =	vld.idx.msk [tilespmem:v2+s4+$0x0], $0xffff  }
0x1d1: {  	[tilespmem:s30+$0x10F0] =	vst v44;
	v47 =	vor.u32 $0x1, v2;
	v48 =	vld.idx.msk [tilespmem:v3+s4+$0x0], $0xffff  }
0x1d2: {  	v4 =	vld.idx.msk [tilespmem:v40+s4+$0x0], $0xffff;
	[tilespmem:s29+$0x1170] =	vst v8;
	v49 =	vor.u32 $0x1, v3  }
0x1d3: {  	v54 =	vor.u32 $0x2, v41;
	v10 =	vld.idx.msk [tilespmem:v45+s4+$0x0], $0xffff;
	[tilespmem:s17+$0x10F0] =	vst v50  }
0x1d4: {  	v55 =	vor.u32 $0x2, v1;
	v6 =	vld.idx.msk [tilespmem:v51+s4+$0x0], $0xffff;
	[tilespmem:s20+$0x10F0] =	vst v52  }
0x1d5: {  	v58 =	vor.u32 $0x2, v5;
	[tilespmem:s31+$0x10F0] =	vst v46;
	v9 =	vld.idx.msk [tilespmem:v53+s4+$0x0], $0xffff  }
0x1d6: {  	v59 =	vor.u32 $0x2, v0;
	v12 =	vld.idx.msk [tilespmem:v47+s4+$0x0], $0xffff;
	[tilespmem:s7+$0x10F0] =	vst v48  }
0x1d7: {  	v56 =	vor.u32 $0x2, v2;
	[tilespmem:s28+$0x1270] =	vst v4;
	v4 =	vld.idx.msk [tilespmem:v49+s4+$0x0], $0xffff  }
0x1d8: {  	v11 =	vld.idx.msk [tilespmem:v54+s4+$0x0], $0xffff;
	[tilespmem:s30+$0x1170] =	vst v10;
	v57 =	vor.u32 $0x2, v3  }
0x1d9: {  	v7 =	vor.u32 $0x3, v41;
	v60 =	vld.idx.msk [tilespmem:v55+s4+$0x0], $0xffff;
	[tilespmem:s17+$0x1170] =	vst v6  }
0x1da: {  	v1 =	vor.u32 $0x3, v1;
	v8 =	vld.idx.msk [tilespmem:v58+s4+$0x0], $0xffff;
	[tilespmem:s20+$0x1170] =	vst v9  }
0x1db: {  	v5 =	vor.u32 $0x3, v5;
	[tilespmem:s31+$0x1170] =	vst v12;
	v9 =	vld.idx.msk [tilespmem:v59+s4+$0x0], $0xffff  }
0x1dc: {  	v0 =	vor.u32 $0x3, v0;
	v61 =	vld.idx.msk [tilespmem:v56+s4+$0x0], $0xffff;
	[tilespmem:s7+$0x1170] =	vst v4  }
0x1dd: {  	v2 =	vor.u32 $0x3, v2;
	[tilespmem:s29+$0x11F0] =	vst v11;
	v62 =	vld.idx.msk [tilespmem:v57+s4+$0x0], $0xffff  }
0x1de: {  	v7 =	vld.idx.msk [tilespmem:v7+s4+$0x0], $0xffff;
	v3 =	vor.u32 $0x3, v3;
	[tilespmem:s30+$0x11F0] =	vst v60  }
0x1df: {  	v1 =	vld.idx.msk [tilespmem:v1+s4+$0x0], $0xffff;
	[tilespmem:s17+$0x11F0] =	vst v8  }
0x1e0: {  	v63 =	vld.idx.msk [tilespmem:v5+s4+$0x0], $0xffff;
	[tilespmem:s20+$0x11F0] =	vst v9  }
0x1e1: {  	[tilespmem:s31+$0x11F0] =	vst v61;
	v0 =	vld.idx.msk [tilespmem:v0+s4+$0x0], $0xffff  }
0x1e2: {  	v2 =	vld.idx.msk [tilespmem:v2+s4+$0x0], $0xffff;
	[tilespmem:s7+$0x11F0] =	vst v62  }
0x1e3: {  	p2 =	por p1, p1;
	[tilespmem:s29+$0x1270] =	vst v7;
	v3 =	vld.idx.msk [tilespmem:v3+s4+$0x0], $0xffff  }
.Ltmp0:
0x1e4: {  	[tilespmem:s30+$0x1270] =	vst v1;
	(pc) =	sbr.rel @p2 .LBB2_3-.Ltmp0, $4  }
0x1e5: {  	[tilespmem:s17+$0x1270] =	vst v63  }
0x1e6: {  	[tilespmem:s20+$0x1270] =	vst v0  }
0x1e7: {  	[tilespmem:s31+$0x1270] =	vst v2  }
0x1e8: {  	p1 =	por $0x0, $0x0;
	s0 =	simm.s32 $0x8;
	[tilespmem:s7+$0x1270] =	vst v3  }
0x1e9: {  	p1 =	sne.s32 s23, $0x18  }
.Ltmp1:
0x1ea: {  	s0 =	sshll.u32 s26, $0x10;
	(pc) =	sbr.rel @p1 .LBB2_6-.Ltmp1, $4  }
0x1eb: {  	s0 =	sor.u32 s9, s0  }
0x1ec: {  	s0 =	sshrl.u32 s0, $0x3  }
0x1ed: {  	s1 =	simm.s32 $0x1080;
	s0 =	sadd.s32 s3, s0  }
0x1ee: {  	[hbm4b:s0+s4] =	stream.linear.scatter [tilespmem:s1], [sflag:$0x3], $0x2000, $0x38;
	[tilespmem:$0x5080] =	vst v63  }
.Ltmp2:
0x1ef: {  	(pc) =	sbr.rel .LBB2_7-.Ltmp2, $4  }
0x1f0: {  	_ = 	snop  }
0x1f1: {  	_ =	swait.ge [sflag:s18], $0x800  }
0x1f2: {  	[sflag:s18] =	ssyncset.done $0x0  }
0x1f3: {  	[sflag:s18] =	ssyncadd.s32 $0xFFFFF800  }
.LBB2_6:
0x1f4: {  	s0 =	rddreg [dreg:$0x6]  }
0x1f5: {  	s0 =	sadd.s32 s25, s0  }
0x1f6: {  	s1 =	sshrl.u32 s0, $0x3;
	s0 =	sshll.u32 s0, $0x7  }
0x1f7: {  	s2 =	sshll.u32 s1, $0x11;
	s1 =	sshll.u32 s1, $0xA;
	s7 =	sand.u32 $0x300, s0  }
0x1f8: {  	s0 =	ssub.s32 s0, s1;
	s30 =	sor.u32 s7, s2  }
0x1f9: {  	s0 =	sand.u32 $0xFFFFFC00, s0;
	s1 =	sor.u32 s6, s30  }
0x1fa: {  	s0 =	sadd.s32 s0, s1  }
0x1fb: {  	s31 =	rddreg [dreg:$0x1];
	s0 =	sshrl.u32 s0, $0x3  }
.Ltmp3:
0x1fc: {  	s0 =	sadd.s32 s31, s0;
	(pc) =	sbr.rel @p0 .LBB2_8-.Ltmp3, $4  }
0x1fd: {  	[tilespmem:s14], [sflag:$0x1] =	stream.strided.gather [hbm4b:s0+s14], $0x800, s13, s14, $0x38;
	[tilespmem:$0x5080] =	vst v63  }
0x1fe: {  	_ =	swait.ge [sflag:s18], $0x800  }
0x1ff: {  	[sflag:s18] =	ssyncset.done $0x0  }
0x200: {  	[sflag:s18] =	ssyncadd.s32 $0xFFFFF800  }
.LBB2_7:
0x201: {  	_ =	swait.ge [sflag:s19], $0x2000  }
0x202: {  	[sflag:s19] =	ssyncset.done $0x0  }
0x203: {  	[sflag:s19] =	ssyncadd.s32 $0xFFFFE000  }
.LBB2_8:
0x204: {  	s0 =	simm.s32 $0x0;
	p0 =	por $0x1, $0x1  }
.LBB2_9:
0x205: {  	s0 =	sshll.u32 s0, $0x9  }
0x206: {  	s7 =	sshra.s32 s0, $0x2  }
0x207: {  	v0 =	vld [tilespmem:s7+$0x880];
	_ =	sdelay $0x4  }
0x208: {  	v0 =	vshll.u32 v0, $0x2;
	_ =	sdelay $0x4  }
0x209: {  	v1 =	vld.idx.msk [tilespmem:v0+s4+$0x0], $0xffff  }
0x20a: {  	v2 =	vor.u32 $0x1, v0;
	_ =	sdelay $0x2  }
0x20b: {  	s1 =	sand.u32 $0x3FFFFE00, s0  }
0x20c: {  	[tilespmem:s1+$0x3080] =	vst v1  }
0x20d: {  	v1 =	vld.idx.msk [tilespmem:v2+s4+$0x0], $0xffff  }
0x20e: {  	v19 =	vor.u32 $0x2, v0;
	_ =	sdelay $0x3  }
0x20f: {  	[tilespmem:s1+$0x3100] =	vst v1  }
0x210: {  	v1 =	vld.idx.msk [tilespmem:v19+s4+$0x0], $0xffff  }
0x211: {  	v0 =	vor.u32 $0x3, v0;
	_ =	sdelay $0x3  }
0x212: {  	[tilespmem:s1+$0x3180] =	vst v1  }
0x213: {  	v0 =	vld.idx.msk [tilespmem:v0+s4+$0x0], $0xffff;
	_ =	sdelay $0x4  }
0x214: {  	[tilespmem:s1+$0x3200] =	vst v0  }
0x215: {  	v0 =	vld [tilespmem:s7+$0x890];
	_ =	sdelay $0x4  }
0x216: {  	v0 =	vshll.u32 v0, $0x2;
	_ =	sdelay $0x4  }
0x217: {  	v1 =	vld.idx.msk [tilespmem:v0+s4+$0x0], $0xffff  }
0x218: {  	v20 =	vor.u32 $0x1, v0;
	_ =	sdelay $0x3  }
0x219: {  	[tilespmem:s1+$0x3090] =	vst v1  }
0x21a: {  	v1 =	vld.idx.msk [tilespmem:v20+s4+$0x0], $0xffff  }
0x21b: {  	v21 =	vor.u32 $0x2, v0;
	_ =	sdelay $0x3  }
0x21c: {  	[tilespmem:s1+$0x3110] =	vst v1  }
0x21d: {  	v1 =	vld.idx.msk [tilespmem:v21+s4+$0x0], $0xffff  }
0x21e: {  	v0 =	vor.u32 $0x3, v0;
	_ =	sdelay $0x3  }
0x21f: {  	[tilespmem:s1+$0x3190] =	vst v1  }
0x220: {  	v0 =	vld.idx.msk [tilespmem:v0+s4+$0x0], $0xffff;
	_ =	sdelay $0x4  }
0x221: {  	[tilespmem:s1+$0x3210] =	vst v0  }
0x222: {  	v0 =	vld [tilespmem:s7+$0x8A0];
	_ =	sdelay $0x4  }
0x223: {  	v0 =	vshll.u32 v0, $0x2;
	_ =	sdelay $0x4  }
0x224: {  	v1 =	vld.idx.msk [tilespmem:v0+s4+$0x0], $0xffff  }
0x225: {  	v22 =	vor.u32 $0x1, v0;
	_ =	sdelay $0x3  }
0x226: {  	[tilespmem:s1+$0x30A0] =	vst v1  }
0x227: {  	v1 =	vld.idx.msk [tilespmem:v22+s4+$0x0], $0xffff  }
0x228: {  	v23 =	vor.u32 $0x2, v0;
	_ =	sdelay $0x3  }
0x229: {  	[tilespmem:s1+$0x3120] =	vst v1  }
0x22a: {  	v1 =	vld.idx.msk [tilespmem:v23+s4+$0x0], $0xffff  }
0x22b: {  	v0 =	vor.u32 $0x3, v0;
	_ =	sdelay $0x3  }
0x22c: {  	[tilespmem:s1+$0x31A0] =	vst v1  }
0x22d: {  	v0 =	vld.idx.msk [tilespmem:v0+s4+$0x0], $0xffff;
	_ =	sdelay $0x4  }
0x22e: {  	[tilespmem:s1+$0x3220] =	vst v0  }
0x22f: {  	v0 =	vld [tilespmem:s7+$0x8B0];
	_ =	sdelay $0x4  }
0x230: {  	v0 =	vshll.u32 v0, $0x2;
	_ =	sdelay $0x4  }
0x231: {  	v1 =	vld.idx.msk [tilespmem:v0+s4+$0x0], $0xffff  }
0x232: {  	v24 =	vor.u32 $0x1, v0;
	_ =	sdelay $0x3  }
0x233: {  	[tilespmem:s1+$0x30B0] =	vst v1  }
0x234: {  	v1 =	vld.idx.msk [tilespmem:v24+s4+$0x0], $0xffff  }
0x235: {  	v25 =	vor.u32 $0x2, v0;
	_ =	sdelay $0x3  }
0x236: {  	[tilespmem:s1+$0x3130] =	vst v1  }
0x237: {  	v1 =	vld.idx.msk [tilespmem:v25+s4+$0x0], $0xffff  }
0x238: {  	v0 =	vor.u32 $0x3, v0;
	_ =	sdelay $0x3  }
0x239: {  	[tilespmem:s1+$0x31B0] =	vst v1  }
0x23a: {  	v0 =	vld.idx.msk [tilespmem:v0+s4+$0x0], $0xffff;
	_ =	sdelay $0x4  }
0x23b: {  	[tilespmem:s1+$0x3230] =	vst v0  }
0x23c: {  	v0 =	vld [tilespmem:s7+$0x8C0];
	_ =	sdelay $0x4  }
0x23d: {  	v0 =	vshll.u32 v0, $0x2;
	_ =	sdelay $0x4  }
0x23e: {  	v1 =	vld.idx.msk [tilespmem:v0+s4+$0x0], $0xffff  }
0x23f: {  	v26 =	vor.u32 $0x1, v0;
	_ =	sdelay $0x3  }
0x240: {  	[tilespmem:s1+$0x30C0] =	vst v1  }
0x241: {  	v1 =	vld.idx.msk [tilespmem:v26+s4+$0x0], $0xffff  }
0x242: {  	v27 =	vor.u32 $0x2, v0;
	_ =	sdelay $0x3  }
0x243: {  	[tilespmem:s1+$0x3140] =	vst v1  }
0x244: {  	v1 =	vld.idx.msk [tilespmem:v27+s4+$0x0], $0xffff  }
0x245: {  	v0 =	vor.u32 $0x3, v0;
	_ =	sdelay $0x3  }
0x246: {  	[tilespmem:s1+$0x31C0] =	vst v1  }
0x247: {  	v0 =	vld.idx.msk [tilespmem:v0+s4+$0x0], $0xffff;
	_ =	sdelay $0x4  }
0x248: {  	[tilespmem:s1+$0x3240] =	vst v0  }
0x249: {  	v0 =	vld [tilespmem:s7+$0x8D0];
	_ =	sdelay $0x4  }
0x24a: {  	v0 =	vshll.u32 v0, $0x2;
	_ =	sdelay $0x4  }
0x24b: {  	v1 =	vld.idx.msk [tilespmem:v0+s4+$0x0], $0xffff  }
0x24c: {  	v28 =	vor.u32 $0x1, v0;
	_ =	sdelay $0x3  }
0x24d: {  	[tilespmem:s1+$0x30D0] =	vst v1  }
0x24e: {  	v1 =	vld.idx.msk [tilespmem:v28+s4+$0x0], $0xffff  }
0x24f: {  	v29 =	vor.u32 $0x2, v0;
	_ =	sdelay $0x3  }
0x250: {  	[tilespmem:s1+$0x3150] =	vst v1  }
0x251: {  	v1 =	vld.idx.msk [tilespmem:v29+s4+$0x0], $0xffff  }
0x252: {  	v0 =	vor.u32 $0x3, v0;
	_ =	sdelay $0x3  }
0x253: {  	[tilespmem:s1+$0x31D0] =	vst v1  }
0x254: {  	v0 =	vld.idx.msk [tilespmem:v0+s4+$0x0], $0xffff;
	_ =	sdelay $0x4  }
0x255: {  	[tilespmem:s1+$0x3250] =	vst v0  }
0x256: {  	v0 =	vld [tilespmem:s7+$0x8E0];
	_ =	sdelay $0x4  }
0x257: {  	v0 =	vshll.u32 v0, $0x2;
	_ =	sdelay $0x4  }
0x258: {  	v1 =	vld.idx.msk [tilespmem:v0+s4+$0x0], $0xffff  }
0x259: {  	v30 =	vor.u32 $0x1, v0;
	_ =	sdelay $0x3  }
0x25a: {  	[tilespmem:s1+$0x30E0] =	vst v1  }
0x25b: {  	v1 =	vld.idx.msk [tilespmem:v30+s4+$0x0], $0xffff  }
0x25c: {  	v31 =	vor.u32 $0x2, v0;
	_ =	sdelay $0x3  }
0x25d: {  	[tilespmem:s1+$0x3160] =	vst v1  }
0x25e: {  	v1 =	vld.idx.msk [tilespmem:v31+s4+$0x0], $0xffff  }
0x25f: {  	v0 =	vor.u32 $0x3, v0;
	_ =	sdelay $0x3  }
0x260: {  	[tilespmem:s1+$0x31E0] =	vst v1  }
0x261: {  	v0 =	vld.idx.msk [tilespmem:v0+s4+$0x0], $0xffff;
	_ =	sdelay $0x4  }
0x262: {  	[tilespmem:s1+$0x3260] =	vst v0  }
0x263: {  	v0 =	vld [tilespmem:s7+$0x8F0];
	_ =	sdelay $0x4  }
0x264: {  	v0 =	vshll.u32 v0, $0x2;
	_ =	sdelay $0x4  }
0x265: {  	v1 =	vld.idx.msk [tilespmem:v0+s4+$0x0], $0xffff  }
0x266: {  	s2 =	sor.u32 $0x200, s0;
	v32 =	vor.u32 $0x1, v0  }
0x267: {  	s8 =	sshra.s32 s2, $0x2  }
0x268: {  	v3 =	vld [tilespmem:s8+$0x880];
	_ =	sdelay $0x1  }
0x269: {  	[tilespmem:s1+$0x30F0] =	vst v1  }
0x26a: {  	v1 =	vld.idx.msk [tilespmem:v32+s4+$0x0], $0xffff  }
0x26b: {  	v33 =	vor.u32 $0x2, v0  }
0x26c: {  	v3 =	vshll.u32 v3, $0x2;
	_ =	sdelay $0x2  }
0x26d: {  	[tilespmem:s1+$0x3170] =	vst v1  }
0x26e: {  	v1 =	vld.idx.msk [tilespmem:v33+s4+$0x0], $0xffff  }
0x26f: {  	v34 =	vld.idx.msk [tilespmem:v3+s4+$0x0], $0xffff;
	v0 =	vor.u32 $0x3, v0  }
0x270: {  	v4 =	vor.u32 $0x1, v3;
	_ =	sdelay $0x2  }
0x271: {  	s25 =	sand.u32 $0x3FFFFE00, s2;
	[tilespmem:s1+$0x31F0] =	vst v1  }
0x272: {  	[tilespmem:s25+$0x3080] =	vst v34;
	v0 =	vld.idx.msk [tilespmem:v0+s4+$0x0], $0xffff  }
0x273: {  	v35 =	vld.idx.msk [tilespmem:v4+s4+$0x0], $0xffff  }
0x274: {  	v36 =	vor.u32 $0x2, v3;
	_ =	sdelay $0x2  }
0x275: {  	[tilespmem:s1+$0x3270] =	vst v0  }
0x276: {  	[tilespmem:s25+$0x3100] =	vst v35  }
0x277: {  	v37 =	vld.idx.msk [tilespmem:v36+s4+$0x0], $0xffff  }
0x278: {  	v38 =	vor.u32 $0x3, v3;
	_ =	sdelay $0x3  }
0x279: {  	[tilespmem:s25+$0x3180] =	vst v37  }
0x27a: {  	v0 =	vld.idx.msk [tilespmem:v38+s4+$0x0], $0xffff;
	_ =	sdelay $0x4  }
0x27b: {  	[tilespmem:s25+$0x3200] =	vst v0  }
0x27c: {  	v0 =	vld [tilespmem:s8+$0x890];
	_ =	sdelay $0x4  }
0x27d: {  	v0 =	vshll.u32 v0, $0x2;
	_ =	sdelay $0x4  }
0x27e: {  	v39 =	vld.idx.msk [tilespmem:v0+s4+$0x0], $0xffff  }
0x27f: {  	v40 =	vor.u32 $0x1, v0;
	_ =	sdelay $0x3  }
0x280: {  	[tilespmem:s25+$0x3090] =	vst v39  }
0x281: {  	v1 =	vld.idx.msk [tilespmem:v40+s4+$0x0], $0xffff  }
0x282: {  	v41 =	vor.u32 $0x2, v0;
	_ =	sdelay $0x3  }
0x283: {  	[tilespmem:s25+$0x3110] =	vst v1  }
0x284: {  	v1 =	vld.idx.msk [tilespmem:v41+s4+$0x0], $0xffff  }
0x285: {  	v0 =	vor.u32 $0x3, v0;
	_ =	sdelay $0x3  }
0x286: {  	[tilespmem:s25+$0x3190] =	vst v1  }
0x287: {  	v0 =	vld.idx.msk [tilespmem:v0+s4+$0x0], $0xffff;
	_ =	sdelay $0x4  }
0x288: {  	[tilespmem:s25+$0x3210] =	vst v0  }
0x289: {  	v0 =	vld [tilespmem:s8+$0x8A0];
	_ =	sdelay $0x4  }
0x28a: {  	v0 =	vshll.u32 v0, $0x2;
	_ =	sdelay $0x4  }
0x28b: {  	v1 =	vld.idx.msk [tilespmem:v0+s4+$0x0], $0xffff  }
0x28c: {  	v42 =	vor.u32 $0x1, v0;
	_ =	sdelay $0x3  }
0x28d: {  	[tilespmem:s25+$0x30A0] =	vst v1  }
0x28e: {  	v1 =	vld.idx.msk [tilespmem:v42+s4+$0x0], $0xffff  }
0x28f: {  	v43 =	vor.u32 $0x2, v0;
	_ =	sdelay $0x3  }
0x290: {  	[tilespmem:s25+$0x3120] =	vst v1  }
0x291: {  	v1 =	vld.idx.msk [tilespmem:v43+s4+$0x0], $0xffff  }
0x292: {  	v0 =	vor.u32 $0x3, v0;
	_ =	sdelay $0x3  }
0x293: {  	[tilespmem:s25+$0x31A0] =	vst v1  }
0x294: {  	s29 =	sor.u32 $0x600, s0;
	v0 =	vld.idx.msk [tilespmem:v0+s4+$0x0], $0xffff  }
0x295: {  	s11 =	sshra.s32 s29, $0x2  }
0x296: {  	v51 =	vld [tilespmem:s11+$0x880];
	_ =	sdelay $0x2  }
0x297: {  	[tilespmem:s25+$0x3220] =	vst v0  }
0x298: {  	v0 =	vld [tilespmem:s8+$0x8B0]  }
0x299: {  	v4 =	vshll.u32 v51, $0x2;
	_ =	sdelay $0x3  }
0x29a: {  	v0 =	vshll.u32 v0, $0x2  }
0x29b: {  	v9 =	vld.idx.msk [tilespmem:v4+s4+$0x0], $0xffff  }
0x29c: {  	v10 =	vor.u32 $0x1, v4;
	_ =	sdelay $0x1  }
0x29d: {  	s28 =	sor.u32 $0x400, s0  }
0x29e: {  	s15 =	sshra.s32 s28, $0x2;
	s26 =	sand.u32 $0x3FFFFE00, s28;
	s28 =	sand.u32 $0x3FFFFE00, s29;
	v1 =	vld.idx.msk [tilespmem:v0+s4+$0x0], $0xffff  }
0x29f: {  	s17 =	sor.u32 $0xC00, s0;
	v46 =	vld [tilespmem:s15+$0x880];
	[tilespmem:s28+$0x3080] =	vst v9;
	v44 =	vor.u32 $0x1, v0  }
0x2a0: {  	s30 =	sor.u32 $0x800, s0;
	s10 =	sshra.s32 s17, $0x2;
	v10 =	vld.idx.msk [tilespmem:v10+s4+$0x0], $0xffff  }
0x2a1: {  	s20 =	sor.u32 $0xE00, s0;
	s12 =	sshra.s32 s30, $0x2;
	v7 =	vld [tilespmem:s10+$0x880];
	v16 =	vor.u32 $0x2, v4  }
0x2a2: {  	s22 =	sshra.s32 s20, $0x2;
	v5 =	vld [tilespmem:s12+$0x880]  }
0x2a3: {  	v8 =	vld [tilespmem:s22+$0x880];
	[tilespmem:s25+$0x30B0] =	vst v1  }
0x2a4: {  	v47 =	vshll.u32 v46, $0x2;
	v1 =	vld.idx.msk [tilespmem:v44+s4+$0x0], $0xffff  }
0x2a5: {  	[tilespmem:s28+$0x3100] =	vst v10;
	v45 =	vor.u32 $0x2, v0  }
0x2a6: {  	v7 =	vshll.u32 v7, $0x2;
	v16 =	vld.idx.msk [tilespmem:v16+s4+$0x0], $0xffff  }
0x2a7: {  	v4 =	vor.u32 $0x3, v4  }
0x2a8: {  	v53 =	vshll.u32 v5, $0x2  }
0x2a9: {  	v8 =	vshll.u32 v8, $0x2;
	v48 =	vld.idx.msk [tilespmem:v47+s4+$0x0], $0xffff;
	[tilespmem:s25+$0x3130] =	vst v1  }
0x2aa: {  	v3 =	vor.u32 $0x1, v47;
	v1 =	vld.idx.msk [tilespmem:v45+s4+$0x0], $0xffff  }
0x2ab: {  	v14 =	vld.idx.msk [tilespmem:v7+s4+$0x0], $0xffff;
	[tilespmem:s28+$0x3180] =	vst v16  }
0x2ac: {  	v57 =	vor.u32 $0x1, v7;
	v4 =	vld.idx.msk [tilespmem:v4+s4+$0x0], $0xffff  }
0x2ad: {  	v11 =	vld.idx.msk [tilespmem:v53+s4+$0x0], $0xffff  }
0x2ae: {  	s31 =	sor.u32 $0xA00, s0;
	v56 =	vor.u32 $0x1, v53;
	v15 =	vld.idx.msk [tilespmem:v8+s4+$0x0], $0xffff;
	[tilespmem:s26+$0x3080] =	vst v48  }
0x2af: {  	s21 =	sshra.s32 s31, $0x2;
	s29 =	sand.u32 $0x3FFFFE00, s30;
	s30 =	sand.u32 $0x3FFFFE00, s17;
	v58 =	vor.u32 $0x1, v8;
	[tilespmem:s25+$0x31B0] =	vst v1;
	v1 =	vld.idx.msk [tilespmem:v3+s4+$0x0], $0xffff  }
0x2b0: {  	v52 =	vld [tilespmem:s21+$0x880];
	v49 =	vor.u32 $0x2, v47;
	[tilespmem:s30+$0x3080] =	vst v14  }
0x2b1: {  	v9 =	vld.idx.msk [tilespmem:v57+s4+$0x0], $0xffff;
	[tilespmem:s28+$0x3200] =	vst v4  }
0x2b2: {  	s7 =	sand.u32 $0x3FFFFE00, s31;
	s31 =	sand.u32 $0x3FFFFE00, s20;
	v62 =	vor.u32 $0x2, v7;
	[tilespmem:s29+$0x3080] =	vst v11;
	v21 =	vld [tilespmem:s11+$0x890]  }
0x2b3: {  	[tilespmem:s31+$0x3080] =	vst v15;
	v5 =	vld.idx.msk [tilespmem:v56+s4+$0x0], $0xffff;
	v0 =	vor.u32 $0x3, v0  }
0x2b4: {  	v11 =	vld.idx.msk [tilespmem:v58+s4+$0x0], $0xffff;
	[tilespmem:s26+$0x3100] =	vst v1  }
0x2b5: {  	v63 =	vor.u32 $0x2, v8;
	v1 =	vld.idx.msk [tilespmem:v49+s4+$0x0], $0xffff  }
0x2b6: {  	v2 =	vor.u32 $0x3, v47;
	[tilespmem:s30+$0x3100] =	vst v9  }
0x2b7: {  	v10 =	vld.idx.msk [tilespmem:v62+s4+$0x0], $0xffff;
	v22 =	vshll.u32 v21, $0x2  }
0x2b8: {  	v7 =	vor.u32 $0x3, v7;
	[tilespmem:s29+$0x3100] =	vst v5;
	v0 =	vld.idx.msk [tilespmem:v0+s4+$0x0], $0xffff  }
0x2b9: {  	[tilespmem:s31+$0x3100] =	vst v11  }
0x2ba: {  	v5 =	vld.idx.msk [tilespmem:v63+s4+$0x0], $0xffff;
	[tilespmem:s26+$0x3180] =	vst v1;
	v1 =	vshll.u32 v52, $0x2  }
0x2bb: {  	v8 =	vor.u32 $0x3, v8;
	v2 =	vld.idx.msk [tilespmem:v2+s4+$0x0], $0xffff  }
0x2bc: {  	[tilespmem:s30+$0x3180] =	vst v10;
	v25 =	vld.idx.msk [tilespmem:v22+s4+$0x0], $0xffff  }
0x2bd: {  	v7 =	vld.idx.msk [tilespmem:v7+s4+$0x0], $0xffff;
	v26 =	vor.u32 $0x1, v22;
	[tilespmem:s25+$0x3230] =	vst v0  }
0x2be: {  	v0 =	vld [tilespmem:s8+$0x8C0]  }
0x2bf: {  	v59 =	vor.u32 $0x2, v53;
	[tilespmem:s31+$0x3180] =	vst v5;
	v12 =	vld.idx.msk [tilespmem:v1+s4+$0x0], $0xffff  }
0x2c0: {  	v20 =	vld.idx.msk [tilespmem:v8+s4+$0x0], $0xffff;
	[tilespmem:s26+$0x3200] =	vst v2  }
0x2c1: {  	[tilespmem:s28+$0x3090] =	vst v25;
	v13 =	vor.u32 $0x1, v1;
	v2 =	vld [tilespmem:s15+$0x890]  }
0x2c2: {  	v8 =	vld.idx.msk [tilespmem:v26+s4+$0x0], $0xffff  }
0x2c3: {  	v36 =	vor.u32 $0x2, v22  }
0x2c4: {  	v0 =	vshll.u32 v0, $0x2;
	[tilespmem:s7+$0x3080] =	vst v12;
	v12 =	vld.idx.msk [tilespmem:v59+s4+$0x0], $0xffff  }
0x2c5: {  	v3 =	vor.u32 $0x3, v53  }
0x2c6: {  	[tilespmem:s30+$0x3200] =	vst v7;
	v13 =	vld.idx.msk [tilespmem:v13+s4+$0x0], $0xffff;
	v2 =	vshll.u32 v2, $0x2  }
0x2c7: {  	v7 =	vld [tilespmem:s10+$0x890];
	[tilespmem:s28+$0x3110] =	vst v8;
	v60 =	vor.u32 $0x2, v1  }
0x2c8: {  	v42 =	vld.idx.msk [tilespmem:v36+s4+$0x0], $0xffff  }
0x2c9: {  	v4 =	vor.u32 $0x3, v22;
	v50 =	vld.idx.msk [tilespmem:v0+s4+$0x0], $0xffff;
	[tilespmem:s29+$0x3180] =	vst v12  }
0x2ca: {  	v6 =	vor.u32 $0x1, v0;
	v3 =	vld.idx.msk [tilespmem:v3+s4+$0x0], $0xffff  }
0x2cb: {  	[tilespmem:s7+$0x3100] =	vst v13;
	v17 =	vld.idx.msk [tilespmem:v2+s4+$0x0], $0xffff  }
0x2cc: {  	[tilespmem:s31+$0x3200] =	vst v20;
	v61 =	vor.u32 $0x1, v2;
	v13 =	vld.idx.msk [tilespmem:v60+s4+$0x0], $0xffff  }
0x2cd: {  	v23 =	vld [tilespmem:s22+$0x890];
	[tilespmem:s28+$0x3190] =	vst v42;
	v1 =	vor.u32 $0x3, v1  }
0x2ce: {  	v4 =	vld.idx.msk [tilespmem:v4+s4+$0x0], $0xffff;
	[tilespmem:s25+$0x30C0] =	vst v50  }
0x2cf: {  	v24 =	vshll.u32 v7, $0x2;
	v54 =	vld.idx.msk [tilespmem:v6+s4+$0x0], $0xffff;
	[tilespmem:s29+$0x3200] =	vst v3  }
0x2d0: {  	[tilespmem:s26+$0x3090] =	vst v17;
	v3 =	vld [tilespmem:s12+$0x890]  }
0x2d1: {  	v55 =	vor.u32 $0x2, v0;
	[tilespmem:s7+$0x3180] =	vst v13;
	v18 =	vld.idx.msk [tilespmem:v61+s4+$0x0], $0xffff  }
0x2d2: {  	v19 =	vor.u32 $0x2, v2;
	v1 =	vld.idx.msk [tilespmem:v1+s4+$0x0], $0xffff;
	_ =	sdelay $0x1  }
0x2d3: {  	v32 =	vld.idx.msk [tilespmem:v24+s4+$0x0], $0xffff;
	[tilespmem:s28+$0x3210] =	vst v4  }
0x2d4: {  	v5 =	vshll.u32 v23, $0x2;
	v4 =	vld [tilespmem:s11+$0x8A0];
	[tilespmem:s25+$0x3140] =	vst v54  }
0x2d5: {  	v6 =	vld.idx.msk [tilespmem:v55+s4+$0x0], $0xffff;
	v3 =	vshll.u32 v3, $0x2;
	[tilespmem:s26+$0x3110] =	vst v18  }
0x2d6: {  	v0 =	vor.u32 $0x3, v0;
	[tilespmem:s7+$0x3200] =	vst v1;
	v9 =	vld.idx.msk [tilespmem:v19+s4+$0x0], $0xffff  }
0x2d7: {  	v2 =	vor.u32 $0x3, v2;
	v1 =	vld [tilespmem:s21+$0x890]  }
0x2d8: {  	v33 =	vor.u32 $0x1, v24  }
0x2d9: {  	v34 =	vld.idx.msk [tilespmem:v5+s4+$0x0], $0xffff;
	v4 =	vshll.u32 v4, $0x2  }
0x2da: {  	v35 =	vor.u32 $0x1, v5;
	[tilespmem:s25+$0x31C0] =	vst v6;
	v27 =	vld.idx.msk [tilespmem:v3+s4+$0x0], $0xffff  }
0x2db: {  	v0 =	vld.idx.msk [tilespmem:v0+s4+$0x0], $0xffff;
	v28 =	vor.u32 $0x1, v3;
	[tilespmem:s26+$0x3190] =	vst v9  }
0x2dc: {  	[tilespmem:s30+$0x3090] =	vst v32;
	v1 =	vshll.u32 v1, $0x2;
	v2 =	vld.idx.msk [tilespmem:v2+s4+$0x0], $0xffff  }
0x2dd: {  	v7 =	vld.idx.msk [tilespmem:v33+s4+$0x0], $0xffff  }
0x2de: {  	v41 =	vor.u32 $0x2, v24;
	[tilespmem:s31+$0x3090] =	vst v34;
	v47 =	vld.idx.msk [tilespmem:v4+s4+$0x0], $0xffff  }
0x2df: {  	v9 =	vld.idx.msk [tilespmem:v35+s4+$0x0], $0xffff;
	[tilespmem:s29+$0x3090] =	vst v27  }
0x2e0: {  	v43 =	vor.u32 $0x2, v5;
	[tilespmem:s25+$0x3240] =	vst v0;
	v0 =	vld.idx.msk [tilespmem:v28+s4+$0x0], $0xffff  }
0x2e1: {  	v29 =	vld.idx.msk [tilespmem:v1+s4+$0x0], $0xffff;
	[tilespmem:s26+$0x3210] =	vst v2  }
0x2e2: {  	[tilespmem:s30+$0x3110] =	vst v7;
	v31 =	vor.u32 $0x1, v1;
	v2 =	vld [tilespmem:s15+$0x8A0]  }
0x2e3: {  	v8 =	vld.idx.msk [tilespmem:v41+s4+$0x0], $0xffff;
	v48 =	vor.u32 $0x1, v4  }
0x2e4: {  	v37 =	vor.u32 $0x2, v3;
	[tilespmem:s31+$0x3110] =	vst v9  }
0x2e5: {  	v6 =	vor.u32 $0x3, v24;
	[tilespmem:s29+$0x3110] =	vst v0;
	v0 =	vld.idx.msk [tilespmem:v43+s4+$0x0], $0xffff  }
0x2e6: {  	v5 =	vor.u32 $0x3, v5;
	[tilespmem:s7+$0x3090] =	vst v29  }
0x2e7: {  	[tilespmem:s28+$0x30A0] =	vst v47;
	v12 =	vld.idx.msk [tilespmem:v31+s4+$0x0], $0xffff;
	v2 =	vshll.u32 v2, $0x2  }
0x2e8: {  	[tilespmem:s30+$0x3190] =	vst v8;
	v8 =	vld.idx.msk [tilespmem:v48+s4+$0x0], $0xffff;
	v39 =	vor.u32 $0x2, v1  }
0x2e9: {  	v58 =	vor.u32 $0x2, v4;
	v10 =	vld.idx.msk [tilespmem:v37+s4+$0x0], $0xffff  }
0x2ea: {  	v6 =	vld.idx.msk [tilespmem:v6+s4+$0x0], $0xffff;
	v3 =	vor.u32 $0x3, v3;
	[tilespmem:s31+$0x3190] =	vst v0  }
0x2eb: {  	v0 =	vld.idx.msk [tilespmem:v5+s4+$0x0], $0xffff  }
0x2ec: {  	[tilespmem:s7+$0x3110] =	vst v12;
	v38 =	vld.idx.msk [tilespmem:v2+s4+$0x0], $0xffff  }
0x2ed: {  	[tilespmem:s28+$0x3120] =	vst v8;
	v40 =	vor.u32 $0x1, v2;
	v12 =	vld.idx.msk [tilespmem:v39+s4+$0x0], $0xffff  }
0x2ee: {  	v16 =	vld.idx.msk [tilespmem:v58+s4+$0x0], $0xffff;
	v1 =	vor.u32 $0x3, v1;
	[tilespmem:s29+$0x3190] =	vst v10  }
0x2ef: {  	v4 =	vor.u32 $0x3, v4;
	[tilespmem:s30+$0x3210] =	vst v6;
	v3 =	vld.idx.msk [tilespmem:v3+s4+$0x0], $0xffff  }
0x2f0: {  	v45 =	vld [tilespmem:s10+$0x8A0];
	[tilespmem:s31+$0x3210] =	vst v0  }
0x2f1: {  	v46 =	vld [tilespmem:s22+$0x8A0];
	[tilespmem:s26+$0x30A0] =	vst v38  }
0x2f2: {  	[tilespmem:s7+$0x3190] =	vst v12;
	v13 =	vld.idx.msk [tilespmem:v40+s4+$0x0], $0xffff  }
0x2f3: {  	[tilespmem:s28+$0x31A0] =	vst v16;
	v44 =	vor.u32 $0x2, v2;
	v1 =	vld.idx.msk [tilespmem:v1+s4+$0x0], $0xffff  }
0x2f4: {  	v4 =	vld.idx.msk [tilespmem:v4+s4+$0x0], $0xffff;
	[tilespmem:s29+$0x3210] =	vst v3  }
0x2f5: {  	v3 =	vld [tilespmem:s12+$0x8A0]  }
0x2f6: {  	v5 =	vshll.u32 v45, $0x2  }
0x2f7: {  	v6 =	vshll.u32 v46, $0x2;
	[tilespmem:s26+$0x3120] =	vst v13  }
0x2f8: {  	[tilespmem:s7+$0x3210] =	vst v1;
	v7 =	vld.idx.msk [tilespmem:v44+s4+$0x0], $0xffff  }
0x2f9: {  	[tilespmem:s28+$0x3220] =	vst v4;
	v2 =	vor.u32 $0x3, v2;
	v1 =	vld [tilespmem:s21+$0x8A0]  }
0x2fa: {  	v24 =	vld [tilespmem:s11+$0x8B0];
	v3 =	vshll.u32 v3, $0x2  }
0x2fb: {  	v54 =	vld.idx.msk [tilespmem:v5+s4+$0x0], $0xffff  }
0x2fc: {  	v55 =	vor.u32 $0x1, v5;
	v56 =	vld.idx.msk [tilespmem:v6+s4+$0x0], $0xffff  }
0x2fd: {  	v57 =	vor.u32 $0x1, v6;
	[tilespmem:s26+$0x31A0] =	vst v7  }
0x2fe: {  	v1 =	vshll.u32 v1, $0x2;
	v2 =	vld.idx.msk [tilespmem:v2+s4+$0x0], $0xffff  }
0x2ff: {  	v49 =	vld.idx.msk [tilespmem:v3+s4+$0x0], $0xffff  }
0x300: {  	v30 =	vld [tilespmem:s8+$0x8D0];
	[tilespmem:s30+$0x30A0] =	vst v54;
	v50 =	vor.u32 $0x1, v3  }
0x301: {  	v27 =	vshll.u32 v24, $0x2;
	v7 =	vld.idx.msk [tilespmem:v55+s4+$0x0], $0xffff;
	[tilespmem:s31+$0x30A0] =	vst v56  }
0x302: {  	v63 =	vor.u32 $0x2, v5;
	v9 =	vld.idx.msk [tilespmem:v57+s4+$0x0], $0xffff  }
0x303: {  	v51 =	vld.idx.msk [tilespmem:v1+s4+$0x0], $0xffff;
	[tilespmem:s26+$0x3220] =	vst v2  }
0x304: {  	v53 =	vor.u32 $0x1, v1;
	[tilespmem:s29+$0x30A0] =	vst v49;
	v2 =	vld [tilespmem:s15+$0x8B0]  }
0x305: {  	v20 =	vor.u32 $0x2, v6;
	v10 =	vld.idx.msk [tilespmem:v50+s4+$0x0], $0xffff  }
0x306: {  	v0 =	vshll.u32 v30, $0x2;
	v30 =	vld.idx.msk [tilespmem:v27+s4+$0x0], $0xffff;
	v59 =	vor.u32 $0x2, v3;
	[tilespmem:s30+$0x3120] =	vst v7  }
0x307: {  	v31 =	vor.u32 $0x1, v27;
	v8 =	vld.idx.msk [tilespmem:v63+s4+$0x0], $0xffff  }
0x308: {  	v5 =	vor.u32 $0x3, v5;
	[tilespmem:s7+$0x30A0] =	vst v51  }
0x309: {  	[tilespmem:s31+$0x3120] =	vst v9;
	v13 =	vld.idx.msk [tilespmem:v53+s4+$0x0], $0xffff;
	v2 =	vshll.u32 v2, $0x2  }
0x30a: {  	v61 =	vor.u32 $0x2, v1;
	[tilespmem:s29+$0x3120] =	vst v10;
	v9 =	vld.idx.msk [tilespmem:v20+s4+$0x0], $0xffff  }
0x30b: {  	[tilespmem:s28+$0x30B0] =	vst v30;
	v6 =	vor.u32 $0x3, v6;
	v11 =	vld.idx.msk [tilespmem:v59+s4+$0x0], $0xffff  }
0x30c: {  	v3 =	vor.u32 $0x3, v3;
	v10 =	vld.idx.msk [tilespmem:v31+s4+$0x0], $0xffff;
	[tilespmem:s30+$0x31A0] =	vst v8  }
0x30d: {  	v39 =	vor.u32 $0x2, v27;
	v5 =	vld.idx.msk [tilespmem:v5+s4+$0x0], $0xffff  }
0x30e: {  	[tilespmem:s7+$0x3120] =	vst v13;
	v60 =	vld.idx.msk [tilespmem:v2+s4+$0x0], $0xffff  }
0x30f: {  	v62 =	vor.u32 $0x1, v2;
	[tilespmem:s31+$0x31A0] =	vst v9;
	v13 =	vld.idx.msk [tilespmem:v61+s4+$0x0], $0xffff  }
0x310: {  	v1 =	vor.u32 $0x3, v1;
	[tilespmem:s29+$0x31A0] =	vst v11;
	v23 =	vld.idx.msk [tilespmem:v6+s4+$0x0], $0xffff  }
0x311: {  	[tilespmem:s28+$0x3130] =	vst v10;
	v3 =	vld.idx.msk [tilespmem:v3+s4+$0x0], $0xffff  }
0x312: {  	v16 =	vld.idx.msk [tilespmem:v39+s4+$0x0], $0xffff;
	[tilespmem:s30+$0x3220] =	vst v5  }
0x313: {  	v5 =	vld [tilespmem:s10+$0x8B0];
	[tilespmem:s26+$0x30B0] =	vst v60  }
0x314: {  	v4 =	vor.u32 $0x3, v27;
	[tilespmem:s7+$0x31A0] =	vst v13;
	v21 =	vld.idx.msk [tilespmem:v62+s4+$0x0], $0xffff  }
0x315: {  	v22 =	vor.u32 $0x2, v2;
	[tilespmem:s31+$0x3220] =	vst v23;
	v1 =	vld.idx.msk [tilespmem:v1+s4+$0x0], $0xffff  }
0x316: {  	[tilespmem:s29+$0x3220] =	vst v3;
	v28 =	vld [tilespmem:s22+$0x8B0]  }
0x317: {  	v3 =	vld [tilespmem:s12+$0x8B0]  }
0x318: {  	[tilespmem:s28+$0x31B0] =	vst v16;
	v5 =	vshll.u32 v5, $0x2  }
0x319: {  	v4 =	vld.idx.msk [tilespmem:v4+s4+$0x0], $0xffff;
	[tilespmem:s26+$0x3130] =	vst v21  }
0x31a: {  	[tilespmem:s7+$0x3220] =	vst v1;
	v7 =	vld.idx.msk [tilespmem:v22+s4+$0x0], $0xffff  }
0x31b: {  	v6 =	vshll.u32 v28, $0x2;
	v26 =	vld [tilespmem:s21+$0x8B0]  }
0x31c: {  	v52 =	vld.idx.msk [tilespmem:v0+s4+$0x0], $0xffff;
	v3 =	vshll.u32 v3, $0x2  }
0x31d: {  	v25 =	vor.u32 $0x1, v0;
	v35 =	vld.idx.msk [tilespmem:v5+s4+$0x0], $0xffff  }
0x31e: {  	v36 =	vor.u32 $0x1, v5;
	[tilespmem:s28+$0x3230] =	vst v4  }
0x31f: {  	v2 =	vor.u32 $0x3, v2;
	v4 =	vld [tilespmem:s11+$0x8C0]  }
0x320: {  	v37 =	vld.idx.msk [tilespmem:v6+s4+$0x0], $0xffff;
	[tilespmem:s26+$0x31B0] =	vst v7;
	v7 =	vshll.u32 v26, $0x2  }
0x321: {  	[tilespmem:s25+$0x30D0] =	vst v52;
	v38 =	vor.u32 $0x1, v6;
	v11 =	vld.idx.msk [tilespmem:v3+s4+$0x0], $0xffff  }
0x322: {  	v1 =	vld.idx.msk [tilespmem:v25+s4+$0x0], $0xffff;
	v32 =	vor.u32 $0x1, v3;
	[tilespmem:s30+$0x30B0] =	vst v35  }
0x323: {  	v9 =	vld.idx.msk [tilespmem:v36+s4+$0x0], $0xffff  }
0x324: {  	v43 =	vor.u32 $0x2, v5;
	v2 =	vld.idx.msk [tilespmem:v2+s4+$0x0], $0xffff  }
0x325: {  	[tilespmem:s31+$0x30B0] =	vst v37;
	v33 =	vld.idx.msk [tilespmem:v7+s4+$0x0], $0xffff  }
0x326: {  	v34 =	vor.u32 $0x1, v7;
	[tilespmem:s29+$0x30B0] =	vst v11;
	v11 =	vld.idx.msk [tilespmem:v38+s4+$0x0], $0xffff  }
0x327: {  	v44 =	vor.u32 $0x2, v6;
	[tilespmem:s25+$0x3150] =	vst v1;
	v1 =	vld.idx.msk [tilespmem:v32+s4+$0x0], $0xffff  }
0x328: {  	v40 =	vor.u32 $0x2, v3;
	[tilespmem:s30+$0x3130] =	vst v9  }
0x329: {  	v29 =	vor.u32 $0x2, v0;
	[tilespmem:s26+$0x3230] =	vst v2;
	v10 =	vld.idx.msk [tilespmem:v43+s4+$0x0], $0xffff  }
0x32a: {  	v48 =	vshll.u32 v4, $0x2;
	v2 =	vld [tilespmem:s15+$0x8C0];
	[tilespmem:s7+$0x30B0] =	vst v33  }
0x32b: {  	v5 =	vor.u32 $0x3, v5;
	[tilespmem:s31+$0x3130] =	vst v11;
	v13 =	vld.idx.msk [tilespmem:v34+s4+$0x0], $0xffff  }
0x32c: {  	v41 =	vor.u32 $0x2, v7;
	[tilespmem:s29+$0x3130] =	vst v1;
	v1 =	vld.idx.msk [tilespmem:v44+s4+$0x0], $0xffff  }
0x32d: {  	v6 =	vor.u32 $0x3, v6;
	v12 =	vld.idx.msk [tilespmem:v40+s4+$0x0], $0xffff  }
0x32e: {  	v3 =	vor.u32 $0x3, v3;
	v8 =	vld.idx.msk [tilespmem:v29+s4+$0x0], $0xffff  }
0x32f: {  	v50 =	vld.idx.msk [tilespmem:v48+s4+$0x0], $0xffff;
	[tilespmem:s30+$0x31B0] =	vst v10;
	v2 =	vshll.u32 v2, $0x2  }
0x330: {  	v51 =	vor.u32 $0x1, v48;
	v5 =	vld.idx.msk [tilespmem:v5+s4+$0x0], $0xffff;
	[tilespmem:s7+$0x3130] =	vst v13  }
0x331: {  	[tilespmem:s31+$0x31B0] =	vst v1;
	v13 =	vld.idx.msk [tilespmem:v41+s4+$0x0], $0xffff  }
0x332: {  	v7 =	vor.u32 $0x3, v7;
	[tilespmem:s29+$0x31B0] =	vst v12;
	v1 =	vld.idx.msk [tilespmem:v6+s4+$0x0], $0xffff  }
0x333: {  	[tilespmem:s25+$0x31D0] =	vst v8;
	v3 =	vld.idx.msk [tilespmem:v3+s4+$0x0], $0xffff  }
0x334: {  	[tilespmem:s28+$0x30C0] =	vst v50;
	v17 =	vld.idx.msk [tilespmem:v2+s4+$0x0], $0xffff  }
0x335: {  	v8 =	vld.idx.msk [tilespmem:v51+s4+$0x0], $0xffff;
	v42 =	vor.u32 $0x1, v2;
	[tilespmem:s30+$0x3230] =	vst v5  }
0x336: {  	v0 =	vor.u32 $0x3, v0;
	v5 =	vld [tilespmem:s10+$0x8C0];
	[tilespmem:s7+$0x31B0] =	vst v13  }
0x337: {  	[tilespmem:s31+$0x3230] =	vst v1;
	v7 =	vld.idx.msk [tilespmem:v7+s4+$0x0], $0xffff  }
0x338: {  	[tilespmem:s29+$0x3230] =	vst v3;
	v49 =	vld [tilespmem:s22+$0x8C0]  }
0x339: {  	[tilespmem:s26+$0x30C0] =	vst v17;
	v3 =	vld [tilespmem:s12+$0x8C0]  }
0x33a: {  	v61 =	vor.u32 $0x2, v48;
	v45 =	vld.idx.msk [tilespmem:v42+s4+$0x0], $0xffff  }
0x33b: {  	v0 =	vld.idx.msk [tilespmem:v0+s4+$0x0], $0xffff;
	v46 =	vor.u32 $0x2, v2  }
0x33c: {  	[tilespmem:s7+$0x3230] =	vst v7  }
0x33d: {  	v5 =	vshll.u32 v5, $0x2;
	v47 =	vld [tilespmem:s21+$0x8C0]  }
0x33e: {  	[tilespmem:s28+$0x3140] =	vst v8;
	v4 =	vshll.u32 v49, $0x2  }
0x33f: {  	v15 =	vld.idx.msk [tilespmem:v61+s4+$0x0], $0xffff;
	v3 =	vshll.u32 v3, $0x2;
	[tilespmem:s26+$0x3140] =	vst v45  }
0x340: {  	[tilespmem:s25+$0x3250] =	vst v0;
	v1 =	vor.u32 $0x3, v48;
	v9 =	vld.idx.msk [tilespmem:v46+s4+$0x0], $0xffff  }
0x341: {  	v55 =	vld [tilespmem:s8+$0x8E0];
	v2 =	vor.u32 $0x3, v2  }
0x342: {  	v57 =	vld.idx.msk [tilespmem:v5+s4+$0x0], $0xffff;
	v6 =	vshll.u32 v47, $0x2  }
0x343: {  	v58 =	vor.u32 $0x1, v5;
	v59 =	vld.idx.msk [tilespmem:v4+s4+$0x0], $0xffff  }
0x344: {  	[tilespmem:s28+$0x31C0] =	vst v15;
	v60 =	vor.u32 $0x1, v4;
	v52 =	vld.idx.msk [tilespmem:v3+s4+$0x0], $0xffff  }
0x345: {  	v1 =	vld.idx.msk [tilespmem:v1+s4+$0x0], $0xffff;
	v53 =	vor.u32 $0x1, v3;
	[tilespmem:s26+$0x31C0] =	vst v9  }
0x346: {  	v2 =	vld.idx.msk [tilespmem:v2+s4+$0x0], $0xffff  }
0x347: {  	[tilespmem:s30+$0x30C0] =	vst v57;
	v54 =	vld.idx.msk [tilespmem:v6+s4+$0x0], $0xffff  }
0x348: {  	v7 =	vld.idx.msk [tilespmem:v58+s4+$0x0], $0xffff;
	v56 =	vor.u32 $0x1, v6;
	[tilespmem:s31+$0x30C0] =	vst v59  }
0x349: {  	v21 =	vor.u32 $0x2, v5;
	[tilespmem:s29+$0x30C0] =	vst v52;
	v9 =	vld.idx.msk [tilespmem:v60+s4+$0x0], $0xffff  }
0x34a: {  	v22 =	vor.u32 $0x2, v4;
	[tilespmem:s28+$0x3240] =	vst v1;
	v0 =	vld.idx.msk [tilespmem:v53+s4+$0x0], $0xffff  }
0x34b: {  	v1 =	vld [tilespmem:s11+$0x8D0];
	[tilespmem:s26+$0x3240] =	vst v2  }
0x34c: {  	v62 =	vor.u32 $0x2, v3;
	v2 =	vld [tilespmem:s15+$0x8D0];
	[tilespmem:s7+$0x30C0] =	vst v54  }
0x34d: {  	v25 =	vshll.u32 v55, $0x2;
	[tilespmem:s30+$0x3140] =	vst v7;
	v12 =	vld.idx.msk [tilespmem:v56+s4+$0x0], $0xffff  }
0x34e: {  	v19 =	vor.u32 $0x2, v6;
	v8 =	vld.idx.msk [tilespmem:v21+s4+$0x0], $0xffff;
	[tilespmem:s31+$0x3140] =	vst v9  }
0x34f: {  	v5 =	vor.u32 $0x3, v5;
	[tilespmem:s29+$0x3140] =	vst v0;
	v0 =	vld.idx.msk [tilespmem:v22+s4+$0x0], $0xffff  }
0x350: {  	v4 =	vor.u32 $0x3, v4  }
0x351: {  	v10 =	vld.idx.msk [tilespmem:v62+s4+$0x0], $0xffff;
	v2 =	vshll.u32 v2, $0x2  }
0x352: {  	v27 =	vld.idx.msk [tilespmem:v25+s4+$0x0], $0xffff;
	v3 =	vor.u32 $0x3, v3;
	[tilespmem:s7+$0x3140] =	vst v12  }
0x353: {  	v30 =	vshll.u32 v1, $0x2;
	[tilespmem:s30+$0x31C0] =	vst v8;
	v12 =	vld.idx.msk [tilespmem:v19+s4+$0x0], $0xffff  }
0x354: {  	v6 =	vor.u32 $0x3, v6;
	v5 =	vld.idx.msk [tilespmem:v5+s4+$0x0], $0xffff;
	[tilespmem:s31+$0x31C0] =	vst v0  }
0x355: {  	v0 =	vld.idx.msk [tilespmem:v4+s4+$0x0], $0xffff  }
0x356: {  	[tilespmem:s29+$0x31C0] =	vst v10;
	v63 =	vld.idx.msk [tilespmem:v2+s4+$0x0], $0xffff  }
0x357: {  	v20 =	vor.u32 $0x1, v2;
	v3 =	vld.idx.msk [tilespmem:v3+s4+$0x0], $0xffff  }
0x358: {  	v33 =	vld.idx.msk [tilespmem:v30+s4+$0x0], $0xffff;
	[tilespmem:s7+$0x31C0] =	vst v12  }
0x359: {  	v34 =	vor.u32 $0x1, v30;
	[tilespmem:s30+$0x3240] =	vst v5;
	v6 =	vld.idx.msk [tilespmem:v6+s4+$0x0], $0xffff  }
0x35a: {  	v29 =	vld [tilespmem:s10+$0x8D0];
	[tilespmem:s31+$0x3240] =	vst v0  }
0x35b: {  	v31 =	vld [tilespmem:s22+$0x8D0];
	[tilespmem:s26+$0x30D0] =	vst v63  }
0x35c: {  	[tilespmem:s29+$0x3240] =	vst v3;
	v23 =	vld.idx.msk [tilespmem:v20+s4+$0x0], $0xffff  }
0x35d: {  	[tilespmem:s28+$0x30D0] =	vst v33;
	v24 =	vor.u32 $0x2, v2;
	v3 =	vld [tilespmem:s12+$0x8D0]  }
0x35e: {  	v28 =	vor.u32 $0x1, v25;
	v9 =	vld.idx.msk [tilespmem:v34+s4+$0x0], $0xffff;
	[tilespmem:s7+$0x3240] =	vst v6  }
0x35f: {  	v44 =	vor.u32 $0x2, v30;
	v26 =	vld [tilespmem:s21+$0x8D0]  }
0x360: {  	v32 =	vshll.u32 v29, $0x2  }
0x361: {  	v1 =	vshll.u32 v31, $0x2;
	[tilespmem:s26+$0x3150] =	vst v23  }
0x362: {  	[tilespmem:s25+$0x30E0] =	vst v27;
	v3 =	vshll.u32 v3, $0x2;
	v7 =	vld.idx.msk [tilespmem:v24+s4+$0x0], $0xffff  }
0x363: {  	v2 =	vor.u32 $0x3, v2;
	v5 =	vld.idx.msk [tilespmem:v28+s4+$0x0], $0xffff;
	[tilespmem:s28+$0x3150] =	vst v9  }
0x364: {  	v11 =	vld.idx.msk [tilespmem:v44+s4+$0x0], $0xffff;
	v4 =	vshll.u32 v26, $0x2  }
0x365: {  	v0 =	vor.u32 $0x3, v30;
	v40 =	vld.idx.msk [tilespmem:v32+s4+$0x0], $0xffff  }
0x366: {  	v41 =	vor.u32 $0x1, v32;
	v42 =	vld.idx.msk [tilespmem:v1+s4+$0x0], $0xffff  }
0x367: {  	v39 =	vor.u32 $0x2, v25;
	v10 =	vld.idx.msk [tilespmem:v3+s4+$0x0], $0xffff;
	[tilespmem:s26+$0x31D0] =	vst v7  }
0x368: {  	[tilespmem:s25+$0x3160] =	vst v5;
	v43 =	vor.u32 $0x1, v1;
	v2 =	vld.idx.msk [tilespmem:v2+s4+$0x0], $0xffff  }
0x369: {  	[tilespmem:s28+$0x31D0] =	vst v11;
	v35 =	vor.u32 $0x1, v3;
	v36 =	vld.idx.msk [tilespmem:v4+s4+$0x0], $0xffff  }
0x36a: {  	v0 =	vld.idx.msk [tilespmem:v0+s4+$0x0], $0xffff;
	[tilespmem:s30+$0x30D0] =	vst v40;
	v38 =	vor.u32 $0x1, v4  }
0x36b: {  	v7 =	vld.idx.msk [tilespmem:v41+s4+$0x0], $0xffff;
	[tilespmem:s31+$0x30D0] =	vst v42  }
0x36c: {  	v14 =	vld.idx.msk [tilespmem:v39+s4+$0x0], $0xffff;
	v47 =	vor.u32 $0x2, v32;
	[tilespmem:s29+$0x30D0] =	vst v10  }
0x36d: {  	v10 =	vld.idx.msk [tilespmem:v43+s4+$0x0], $0xffff;
	[tilespmem:s26+$0x3250] =	vst v2  }
0x36e: {  	v48 =	vor.u32 $0x2, v1;
	v2 =	vld.idx.msk [tilespmem:v35+s4+$0x0], $0xffff;
	[tilespmem:s7+$0x30D0] =	vst v36  }
0x36f: {  	v45 =	vor.u32 $0x2, v3;
	[tilespmem:s28+$0x3250] =	vst v0;
	v13 =	vld.idx.msk [tilespmem:v38+s4+$0x0], $0xffff  }
0x370: {  	v54 =	vld [tilespmem:s11+$0x8E0];
	v46 =	vor.u32 $0x2, v4;
	[tilespmem:s30+$0x3150] =	vst v7  }
0x371: {  	v9 =	vld.idx.msk [tilespmem:v47+s4+$0x0], $0xffff  }
0x372: {  	v6 =	vor.u32 $0x3, v32;
	v37 =	vld [tilespmem:s15+$0x8E0];
	[tilespmem:s31+$0x3150] =	vst v10  }
0x373: {  	v52 =	vor.u32 $0x3, v25;
	[tilespmem:s29+$0x3150] =	vst v2;
	v2 =	vld.idx.msk [tilespmem:v48+s4+$0x0], $0xffff  }
0x374: {  	v1 =	vor.u32 $0x3, v1;
	v5 =	vld.idx.msk [tilespmem:v45+s4+$0x0], $0xffff;
	[tilespmem:s7+$0x3150] =	vst v13  }
0x375: {  	v3 =	vor.u32 $0x3, v3;
	v13 =	vld.idx.msk [tilespmem:v46+s4+$0x0], $0xffff  }
0x376: {  	v4 =	vor.u32 $0x3, v4;
	[tilespmem:s30+$0x31D0] =	vst v9  }
0x377: {  	[tilespmem:s25+$0x31E0] =	vst v14;
	v12 =	vshll.u32 v37, $0x2;
	v6 =	vld.idx.msk [tilespmem:v6+s4+$0x0], $0xffff  }
0x378: {  	v7 =	vld.idx.msk [tilespmem:v52+s4+$0x0], $0xffff;
	[tilespmem:s31+$0x31D0] =	vst v2  }
0x379: {  	v57 =	vshll.u32 v54, $0x2;
	[tilespmem:s29+$0x31D0] =	vst v5;
	v53 =	vld.idx.msk [tilespmem:v1+s4+$0x0], $0xffff  }
0x37a: {  	v3 =	vld.idx.msk [tilespmem:v3+s4+$0x0], $0xffff;
	[tilespmem:s7+$0x31D0] =	vst v13  }
0x37b: {  	v4 =	vld.idx.msk [tilespmem:v4+s4+$0x0], $0xffff  }
0x37c: {  	v49 =	vld.idx.msk [tilespmem:v12+s4+$0x0], $0xffff;
	[tilespmem:s30+$0x3250] =	vst v6  }
0x37d: {  	v50 =	vor.u32 $0x1, v12;
	v6 =	vld [tilespmem:s10+$0x8E0]  }
0x37e: {  	v60 =	vld.idx.msk [tilespmem:v57+s4+$0x0], $0xffff;
	[tilespmem:s31+$0x3250] =	vst v53  }
0x37f: {  	[tilespmem:s29+$0x3250] =	vst v3;
	v58 =	vld [tilespmem:s22+$0x8E0]  }
0x380: {  	v55 =	vld [tilespmem:s12+$0x8E0];
	[tilespmem:s7+$0x3250] =	vst v4  }
0x381: {  	v61 =	vor.u32 $0x1, v57;
	[tilespmem:s26+$0x30E0] =	vst v49;
	v4 =	vld [tilespmem:s21+$0x8E0]  }
0x382: {  	v51 =	vld.idx.msk [tilespmem:v50+s4+$0x0], $0xffff;
	v6 =	vshll.u32 v6, $0x2  }
0x383: {  	v56 =	vor.u32 $0x2, v12  }
0x384: {  	[tilespmem:s25+$0x3260] =	vst v7;
	v1 =	vshll.u32 v58, $0x2  }
0x385: {  	v7 =	vld [tilespmem:s8+$0x8F0];
	[tilespmem:s28+$0x30E0] =	vst v60;
	v2 =	vshll.u32 v55, $0x2  }
0x386: {  	v9 =	vld.idx.msk [tilespmem:v61+s4+$0x0], $0xffff;
	v4 =	vshll.u32 v4, $0x2  }
0x387: {  	v24 =	vor.u32 $0x2, v57;
	[tilespmem:s26+$0x3160] =	vst v51;
	v20 =	vld.idx.msk [tilespmem:v6+s4+$0x0], $0xffff  }
0x388: {  	v21 =	vor.u32 $0x1, v6;
	v3 =	vld.idx.msk [tilespmem:v56+s4+$0x0], $0xffff  }
0x389: {  	v59 =	vor.u32 $0x3, v12;
	v22 =	vld.idx.msk [tilespmem:v1+s4+$0x0], $0xffff  }
0x38a: {  	v23 =	vor.u32 $0x1, v1;
	v62 =	vld.idx.msk [tilespmem:v2+s4+$0x0], $0xffff  }
0x38b: {  	[tilespmem:s28+$0x3160] =	vst v9;
	v63 =	vor.u32 $0x1, v2;
	v18 =	vld.idx.msk [tilespmem:v4+s4+$0x0], $0xffff  }
0x38c: {  	v29 =	vld.idx.msk [tilespmem:v24+s4+$0x0], $0xffff;
	[tilespmem:s30+$0x30E0] =	vst v20;
	v19 =	vor.u32 $0x1, v4  }
0x38d: {  	v7 =	vshll.u32 v7, $0x2;
	[tilespmem:s26+$0x31E0] =	vst v3;
	v8 =	vld.idx.msk [tilespmem:v21+s4+$0x0], $0xffff  }
0x38e: {  	v28 =	vor.u32 $0x2, v6;
	v5 =	vld.idx.msk [tilespmem:v59+s4+$0x0], $0xffff;
	[tilespmem:s31+$0x30E0] =	vst v22  }
0x38f: {  	[tilespmem:s29+$0x30E0] =	vst v62;
	v10 =	vld.idx.msk [tilespmem:v23+s4+$0x0], $0xffff  }
0x390: {  	v30 =	vor.u32 $0x2, v1;
	v3 =	vld.idx.msk [tilespmem:v63+s4+$0x0], $0xffff;
	[tilespmem:s7+$0x30E0] =	vst v18  }
0x391: {  	v25 =	vor.u32 $0x2, v2;
	v11 =	vld.idx.msk [tilespmem:v19+s4+$0x0], $0xffff  }
0x392: {  	v31 =	vld.idx.msk [tilespmem:v7+s4+$0x0], $0xffff;
	v27 =	vor.u32 $0x2, v4;
	[tilespmem:s30+$0x3160] =	vst v8  }
0x393: {  	v0 =	vor.u32 $0x3, v57;
	[tilespmem:s26+$0x3260] =	vst v5;
	v9 =	vld.idx.msk [tilespmem:v28+s4+$0x0], $0xffff  }
0x394: {  	v32 =	vor.u32 $0x1, v7;
	v26 =	vld [tilespmem:s15+$0x8F0];
	[tilespmem:s31+$0x3160] =	vst v10  }
0x395: {  	v6 =	vor.u32 $0x3, v6;
	[tilespmem:s29+$0x3160] =	vst v3;
	v3 =	vld.idx.msk [tilespmem:v30+s4+$0x0], $0xffff  }
0x396: {  	v1 =	vor.u32 $0x3, v1;
	v5 =	vld.idx.msk [tilespmem:v25+s4+$0x0], $0xffff;
	[tilespmem:s7+$0x3160] =	vst v11  }
0x397: {  	[tilespmem:s28+$0x31E0] =	vst v29;
	v2 =	vor.u32 $0x3, v2;
	v11 =	vld.idx.msk [tilespmem:v27+s4+$0x0], $0xffff  }
0x398: {  	v0 =	vld.idx.msk [tilespmem:v0+s4+$0x0], $0xffff;
	[tilespmem:s25+$0x30F0] =	vst v31;
	v4 =	vor.u32 $0x3, v4  }
0x399: {  	v33 =	vld.idx.msk [tilespmem:v32+s4+$0x0], $0xffff;
	[tilespmem:s30+$0x31E0] =	vst v9  }
0x39a: {  	v6 =	vld.idx.msk [tilespmem:v6+s4+$0x0], $0xffff;
	v41 =	vshll.u32 v26, $0x2;
	[tilespmem:s31+$0x31E0] =	vst v3  }
0x39b: {  	[tilespmem:s29+$0x31E0] =	vst v5;
	v35 =	vld.idx.msk [tilespmem:v1+s4+$0x0], $0xffff  }
0x39c: {  	v2 =	vld.idx.msk [tilespmem:v2+s4+$0x0], $0xffff;
	[tilespmem:s7+$0x31E0] =	vst v11  }
0x39d: {  	[tilespmem:s28+$0x3260] =	vst v0;
	v4 =	vld.idx.msk [tilespmem:v4+s4+$0x0], $0xffff  }
0x39e: {  	v36 =	vld [tilespmem:s11+$0x8F0]  }
0x39f: {  	[tilespmem:s30+$0x3260] =	vst v6;
	v42 =	vld.idx.msk [tilespmem:v41+s4+$0x0], $0xffff  }
0x3a0: {  	v39 =	vld [tilespmem:s10+$0x8F0];
	[tilespmem:s31+$0x3260] =	vst v35  }
0x3a1: {  	[tilespmem:s29+$0x3260] =	vst v2;
	v0 =	vld [tilespmem:s22+$0x8F0]  }
0x3a2: {  	v34 =	vor.u32 $0x2, v7;
	v2 =	vld [tilespmem:s12+$0x8F0];
	[tilespmem:s7+$0x3260] =	vst v4  }
0x3a3: {  	v1 =	vshll.u32 v36, $0x2;
	v37 =	vld [tilespmem:s21+$0x8F0]  }
0x3a4: {  	v43 =	vor.u32 $0x1, v41  }
0x3a5: {  	v5 =	vshll.u32 v39, $0x2  }
0x3a6: {  	[tilespmem:s25+$0x3170] =	vst v33;
	v0 =	vshll.u32 v0, $0x2  }
0x3a7: {  	v38 =	vld.idx.msk [tilespmem:v34+s4+$0x0], $0xffff;
	v2 =	vshll.u32 v2, $0x2  }
0x3a8: {  	v44 =	vld.idx.msk [tilespmem:v1+s4+$0x0], $0xffff;
	[tilespmem:s26+$0x30F0] =	vst v42;
	v3 =	vshll.u32 v37, $0x2  }
0x3a9: {  	v40 =	vor.u32 $0x3, v7;
	v8 =	vld.idx.msk [tilespmem:v43+s4+$0x0], $0xffff  }
0x3aa: {  	v45 =	vor.u32 $0x1, v1;
	v50 =	vld.idx.msk [tilespmem:v5+s4+$0x0], $0xffff  }
0x3ab: {  	v51 =	vor.u32 $0x1, v5;
	v52 =	vld.idx.msk [tilespmem:v0+s4+$0x0], $0xffff  }
0x3ac: {  	[tilespmem:s25+$0x31F0] =	vst v38;
	v53 =	vor.u32 $0x1, v0;
	v46 =	vld.idx.msk [tilespmem:v2+s4+$0x0], $0xffff  }
0x3ad: {  	[tilespmem:s28+$0x30F0] =	vst v44;
	v47 =	vor.u32 $0x1, v2;
	v48 =	vld.idx.msk [tilespmem:v3+s4+$0x0], $0xffff  }
0x3ae: {  	v4 =	vld.idx.msk [tilespmem:v40+s4+$0x0], $0xffff;
	[tilespmem:s26+$0x3170] =	vst v8;
	v49 =	vor.u32 $0x1, v3  }
0x3af: {  	v54 =	vor.u32 $0x2, v41;
	v10 =	vld.idx.msk [tilespmem:v45+s4+$0x0], $0xffff;
	[tilespmem:s30+$0x30F0] =	vst v50  }
0x3b0: {  	v55 =	vor.u32 $0x2, v1;
	v6 =	vld.idx.msk [tilespmem:v51+s4+$0x0], $0xffff;
	[tilespmem:s31+$0x30F0] =	vst v52  }
0x3b1: {  	v58 =	vor.u32 $0x2, v5;
	[tilespmem:s29+$0x30F0] =	vst v46;
	v9 =	vld.idx.msk [tilespmem:v53+s4+$0x0], $0xffff  }
0x3b2: {  	v59 =	vor.u32 $0x2, v0;
	v12 =	vld.idx.msk [tilespmem:v47+s4+$0x0], $0xffff;
	[tilespmem:s7+$0x30F0] =	vst v48  }
0x3b3: {  	v56 =	vor.u32 $0x2, v2;
	[tilespmem:s25+$0x3270] =	vst v4;
	v4 =	vld.idx.msk [tilespmem:v49+s4+$0x0], $0xffff  }
0x3b4: {  	v11 =	vld.idx.msk [tilespmem:v54+s4+$0x0], $0xffff;
	[tilespmem:s28+$0x3170] =	vst v10;
	v57 =	vor.u32 $0x2, v3  }
0x3b5: {  	v7 =	vor.u32 $0x3, v41;
	v60 =	vld.idx.msk [tilespmem:v55+s4+$0x0], $0xffff;
	[tilespmem:s30+$0x3170] =	vst v6  }
0x3b6: {  	v1 =	vor.u32 $0x3, v1;
	v8 =	vld.idx.msk [tilespmem:v58+s4+$0x0], $0xffff;
	[tilespmem:s31+$0x3170] =	vst v9  }
0x3b7: {  	v5 =	vor.u32 $0x3, v5;
	[tilespmem:s29+$0x3170] =	vst v12;
	v9 =	vld.idx.msk [tilespmem:v59+s4+$0x0], $0xffff  }
0x3b8: {  	v0 =	vor.u32 $0x3, v0;
	v61 =	vld.idx.msk [tilespmem:v56+s4+$0x0], $0xffff;
	[tilespmem:s7+$0x3170] =	vst v4  }
0x3b9: {  	v2 =	vor.u32 $0x3, v2;
	[tilespmem:s26+$0x31F0] =	vst v11;
	v62 =	vld.idx.msk [tilespmem:v57+s4+$0x0], $0xffff  }
0x3ba: {  	v7 =	vld.idx.msk [tilespmem:v7+s4+$0x0], $0xffff;
	v3 =	vor.u32 $0x3, v3;
	[tilespmem:s28+$0x31F0] =	vst v60  }
0x3bb: {  	v1 =	vld.idx.msk [tilespmem:v1+s4+$0x0], $0xffff;
	[tilespmem:s30+$0x31F0] =	vst v8  }
0x3bc: {  	v63 =	vld.idx.msk [tilespmem:v5+s4+$0x0], $0xffff;
	[tilespmem:s31+$0x31F0] =	vst v9  }
0x3bd: {  	[tilespmem:s29+$0x31F0] =	vst v61;
	v0 =	vld.idx.msk [tilespmem:v0+s4+$0x0], $0xffff  }
0x3be: {  	v2 =	vld.idx.msk [tilespmem:v2+s4+$0x0], $0xffff;
	[tilespmem:s7+$0x31F0] =	vst v62  }
0x3bf: {  	p1 =	por p0, p0;
	[tilespmem:s26+$0x3270] =	vst v7;
	v3 =	vld.idx.msk [tilespmem:v3+s4+$0x0], $0xffff  }
.Ltmp4:
0x3c0: {  	[tilespmem:s28+$0x3270] =	vst v1;
	(pc) =	sbr.rel @p1 .LBB2_9-.Ltmp4, $4  }
0x3c1: {  	[tilespmem:s30+$0x3270] =	vst v63  }
0x3c2: {  	[tilespmem:s31+$0x3270] =	vst v0  }
0x3c3: {  	[tilespmem:s29+$0x3270] =	vst v2  }
0x3c4: {  	p0 =	por $0x0, $0x0;
	s0 =	simm.s32 $0x8;
	[tilespmem:s7+$0x3270] =	vst v3  }
0x3c5: {  	s23 =	sadd.s32 $0x1, s23  }
0x3c6: {  	p0 =	sne.s32 s23, $0x19  }
.Ltmp5:
0x3c7: {  	s0 =	sshll.u32 s24, $0x10;
	(pc) =	sbr.rel @p0 .LBB2_2-.Ltmp5, $4  }
0x3c8: {  	s0 =	sor.u32 s9, s0  }
0x3c9: {  	s0 =	sshrl.u32 s0, $0x3  }
0x3ca: {  	s1 =	simm.s32 $0x3080;
	s0 =	sadd.s32 s3, s0  }
0x3cb: {  	[hbm4b:s0+s4] =	stream.linear.scatter [tilespmem:s1], [sflag:$0x4], $0x2000, $0x38;
	[tilespmem:$0x5080] =	vst v63  }
0x3cc: {  	s0 =	simm.s32 $0x3  }
0x3cd: {  	_ =	swait.ge [sflag:s0], $0x2000  }
0x3ce: {  	[sflag:s0] =	ssyncset.done $0x0  }
0x3cf: {  	[sflag:s0] =	ssyncadd.s32 $0xFFFFE000  }
0x3d0: {  	_ =	swait.ge [sflag:s19], $0x2000  }
0x3d1: {  	s1 =	rddreg [dreg:$0x8]  }
0x3d2: {  	s31 =	rddreg [dreg:$0x7];
	s1 =	sadd.s32 $0x1, s1  }
0x3d3: {  	p0 =	sne.s32 s1, s31  }
.Ltmp6:
0x3d4: {  	_ = 	snop;
	(pc) =	sbr.rel @p0 .LBB2_1-.Ltmp6, $3  }
0x3d5: {  	_ =	sdelay $0x1  }
0x3d6: {  	[sflag:s19] =	ssyncset.done $0x0  }
0x3d7: {  	[sflag:s19] =	ssyncadd.s32 $0xFFFFE000  }
0x3d8: {  	_ =	sfence.sel $0x180000  }
0x3d9: {  	[bflag:$0x0] =	sbarrier.arrive $0xFFFF  }
0x3da: {  	_ =	strace $0x90000047  }
0x3db: {  	s0 =	stileid.u32;
	[bflag:$0x2] =	sbarrier.arrive $0xFFFF  }
0x3dc: {  	p0 =	sne.s32 s0, $0x0;
	s0 =	rddreg [dreg:$0x3]  }
0x3dd: {  	s0 =	sadd.s32 @!p0 $0x100000, s0  }
0x3de: {  	[sflag:s0] =	ssyncadd.tile.s32 @!p0 $0x1;
	_ =	shalt  }
.Lfunc_end2:
_tile_overlayer_lowered:
.L_overlay_start_2:
0x3df: {  	(tag) =	ssettag $0x2  }
0x3e0: {  	s0 =	rddreg [dreg:$0x0];
	s2 =	stileid.u32  }
0x3e1: {  	s1 =	rddreg [dreg:$0x1];
	p0 =	sne.s32 s2, $0x0  }
0x3e2: {  	s3 =	rddreg [dreg:$0x2];
	[bflag:$0x3] =	sbarrier.arrive $0xFFFF;
	s2 =	simm.s32 @!p0 $0x1C05  }
0x3e3: {  	[timem:s3], [sflag:s2] =	dma.local @!p0 [hbm:s0], s1  }
0x3e4: {  	s0 =	simm.s32 @!p0 $0x5  }
0x3e5: {  	_ =	swait.ge @!p0 [sflag:s0], s1  }
0x3e6: {  	s1 =	ssub.s32 @!p0 $0x0, s1;
	[sflag:s0] =	ssyncset.done @!p0 $0x0  }
0x3e7: {  	[sflag:s0] =	ssyncadd.s32 @!p0 s1  }
0x3e8: {  	[bflag:$0x3] =	sbarrier.arrive $0xFFFF  }
0x3e9: {  	_ =	shalt  }

</sc_bundles>
